<compile_context>
chip_gen: v7x
topology: tpu7x:2x2x1
jax: 0.10.2.dev20260603
libtpu: 0.0.44.dev20260713+nightly
codegen_flags: <defaults>
</compile_context>

<pallas_src>
import functools

import jax
import jax.numpy as jnp
from jax import lax
from jax.experimental import pallas as pl
from jax.experimental.pallas import tpu as pltpu
from jax.experimental.pallas import tpu_sc as plsc

_L = 32
_H = 128
_R = 11
_IN = 128
_OUT = 128

_N_WORKERS = 32

_SPLITS = 2

_BLK = 1000


def _sc_gather(table, idx_flat, chunk, sub):
    total = idx_flat.shape[0]
    d = table.shape[1]
    per_w = total // _N_WORKERS
    n_chunks = per_w // chunk
    n_pairs = (n_chunks - 1) // 2
    mesh = plsc.VectorSubcoreMesh(core_axis_name="c", subcore_axis_name="s")

    @functools.partial(
        pl.kernel,
        mesh=mesh,
        out_type=jax.ShapeDtypeStruct((total, d), jnp.float32),
        scratch_types=[
            pltpu.VMEM((per_w,), jnp.int32),
            pltpu.VMEM((chunk, d), jnp.float32),
            pltpu.VMEM((chunk, d), jnp.float32),
            pltpu.SemaphoreType.DMA,
            pltpu.SemaphoreType.DMA,
            pltpu.SemaphoreType.DMA,
            pltpu.SemaphoreType.DMA,
        ],
    )
    def gather_kernel(table_hbm, idx_hbm, out_hbm, idx_all, rows0, rows1,
                      sg0, sg1, ss0, ss1):
        wid = lax.axis_index("s") * 2 + lax.axis_index("c")
        base = wid * per_w
        pltpu.sync_copy(idx_hbm.at[pl.ds(base, per_w)], idx_all)

        def fire_gather(c, rows_buf, sem):
            for k in range(chunk // sub):
                pltpu.async_copy(
                    table_hbm.at[idx_all.at[pl.ds(c * chunk + k * sub, sub)]],
                    rows_buf.at[pl.ds(k * sub, sub)],
                    sem,
                )

        def drain_gather(rows_buf, sem):
            pltpu.make_async_copy(out_hbm.at[pl.ds(base, chunk)], rows_buf, sem).wait()

        def fire_store(c, rows_buf, sem):
            pltpu.async_copy(rows_buf, out_hbm.at[pl.ds(base + c * chunk, chunk)], sem)

        def drain_store(rows_buf, sem):
            pltpu.make_async_copy(rows_buf, out_hbm.at[pl.ds(base, chunk)], sem).wait()

        fire_gather(0, rows0, sg0)

        def body(p, carry):
            a = 2 * p + 1
            b = 2 * p + 2

            @pl.when(p > 0)
            def _():
                drain_store(rows1, ss1)
            fire_gather(a, rows1, sg1)
            drain_gather(rows0, sg0)
            fire_store(2 * p, rows0, ss0)
            drain_store(rows0, ss0)
            fire_gather(b, rows0, sg0)
            drain_gather(rows1, sg1)
            fire_store(a, rows1, ss1)
            return carry

        lax.fori_loop(0, n_pairs, body, 0)

        drain_gather(rows0, sg0)
        fire_store(n_chunks - 1, rows0, ss0)
        drain_store(rows0, ss0)
        drain_store(rows1, ss1)

    return gather_kernel(table, idx_flat)


_U = 8


def _tc_body(xg_ref, rels_ref, adj_ref, wih_ref, whh_ref, wflat_ref, out_ref,
             h_ref, c_ref, s_ref):
    tb = pl.program_id(1)

    @pl.when(tb == 0)
    def _init():
        h_ref[...] = jnp.zeros_like(h_ref)
        c_ref[...] = jnp.zeros_like(c_ref)
        s_ref[...] = jnp.zeros_like(s_ref)

    blk = adj_ref.shape[0]
    row = lax.broadcasted_iota(jnp.int32, (_L, 128), 0)
    col = lax.broadcasted_iota(jnp.int32, (_L, 128), 1)
    onehot = jnp.where((row == tb * _U + col) & (col < _U), 1.0, 0.0)
    cols_rel = jnp.dot(rels_ref[...], onehot, preferred_element_type=jnp.float32)
    adj_all = adj_ref[...]
    adj_hi = adj_all.astype(jnp.bfloat16).astype(jnp.float32)
    cols_adj = (jnp.dot(adj_hi, onehot, preferred_element_type=jnp.float32)
                + jnp.dot(adj_all - adj_hi, onehot, preferred_element_type=jnp.float32))

    h = h_ref[...]
    c = c_ref[...]
    for u in range(_U):
        x_u = xg_ref[:, u, :]
        gates = jnp.dot(x_u, wih_ref[...], preferred_element_type=jnp.float32)
        gates = gates + jnp.dot(h, whh_ref[...], preferred_element_type=jnp.float32)
        i_g = jax.nn.sigmoid(gates[:, 0:_H])
        f_g = jax.nn.sigmoid(gates[:, _H:2 * _H])
        g_g = jnp.tanh(gates[:, 2 * _H:3 * _H])
        o_g = jax.nn.sigmoid(gates[:, 3 * _H:4 * _H])
        c = f_g * c + i_g * g_g
        h = o_g * jnp.tanh(c)
        rel_u = jnp.broadcast_to(cols_rel[:, u:u + 1], (blk, _H))
        adj_u = jnp.broadcast_to(cols_adj[:, u:u + 1], (blk, _H))
        w_u = adj_u * h
        for r in range(_R):
            s_ref[:, r * _H:(r + 1) * _H] += jnp.where(rel_u == r, w_u, 0.0)
    h_ref[...] = h
    c_ref[...] = c

    @pl.when(tb == _L // _U - 1)
    def _finish():
        out_ref[...] = jnp.maximum(
            jnp.dot(s_ref[...], wflat_ref[...], preferred_element_type=jnp.float32),
            0.0,
        )


def _tc_lstm_rgc(xg3, rels, adj, wih_t, whh_t, wflat, interpret=False):
    n = rels.shape[0]
    grid = (n // _BLK, _L // _U)
    return pl.pallas_call(
        _tc_body,
        grid=grid,
        in_specs=[
            pl.BlockSpec((_BLK, _U, _IN), lambda i, t: (i, t, 0)),
            pl.BlockSpec((_BLK, _L), lambda i, t: (i, 0)),
            pl.BlockSpec((_BLK, _L), lambda i, t: (i, 0)),
            pl.BlockSpec((_IN, 4 * _H), lambda i, t: (0, 0)),
            pl.BlockSpec((_H, 4 * _H), lambda i, t: (0, 0)),
            pl.BlockSpec((_R * _H, _OUT), lambda i, t: (0, 0)),
        ],
        out_specs=pl.BlockSpec((_BLK, _OUT), lambda i, t: (i, 0)),
        out_shape=jax.ShapeDtypeStruct((n, _OUT), jnp.float32),
        scratch_shapes=[
            pltpu.VMEM((_BLK, _H), jnp.float32),
            pltpu.VMEM((_BLK, _H), jnp.float32),
            pltpu.VMEM((_BLK, _R * _H), jnp.float32),
        ],
        interpret=interpret,
    )(xg3, rels, adj, wih_t, whh_t, wflat)


def kernel(features, neighbor_ids, neighbor_rels, adj_weights, W_ih, W_hh, rgc_weights):
    n, l = neighbor_ids.shape
    ids = neighbor_ids.astype(jnp.int32)
    rels_f = neighbor_rels.astype(jnp.float32)
    adj = adj_weights.astype(jnp.float32)
    wih_t = W_ih.T
    whh_t = W_hh.T
    wflat = rgc_weights.reshape(_R * _H, _OUT)

    seg = n // _SPLITS
    per_w = seg * l // _N_WORKERS
    chunk = 400
    while per_w % chunk or (per_w // chunk) % 2 == 0:
        chunk //= 2
    sub = chunk // 5

    outs = []
    for k in range(_SPLITS):
        sl = slice(k * seg, (k + 1) * seg)
        idx_flat = ids[sl].reshape(-1)
        xg = _sc_gather(features, idx_flat, chunk, sub)
        xg3 = xg.reshape(seg, l, _IN)
        outs.append(_tc_lstm_rgc(xg3, rels_f[sl], adj[sl], wih_t, whh_t, wflat))
    if _SPLITS == 1:
        return outs[0]
    return jnp.concatenate(outs, axis=0)

# --- scband reference (transcript-rebuilt; emitter-appended) ---
"""Pipeline reference for scband-lstmrelational-graph-convolution-67336497266759 (READ-ONLY COPY).

The authoritative reference and input builder live on the scoring server;
editing this copy changes nothing except your own understanding.
"""

import jax, jax.numpy as jnp
import numpy as np

N_NODES = 10000
NUM_RELATIONS = 11
IN_DIM = 128
HIDDEN_DIM = 128
OUT_DIM = 128
SEQ_LEN = 32


def setup_inputs(seed: int = 0) -> dict:
    key = jax.random.key(seed)
    k1, k2, k3, k4, k5, k6, k7 = jax.random.split(key, 7)
    features = jax.random.normal(k1, (N_NODES, IN_DIM), dtype=jnp.float32)
    neighbor_ids = jax.random.randint(k2, (N_NODES, SEQ_LEN), 0, N_NODES, dtype=jnp.int64)
    neighbor_rels = jax.random.randint(k3, (N_NODES, SEQ_LEN), 0, NUM_RELATIONS, dtype=jnp.int64)
    adj_weights = jax.random.uniform(k4, (N_NODES, SEQ_LEN), dtype=jnp.float32)
    # Learned parameters (PyTorch LSTM gate layout: i, f, g, o; bias disabled since b_init=None)
    W_ih = jax.random.normal(k5, (4 * HIDDEN_DIM, IN_DIM), dtype=jnp.float32) * (1.0 / np.sqrt(IN_DIM))
    W_hh = jax.random.normal(k6, (4 * HIDDEN_DIM, HIDDEN_DIM), dtype=jnp.float32) * (1.0 / np.sqrt(HIDDEN_DIM))
    rgc_weights = jax.random.normal(k7, (NUM_RELATIONS, HIDDEN_DIM, OUT_DIM), dtype=jnp.float32) * (1.0 / np.sqrt(HIDDEN_DIM))
    return {
        "features": features,
        "neighbor_ids": neighbor_ids,
        "neighbor_rels": neighbor_rels,
        "adj_weights": adj_weights,
        "W_ih": W_ih,
        "W_hh": W_hh,
        "rgc_weights": rgc_weights,
    }


def reference(features, neighbor_ids, neighbor_rels, adj_weights, W_ih, W_hh, rgc_weights):
    N, L = neighbor_ids.shape
    H = W_hh.shape[1]
    R = rgc_weights.shape[0]
    # 1) gather neighbor feature sequences (F.embedding on feat_embeddings)
    neighbor_features = jnp.take(features, neighbor_ids, axis=0)  # [N, L, IN_DIM]
    # 2) LSTM over each node's neighbor sequence (batch_first, no bias)
    x_seq = jnp.transpose(neighbor_features, (1, 0, 2))  # [L, N, IN_DIM]

    def lstm_step(carry, x_t):
        h, c = carry
        gates = x_t @ W_ih.T + h @ W_hh.T  # [N, 4H]
        i_g, f_g, g_g, o_g = jnp.split(gates, 4, axis=-1)
        i_g = jax.nn.sigmoid(i_g)
        f_g = jax.nn.sigmoid(f_g)
        g_g = jnp.tanh(g_g)
        o_g = jax.nn.sigmoid(o_g)
        c_new = (f_g * c + i_g * g_g).astype(c.dtype)
        h_new = (o_g * jnp.tanh(c_new)).astype(h.dtype)
        return (h_new, c_new), h_new

    init = (jnp.zeros((N, H), dtype=features.dtype), jnp.zeros((N, H), dtype=features.dtype))
    _, hs = jax.lax.scan(lstm_step, init, x_seq)  # [L, N, H]
    hs = jnp.transpose(hs, (1, 0, 2))  # [N, L, H] : h_j per (s, neighbor) pair
    # 3) relational aggregation: output[s] += (h_j @ W[rel]) * adj[s, j]
    #    implemented as scatter-add into per-(relation, node) buckets, then per-relation matmul
    weighted = (hs * adj_weights[..., None]).reshape(N * L, H)  # [N*L, H]
    flat_rels = neighbor_rels.reshape(-1)  # [N*L]
    flat_src = jnp.repeat(jnp.arange(N, dtype=jnp.int32), L)  # [N*L]
    acc = jnp.zeros((R, N, H), dtype=features.dtype).at[flat_rels, flat_src].add(weighted)
    output = jnp.einsum('rnh,rho->no', acc, rgc_weights)  # [N, OUT_DIM]
    # no bias (b_init=None); activation relu
    return jax.nn.relu(output)

if __name__ == "__main__":
    import jax
    _d = setup_inputs()
    print(jax.jit(kernel)(*tuple(_d.values())))

</pallas_src>

<mosaic_0001>
#map = affine_map<(d0, d1) -> (0, 0)>
#map1 = affine_map<(d0, d1) -> (0)>
module attributes {stable_mosaic.version = 14 : i64} {
  func.func @gather_kernel(%arg0: i32, %arg1: i32, %arg2: memref<10000x128xf32, #tpu.memory_space<hbm>>, %arg3: memref<160000xi32, #tpu.memory_space<hbm>>, %arg4: memref<160000x128xf32, #tpu.memory_space<hbm>>, %arg5: memref<5000xi32, #tpu.memory_space<vmem>>, %arg6: memref<200x128xf32, #tpu.memory_space<vmem>>, %arg7: memref<200x128xf32, #tpu.memory_space<vmem>>, %arg8: memref<!tpu.dma_semaphore, #tpu.memory_space<semaphore_mem>>, %arg9: memref<!tpu.dma_semaphore, #tpu.memory_space<semaphore_mem>>, %arg10: memref<!tpu.dma_semaphore, #tpu.memory_space<semaphore_mem>>, %arg11: memref<!tpu.dma_semaphore, #tpu.memory_space<semaphore_mem>>) attributes {dimension_semantics = [#tpu.dimension_semantics<core_parallel>, #tpu.dimension_semantics<subcore_parallel>], iteration_bounds = array<i64: 2, 16>, scalar_prefetch = 0 : i64, scratch_operands = 7 : i64, tpu.core_type = #tpu.core_type<sc_vector_subcore>, window_params = [{transform_indices = #map}, {transform_indices = #map1}, {transform_indices = #map}]} {
    %mul3A = arith.constant 2 : i32
    %mul3A_0 = arith.muli %arg1, %mul3A : i32
    %add3A = arith.addi %mul3A_0, %arg0 : i32
    %mul3A_1 = arith.constant 5000 : i32
    %mul3A_2 = arith.muli %add3A, %mul3A_1 : i32
    "tpu.region"() ({
      %run_scoped3A = tpu.sem_alloc : memref<!tpu.dma_semaphore, #tpu.memory_space<semaphore_mem>>
      %dma_start3A_64 = tpu.memref_slice %arg3[%mul3A_2] : memref<160000xi32, #tpu.memory_space<hbm>> -> memref<5000xi32, #tpu.memory_space<hbm>>
      %dma_start3A_65 = tpu.memref_slice %arg3[%mul3A_2] : memref<160000xi32, #tpu.memory_space<hbm>> -> memref<5000xi32, #tpu.memory_space<hbm>>
      tpu.enqueue_dma source(%dma_start3A_65 : memref<5000xi32, #tpu.memory_space<hbm>>) target(%arg5 : memref<5000xi32, #tpu.memory_space<vmem>>) target_semaphore(%run_scoped3A : memref<!tpu.dma_semaphore, #tpu.memory_space<semaphore_mem>>)
      %dma_wait3A_66 = tpu.memref_slice %arg3[%mul3A_2] : memref<160000xi32, #tpu.memory_space<hbm>> -> memref<5000xi32, #tpu.memory_space<hbm>>
      %dma_wait3A_67 = tpu.memref_slice %arg3[%mul3A_2] : memref<160000xi32, #tpu.memory_space<hbm>> -> memref<5000xi32, #tpu.memory_space<hbm>>
      tpu.wait_dma2 semaphore(%run_scoped3A : memref<!tpu.dma_semaphore, #tpu.memory_space<semaphore_mem>>) src(%dma_wait3A_67 : memref<5000xi32, #tpu.memory_space<hbm>>) dst(%arg5 : memref<5000xi32, #tpu.memory_space<vmem>>)
      tpu.yield
    }) : () -> ()
    %dma_start3A = arith.constant 0 : i32
    %dma_start3A_3 = arith.constant 0 : i32
    %dma_start3A_4 = tpu.memref_slice %arg6[%dma_start3A, %dma_start3A_3] : memref<200x128xf32, #tpu.memory_space<vmem>> -> memref<40x128xf32, #tpu.memory_space<vmem>>
    %dma_start3A_5 = arith.constant 0 : i32
    %dma_start3A_6 = tpu.memref_slice %arg5[%dma_start3A_5] : memref<5000xi32, #tpu.memory_space<vmem>> -> memref<40xi32, #tpu.memory_space<vmem>>
    %dma_start3A_7 = arith.constant 0 : i32
    %dma_start3A_8 = arith.constant 0 : i32
    %dma_start3A_9 = tpu.memref_slice %arg2[%dma_start3A_7, %dma_start3A_8] : memref<10000x128xf32, #tpu.memory_space<hbm>> -> memref<10000x128xf32, #tpu.memory_space<hbm>>
    tpu.enqueue_indirect_dma source(%dma_start3A_9 : memref<10000x128xf32, #tpu.memory_space<hbm>>) target(%dma_start3A_4 : memref<40x128xf32, #tpu.memory_space<vmem>>) offsets(%dma_start3A_6 : memref<40xi32, #tpu.memory_space<vmem>>) semaphore(%arg8 : memref<!tpu.dma_semaphore, #tpu.memory_space<semaphore_mem>>)
    %dma_start3A_10 = arith.constant 40 : i32
    %dma_start3A_11 = arith.constant 0 : i32
    %dma_start3A_12 = tpu.memref_slice %arg6[%dma_start3A_10, %dma_start3A_11] : memref<200x128xf32, #tpu.memory_space<vmem>> -> memref<40x128xf32, #tpu.memory_space<vmem>>
    %dma_start3A_13 = arith.constant 40 : i32
    %dma_start3A_14 = tpu.memref_slice %arg5[%dma_start3A_13] : memref<5000xi32, #tpu.memory_space<vmem>> -> memref<40xi32, #tpu.memory_space<vmem>>
    %dma_start3A_15 = arith.constant 0 : i32
    %dma_start3A_16 = arith.constant 0 : i32
    %dma_start3A_17 = tpu.memref_slice %arg2[%dma_start3A_15, %dma_start3A_16] : memref<10000x128xf32, #tpu.memory_space<hbm>> -> memref<10000x128xf32, #tpu.memory_space<hbm>>
    tpu.enqueue_indirect_dma source(%dma_start3A_17 : memref<10000x128xf32, #tpu.memory_space<hbm>>) target(%dma_start3A_12 : memref<40x128xf32, #tpu.memory_space<vmem>>) offsets(%dma_start3A_14 : memref<40xi32, #tpu.memory_space<vmem>>) semaphore(%arg8 : memref<!tpu.dma_semaphore, #tpu.memory_space<semaphore_mem>>)
    %dma_start3A_18 = arith.constant 80 : i32
    %dma_start3A_19 = arith.constant 0 : i32
    %dma_start3A_20 = tpu.memref_slice %arg6[%dma_start3A_18, %dma_start3A_19] : memref<200x128xf32, #tpu.memory_space<vmem>> -> memref<40x128xf32, #tpu.memory_space<vmem>>
    %dma_start3A_21 = arith.constant 80 : i32
    %dma_start3A_22 = tpu.memref_slice %arg5[%dma_start3A_21] : memref<5000xi32, #tpu.memory_space<vmem>> -> memref<40xi32, #tpu.memory_space<vmem>>
    %dma_start3A_23 = arith.constant 0 : i32
    %dma_start3A_24 = arith.constant 0 : i32
    %dma_start3A_25 = tpu.memref_slice %arg2[%dma_start3A_23, %dma_start3A_24] : memref<10000x128xf32, #tpu.memory_space<hbm>> -> memref<10000x128xf32, #tpu.memory_space<hbm>>
    tpu.enqueue_indirect_dma source(%dma_start3A_25 : memref<10000x128xf32, #tpu.memory_space<hbm>>) target(%dma_start3A_20 : memref<40x128xf32, #tpu.memory_space<vmem>>) offsets(%dma_start3A_22 : memref<40xi32, #tpu.memory_space<vmem>>) semaphore(%arg8 : memref<!tpu.dma_semaphore, #tpu.memory_space<semaphore_mem>>)
    %dma_start3A_26 = arith.constant 120 : i32
    %dma_start3A_27 = arith.constant 0 : i32
    %dma_start3A_28 = tpu.memref_slice %arg6[%dma_start3A_26, %dma_start3A_27] : memref<200x128xf32, #tpu.memory_space<vmem>> -> memref<40x128xf32, #tpu.memory_space<vmem>>
    %dma_start3A_29 = arith.constant 120 : i32
    %dma_start3A_30 = tpu.memref_slice %arg5[%dma_start3A_29] : memref<5000xi32, #tpu.memory_space<vmem>> -> memref<40xi32, #tpu.memory_space<vmem>>
    %dma_start3A_31 = arith.constant 0 : i32
    %dma_start3A_32 = arith.constant 0 : i32
    %dma_start3A_33 = tpu.memref_slice %arg2[%dma_start3A_31, %dma_start3A_32] : memref<10000x128xf32, #tpu.memory_space<hbm>> -> memref<10000x128xf32, #tpu.memory_space<hbm>>
    tpu.enqueue_indirect_dma source(%dma_start3A_33 : memref<10000x128xf32, #tpu.memory_space<hbm>>) target(%dma_start3A_28 : memref<40x128xf32, #tpu.memory_space<vmem>>) offsets(%dma_start3A_30 : memref<40xi32, #tpu.memory_space<vmem>>) semaphore(%arg8 : memref<!tpu.dma_semaphore, #tpu.memory_space<semaphore_mem>>)
    %dma_start3A_34 = arith.constant 160 : i32
    %dma_start3A_35 = arith.constant 0 : i32
    %dma_start3A_36 = tpu.memref_slice %arg6[%dma_start3A_34, %dma_start3A_35] : memref<200x128xf32, #tpu.memory_space<vmem>> -> memref<40x128xf32, #tpu.memory_space<vmem>>
    %dma_start3A_37 = arith.constant 160 : i32
    %dma_start3A_38 = tpu.memref_slice %arg5[%dma_start3A_37] : memref<5000xi32, #tpu.memory_space<vmem>> -> memref<40xi32, #tpu.memory_space<vmem>>
    %dma_start3A_39 = arith.constant 0 : i32
    %dma_start3A_40 = arith.constant 0 : i32
    %dma_start3A_41 = tpu.memref_slice %arg2[%dma_start3A_39, %dma_start3A_40] : memref<10000x128xf32, #tpu.memory_space<hbm>> -> memref<10000x128xf32, #tpu.memory_space<hbm>>
    tpu.enqueue_indirect_dma source(%dma_start3A_41 : memref<10000x128xf32, #tpu.memory_space<hbm>>) target(%dma_start3A_36 : memref<40x128xf32, #tpu.memory_space<vmem>>) offsets(%dma_start3A_38 : memref<40xi32, #tpu.memory_space<vmem>>) semaphore(%arg8 : memref<!tpu.dma_semaphore, #tpu.memory_space<semaphore_mem>>)
    %scan3A = arith.constant 0 : i32
    %scan3A_42 = arith.constant 0 : i32
    %scan3A_43 = arith.constant 12 : i32
    %scan3A_44 = arith.addi %scan3A_42, %scan3A_43 : i32
    %scan3A_45 = arith.constant 1 : i32
    scf.for %scan3A_64 = %scan3A_42 to %scan3A_44 step %scan3A_45  : i32 {
      %mul3A_65 = arith.constant 2 : i32
      %mul3A_66 = arith.muli %mul3A_65, %scan3A_64 : i32
      %add3A_67 = arith.constant 1 : i32
      %add3A_68 = arith.addi %mul3A_66, %add3A_67 : i32
      %mul3A_69 = arith.constant 2 : i32
      %mul3A_70 = arith.muli %mul3A_69, %scan3A_64 : i32
      %add3A_71 = arith.constant 2 : i32
      %add3A_72 = arith.addi %mul3A_70, %add3A_71 : i32
      %gt3A = arith.constant 0 : i32
      %gt3A_73 = arith.cmpi sgt, %scan3A_64, %gt3A : i32
      %convert_element_type3A = arith.extui %gt3A_73 : i1 to i32
      %cond3A = arith.constant 0 : i32
      %cond3A_74 = arith.cmpi ne, %convert_element_type3A, %cond3A : i32
      scf.if %cond3A_74 {
        %dma_wait3A_213 = arith.constant 0 : i32
        %dma_wait3A_214 = tpu.memref_slice %arg4[%mul3A_2, %dma_wait3A_213] : memref<160000x128xf32, #tpu.memory_space<hbm>> -> memref<200x128xf32, #tpu.memory_space<hbm>>
        %dma_wait3A_215 = arith.constant 0 : i32
        %dma_wait3A_216 = tpu.memref_slice %arg4[%mul3A_2, %dma_wait3A_215] : memref<160000x128xf32, #tpu.memory_space<hbm>> -> memref<200x128xf32, #tpu.memory_space<hbm>>
        tpu.wait_dma2 semaphore(%arg11 : memref<!tpu.dma_semaphore, #tpu.memory_space<semaphore_mem>>) src(%arg7 : memref<200x128xf32, #tpu.memory_space<vmem>>) dst(%dma_wait3A_216 : memref<200x128xf32, #tpu.memory_space<hbm>>)
      } else {
      }
      %mul3A_75 = arith.constant 200 : i32
      %mul3A_76 = arith.muli %add3A_68, %mul3A_75 : i32
      %add3A_77 = arith.constant 0 : i32
      %add3A_78 = arith.addi %mul3A_76, %add3A_77 : i32
      %dma_start3A_79 = arith.constant 0 : i32
      %dma_start3A_80 = arith.constant 0 : i32
      %dma_start3A_81 = tpu.memref_slice %arg7[%dma_start3A_79, %dma_start3A_80] : memref<200x128xf32, #tpu.memory_space<vmem>> -> memref<40x128xf32, #tpu.memory_space<vmem>>
      %dma_start3A_82 = tpu.memref_slice %arg5[%add3A_78] : memref<5000xi32, #tpu.memory_space<vmem>> -> memref<40xi32, #tpu.memory_space<vmem>>
      %dma_start3A_83 = arith.constant 0 : i32
      %dma_start3A_84 = arith.constant 0 : i32
      %dma_start3A_85 = tpu.memref_slice %arg2[%dma_start3A_83, %dma_start3A_84] : memref<10000x128xf32, #tpu.memory_space<hbm>> -> memref<10000x128xf32, #tpu.memory_space<hbm>>
      tpu.enqueue_indirect_dma source(%dma_start3A_85 : memref<10000x128xf32, #tpu.memory_space<hbm>>) target(%dma_start3A_81 : memref<40x128xf32, #tpu.memory_space<vmem>>) offsets(%dma_start3A_82 : memref<40xi32, #tpu.memory_space<vmem>>) semaphore(%arg9 : memref<!tpu.dma_semaphore, #tpu.memory_space<semaphore_mem>>)
      %mul3A_86 = arith.constant 200 : i32
      %mul3A_87 = arith.muli %add3A_68, %mul3A_86 : i32
      %add3A_88 = arith.constant 40 : i32
      %add3A_89 = arith.addi %mul3A_87, %add3A_88 : i32
      %dma_start3A_90 = arith.constant 40 : i32
      %dma_start3A_91 = arith.constant 0 : i32
      %dma_start3A_92 = tpu.memref_slice %arg7[%dma_start3A_90, %dma_start3A_91] : memref<200x128xf32, #tpu.memory_space<vmem>> -> memref<40x128xf32, #tpu.memory_space<vmem>>
      %dma_start3A_93 = tpu.memref_slice %arg5[%add3A_89] : memref<5000xi32, #tpu.memory_space<vmem>> -> memref<40xi32, #tpu.memory_space<vmem>>
      %dma_start3A_94 = arith.constant 0 : i32
      %dma_start3A_95 = arith.constant 0 : i32
      %dma_start3A_96 = tpu.memref_slice %arg2[%dma_start3A_94, %dma_start3A_95] : memref<10000x128xf32, #tpu.memory_space<hbm>> -> memref<10000x128xf32, #tpu.memory_space<hbm>>
      tpu.enqueue_indirect_dma source(%dma_start3A_96 : memref<10000x128xf32, #tpu.memory_space<hbm>>) target(%dma_start3A_92 : memref<40x128xf32, #tpu.memory_space<vmem>>) offsets(%dma_start3A_93 : memref<40xi32, #tpu.memory_space<vmem>>) semaphore(%arg9 : memref<!tpu.dma_semaphore, #tpu.memory_space<semaphore_mem>>)
      %mul3A_97 = arith.constant 200 : i32
      %mul3A_98 = arith.muli %add3A_68, %mul3A_97 : i32
      %add3A_99 = arith.constant 80 : i32
      %add3A_100 = arith.addi %mul3A_98, %add3A_99 : i32
      %dma_start3A_101 = arith.constant 80 : i32
      %dma_start3A_102 = arith.constant 0 : i32
      %dma_start3A_103 = tpu.memref_slice %arg7[%dma_start3A_101, %dma_start3A_102] : memref<200x128xf32, #tpu.memory_space<vmem>> -> memref<40x128xf32, #tpu.memory_space<vmem>>
      %dma_start3A_104 = tpu.memref_slice %arg5[%add3A_100] : memref<5000xi32, #tpu.memory_space<vmem>> -> memref<40xi32, #tpu.memory_space<vmem>>
      %dma_start3A_105 = arith.constant 0 : i32
      %dma_start3A_106 = arith.constant 0 : i32
      %dma_start3A_107 = tpu.memref_slice %arg2[%dma_start3A_105, %dma_start3A_106] : memref<10000x128xf32, #tpu.memory_space<hbm>> -> memref<10000x128xf32, #tpu.memory_space<hbm>>
      tpu.enqueue_indirect_dma source(%dma_start3A_107 : memref<10000x128xf32, #tpu.memory_space<hbm>>) target(%dma_start3A_103 : memref<40x128xf32, #tpu.memory_space<vmem>>) offsets(%dma_start3A_104 : memref<40xi32, #tpu.memory_space<vmem>>) semaphore(%arg9 : memref<!tpu.dma_semaphore, #tpu.memory_space<semaphore_mem>>)
      %mul3A_108 = arith.constant 200 : i32
      %mul3A_109 = arith.muli %add3A_68, %mul3A_108 : i32
      %add3A_110 = arith.constant 120 : i32
      %add3A_111 = arith.addi %mul3A_109, %add3A_110 : i32
      %dma_start3A_112 = arith.constant 120 : i32
      %dma_start3A_113 = arith.constant 0 : i32
      %dma_start3A_114 = tpu.memref_slice %arg7[%dma_start3A_112, %dma_start3A_113] : memref<200x128xf32, #tpu.memory_space<vmem>> -> memref<40x128xf32, #tpu.memory_space<vmem>>
      %dma_start3A_115 = tpu.memref_slice %arg5[%add3A_111] : memref<5000xi32, #tpu.memory_space<vmem>> -> memref<40xi32, #tpu.memory_space<vmem>>
      %dma_start3A_116 = arith.constant 0 : i32
      %dma_start3A_117 = arith.constant 0 : i32
      %dma_start3A_118 = tpu.memref_slice %arg2[%dma_start3A_116, %dma_start3A_117] : memref<10000x128xf32, #tpu.memory_space<hbm>> -> memref<10000x128xf32, #tpu.memory_space<hbm>>
      tpu.enqueue_indirect_dma source(%dma_start3A_118 : memref<10000x128xf32, #tpu.memory_space<hbm>>) target(%dma_start3A_114 : memref<40x128xf32, #tpu.memory_space<vmem>>) offsets(%dma_start3A_115 : memref<40xi32, #tpu.memory_space<vmem>>) semaphore(%arg9 : memref<!tpu.dma_semaphore, #tpu.memory_space<semaphore_mem>>)
      %mul3A_119 = arith.constant 200 : i32
      %mul3A_120 = arith.muli %add3A_68, %mul3A_119 : i32
      %add3A_121 = arith.constant 160 : i32
      %add3A_122 = arith.addi %mul3A_120, %add3A_121 : i32
      %dma_start3A_123 = arith.constant 160 : i32
      %dma_start3A_124 = arith.constant 0 : i32
      %dma_start3A_125 = tpu.memref_slice %arg7[%dma_start3A_123, %dma_start3A_124] : memref<200x128xf32, #tpu.memory_space<vmem>> -> memref<40x128xf32, #tpu.memory_space<vmem>>
      %dma_start3A_126 = tpu.memref_slice %arg5[%add3A_122] : memref<5000xi32, #tpu.memory_space<vmem>> -> memref<40xi32, #tpu.memory_space<vmem>>
      %dma_start3A_127 = arith.constant 0 : i32
      %dma_start3A_128 = arith.constant 0 : i32
      %dma_start3A_129 = tpu.memref_slice %arg2[%dma_start3A_127, %dma_start3A_128] : memref<10000x128xf32, #tpu.memory_space<hbm>> -> memref<10000x128xf32, #tpu.memory_space<hbm>>
      tpu.enqueue_indirect_dma source(%dma_start3A_129 : memref<10000x128xf32, #tpu.memory_space<hbm>>) target(%dma_start3A_125 : memref<40x128xf32, #tpu.memory_space<vmem>>) offsets(%dma_start3A_126 : memref<40xi32, #tpu.memory_space<vmem>>) semaphore(%arg9 : memref<!tpu.dma_semaphore, #tpu.memory_space<semaphore_mem>>)
      %dma_wait3A_130 = arith.constant 0 : i32
      %dma_wait3A_131 = tpu.memref_slice %arg4[%mul3A_2, %dma_wait3A_130] : memref<160000x128xf32, #tpu.memory_space<hbm>> -> memref<200x128xf32, #tpu.memory_space<hbm>>
      %dma_wait3A_132 = arith.constant 0 : i32
      %dma_wait3A_133 = tpu.memref_slice %arg4[%mul3A_2, %dma_wait3A_132] : memref<160000x128xf32, #tpu.memory_space<hbm>> -> memref<200x128xf32, #tpu.memory_space<hbm>>
      tpu.wait_dma2 semaphore(%arg8 : memref<!tpu.dma_semaphore, #tpu.memory_space<semaphore_mem>>) src(%dma_wait3A_133 : memref<200x128xf32, #tpu.memory_space<hbm>>) dst(%arg6 : memref<200x128xf32, #tpu.memory_space<vmem>>)
      %mul3A_134 = arith.constant 2 : i32
      %mul3A_135 = arith.muli %mul3A_134, %scan3A_64 : i32
      %mul3A_136 = arith.constant 200 : i32
      %mul3A_137 = arith.muli %mul3A_135, %mul3A_136 : i32
      %add3A_138 = arith.addi %mul3A_2, %mul3A_137 : i32
      %dma_start3A_139 = arith.constant 0 : i32
      %dma_start3A_140 = tpu.memref_slice %arg4[%add3A_138, %dma_start3A_139] : memref<160000x128xf32, #tpu.memory_space<hbm>> -> memref<200x128xf32, #tpu.memory_space<hbm>>
      %dma_start3A_141 = arith.constant 0 : i32
      %dma_start3A_142 = tpu.memref_slice %arg4[%add3A_138, %dma_start3A_141] : memref<160000x128xf32, #tpu.memory_space<hbm>> -> memref<200x128xf32, #tpu.memory_space<hbm>>
      tpu.enqueue_dma source(%arg6 : memref<200x128xf32, #tpu.memory_space<vmem>>) target(%dma_start3A_142 : memref<200x128xf32, #tpu.memory_space<hbm>>) target_semaphore(%arg10 : memref<!tpu.dma_semaphore, #tpu.memory_space<semaphore_mem>>)
      %dma_wait3A_143 = arith.constant 0 : i32
      %dma_wait3A_144 = tpu.memref_slice %arg4[%mul3A_2, %dma_wait3A_143] : memref<160000x128xf32, #tpu.memory_space<hbm>> -> memref<200x128xf32, #tpu.memory_space<hbm>>
      %dma_wait3A_145 = arith.constant 0 : i32
      %dma_wait3A_146 = tpu.memref_slice %arg4[%mul3A_2, %dma_wait3A_145] : memref<160000x128xf32, #tpu.memory_space<hbm>> -> memref<200x128xf32, #tpu.memory_space<hbm>>
      tpu.wait_dma2 semaphore(%arg10 : memref<!tpu.dma_semaphore, #tpu.memory_space<semaphore_mem>>) src(%arg6 : memref<200x128xf32, #tpu.memory_space<vmem>>) dst(%dma_wait3A_146 : memref<200x128xf32, #tpu.memory_space<hbm>>)
      %mul3A_147 = arith.constant 200 : i32
      %mul3A_148 = arith.muli %add3A_72, %mul3A_147 : i32
      %add3A_149 = arith.constant 0 : i32
      %add3A_150 = arith.addi %mul3A_148, %add3A_149 : i32
      %dma_start3A_151 = arith.constant 0 : i32
      %dma_start3A_152 = arith.constant 0 : i32
      %dma_start3A_153 = tpu.memref_slice %arg6[%dma_start3A_151, %dma_start3A_152] : memref<200x128xf32, #tpu.memory_space<vmem>> -> memref<40x128xf32, #tpu.memory_space<vmem>>
      %dma_start3A_154 = tpu.memref_slice %arg5[%add3A_150] : memref<5000xi32, #tpu.memory_space<vmem>> -> memref<40xi32, #tpu.memory_space<vmem>>
      %dma_start3A_155 = arith.constant 0 : i32
      %dma_start3A_156 = arith.constant 0 : i32
      %dma_start3A_157 = tpu.memref_slice %arg2[%dma_start3A_155, %dma_start3A_156] : memref<10000x128xf32, #tpu.memory_space<hbm>> -> memref<10000x128xf32, #tpu.memory_space<hbm>>
      tpu.enqueue_indirect_dma source(%dma_start3A_157 : memref<10000x128xf32, #tpu.memory_space<hbm>>) target(%dma_start3A_153 : memref<40x128xf32, #tpu.memory_space<vmem>>) offsets(%dma_start3A_154 : memref<40xi32, #tpu.memory_space<vmem>>) semaphore(%arg8 : memref<!tpu.dma_semaphore, #tpu.memory_space<semaphore_mem>>)
      %mul3A_158 = arith.constant 200 : i32
      %mul3A_159 = arith.muli %add3A_72, %mul3A_158 : i32
      %add3A_160 = arith.constant 40 : i32
      %add3A_161 = arith.addi %mul3A_159, %add3A_160 : i32
      %dma_start3A_162 = arith.constant 40 : i32
      %dma_start3A_163 = arith.constant 0 : i32
      %dma_start3A_164 = tpu.memref_slice %arg6[%dma_start3A_162, %dma_start3A_163] : memref<200x128xf32, #tpu.memory_space<vmem>> -> memref<40x128xf32, #tpu.memory_space<vmem>>
      %dma_start3A_165 = tpu.memref_slice %arg5[%add3A_161] : memref<5000xi32, #tpu.memory_space<vmem>> -> memref<40xi32, #tpu.memory_space<vmem>>
      %dma_start3A_166 = arith.constant 0 : i32
      %dma_start3A_167 = arith.constant 0 : i32
      %dma_start3A_168 = tpu.memref_slice %arg2[%dma_start3A_166, %dma_start3A_167] : memref<10000x128xf32, #tpu.memory_space<hbm>> -> memref<10000x128xf32, #tpu.memory_space<hbm>>
      tpu.enqueue_indirect_dma source(%dma_start3A_168 : memref<10000x128xf32, #tpu.memory_space<hbm>>) target(%dma_start3A_164 : memref<40x128xf32, #tpu.memory_space<vmem>>) offsets(%dma_start3A_165 : memref<40xi32, #tpu.memory_space<vmem>>) semaphore(%arg8 : memref<!tpu.dma_semaphore, #tpu.memory_space<semaphore_mem>>)
      %mul3A_169 = arith.constant 200 : i32
      %mul3A_170 = arith.muli %add3A_72, %mul3A_169 : i32
      %add3A_171 = arith.constant 80 : i32
      %add3A_172 = arith.addi %mul3A_170, %add3A_171 : i32
      %dma_start3A_173 = arith.constant 80 : i32
      %dma_start3A_174 = arith.constant 0 : i32
      %dma_start3A_175 = tpu.memref_slice %arg6[%dma_start3A_173, %dma_start3A_174] : memref<200x128xf32, #tpu.memory_space<vmem>> -> memref<40x128xf32, #tpu.memory_space<vmem>>
      %dma_start3A_176 = tpu.memref_slice %arg5[%add3A_172] : memref<5000xi32, #tpu.memory_space<vmem>> -> memref<40xi32, #tpu.memory_space<vmem>>
      %dma_start3A_177 = arith.constant 0 : i32
      %dma_start3A_178 = arith.constant 0 : i32
      %dma_start3A_179 = tpu.memref_slice %arg2[%dma_start3A_177, %dma_start3A_178] : memref<10000x128xf32, #tpu.memory_space<hbm>> -> memref<10000x128xf32, #tpu.memory_space<hbm>>
      tpu.enqueue_indirect_dma source(%dma_start3A_179 : memref<10000x128xf32, #tpu.memory_space<hbm>>) target(%dma_start3A_175 : memref<40x128xf32, #tpu.memory_space<vmem>>) offsets(%dma_start3A_176 : memref<40xi32, #tpu.memory_space<vmem>>) semaphore(%arg8 : memref<!tpu.dma_semaphore, #tpu.memory_space<semaphore_mem>>)
      %mul3A_180 = arith.constant 200 : i32
      %mul3A_181 = arith.muli %add3A_72, %mul3A_180 : i32
      %add3A_182 = arith.constant 120 : i32
      %add3A_183 = arith.addi %mul3A_181, %add3A_182 : i32
      %dma_start3A_184 = arith.constant 120 : i32
      %dma_start3A_185 = arith.constant 0 : i32
      %dma_start3A_186 = tpu.memref_slice %arg6[%dma_start3A_184, %dma_start3A_185] : memref<200x128xf32, #tpu.memory_space<vmem>> -> memref<40x128xf32, #tpu.memory_space<vmem>>
      %dma_start3A_187 = tpu.memref_slice %arg5[%add3A_183] : memref<5000xi32, #tpu.memory_space<vmem>> -> memref<40xi32, #tpu.memory_space<vmem>>
      %dma_start3A_188 = arith.constant 0 : i32
      %dma_start3A_189 = arith.constant 0 : i32
      %dma_start3A_190 = tpu.memref_slice %arg2[%dma_start3A_188, %dma_start3A_189] : memref<10000x128xf32, #tpu.memory_space<hbm>> -> memref<10000x128xf32, #tpu.memory_space<hbm>>
      tpu.enqueue_indirect_dma source(%dma_start3A_190 : memref<10000x128xf32, #tpu.memory_space<hbm>>) target(%dma_start3A_186 : memref<40x128xf32, #tpu.memory_space<vmem>>) offsets(%dma_start3A_187 : memref<40xi32, #tpu.memory_space<vmem>>) semaphore(%arg8 : memref<!tpu.dma_semaphore, #tpu.memory_space<semaphore_mem>>)
      %mul3A_191 = arith.constant 200 : i32
      %mul3A_192 = arith.muli %add3A_72, %mul3A_191 : i32
      %add3A_193 = arith.constant 160 : i32
      %add3A_194 = arith.addi %mul3A_192, %add3A_193 : i32
      %dma_start3A_195 = arith.constant 160 : i32
      %dma_start3A_196 = arith.constant 0 : i32
      %dma_start3A_197 = tpu.memref_slice %arg6[%dma_start3A_195, %dma_start3A_196] : memref<200x128xf32, #tpu.memory_space<vmem>> -> memref<40x128xf32, #tpu.memory_space<vmem>>
      %dma_start3A_198 = tpu.memref_slice %arg5[%add3A_194] : memref<5000xi32, #tpu.memory_space<vmem>> -> memref<40xi32, #tpu.memory_space<vmem>>
      %dma_start3A_199 = arith.constant 0 : i32
      %dma_start3A_200 = arith.constant 0 : i32
      %dma_start3A_201 = tpu.memref_slice %arg2[%dma_start3A_199, %dma_start3A_200] : memref<10000x128xf32, #tpu.memory_space<hbm>> -> memref<10000x128xf32, #tpu.memory_space<hbm>>
      tpu.enqueue_indirect_dma source(%dma_start3A_201 : memref<10000x128xf32, #tpu.memory_space<hbm>>) target(%dma_start3A_197 : memref<40x128xf32, #tpu.memory_space<vmem>>) offsets(%dma_start3A_198 : memref<40xi32, #tpu.memory_space<vmem>>) semaphore(%arg8 : memref<!tpu.dma_semaphore, #tpu.memory_space<semaphore_mem>>)
      %dma_wait3A_202 = arith.constant 0 : i32
      %dma_wait3A_203 = tpu.memref_slice %arg4[%mul3A_2, %dma_wait3A_202] : memref<160000x128xf32, #tpu.memory_space<hbm>> -> memref<200x128xf32, #tpu.memory_space<hbm>>
      %dma_wait3A_204 = arith.constant 0 : i32
      %dma_wait3A_205 = tpu.memref_slice %arg4[%mul3A_2, %dma_wait3A_204] : memref<160000x128xf32, #tpu.memory_space<hbm>> -> memref<200x128xf32, #tpu.memory_space<hbm>>
      tpu.wait_dma2 semaphore(%arg9 : memref<!tpu.dma_semaphore, #tpu.memory_space<semaphore_mem>>) src(%dma_wait3A_205 : memref<200x128xf32, #tpu.memory_space<hbm>>) dst(%arg7 : memref<200x128xf32, #tpu.memory_space<vmem>>)
      %mul3A_206 = arith.constant 200 : i32
      %mul3A_207 = arith.muli %add3A_68, %mul3A_206 : i32
      %add3A_208 = arith.addi %mul3A_2, %mul3A_207 : i32
      %dma_start3A_209 = arith.constant 0 : i32
      %dma_start3A_210 = tpu.memref_slice %arg4[%add3A_208, %dma_start3A_209] : memref<160000x128xf32, #tpu.memory_space<hbm>> -> memref<200x128xf32, #tpu.memory_space<hbm>>
      %dma_start3A_211 = arith.constant 0 : i32
      %dma_start3A_212 = tpu.memref_slice %arg4[%add3A_208, %dma_start3A_211] : memref<160000x128xf32, #tpu.memory_space<hbm>> -> memref<200x128xf32, #tpu.memory_space<hbm>>
      tpu.enqueue_dma source(%arg7 : memref<200x128xf32, #tpu.memory_space<vmem>>) target(%dma_start3A_212 : memref<200x128xf32, #tpu.memory_space<hbm>>) target_semaphore(%arg11 : memref<!tpu.dma_semaphore, #tpu.memory_space<semaphore_mem>>)
    }
    %scan3A_46 = arith.constant 12 : i32
    %dma_wait3A = arith.constant 0 : i32
    %dma_wait3A_47 = tpu.memref_slice %arg4[%mul3A_2, %dma_wait3A] : memref<160000x128xf32, #tpu.memory_space<hbm>> -> memref<200x128xf32, #tpu.memory_space<hbm>>
    %dma_wait3A_48 = arith.constant 0 : i32
    %dma_wait3A_49 = tpu.memref_slice %arg4[%mul3A_2, %dma_wait3A_48] : memref<160000x128xf32, #tpu.memory_space<hbm>> -> memref<200x128xf32, #tpu.memory_space<hbm>>
    tpu.wait_dma2 semaphore(%arg8 : memref<!tpu.dma_semaphore, #tpu.memory_space<semaphore_mem>>) src(%dma_wait3A_49 : memref<200x128xf32, #tpu.memory_space<hbm>>) dst(%arg6 : memref<200x128xf32, #tpu.memory_space<vmem>>)
    %add3A_50 = arith.constant 4800 : i32
    %add3A_51 = arith.addi %mul3A_2, %add3A_50 : i32
    %dma_start3A_52 = arith.constant 0 : i32
    %dma_start3A_53 = tpu.memref_slice %arg4[%add3A_51, %dma_start3A_52] : memref<160000x128xf32, #tpu.memory_space<hbm>> -> memref<200x128xf32, #tpu.memory_space<hbm>>
    %dma_start3A_54 = arith.constant 0 : i32
    %dma_start3A_55 = tpu.memref_slice %arg4[%add3A_51, %dma_start3A_54] : memref<160000x128xf32, #tpu.memory_space<hbm>> -> memref<200x128xf32, #tpu.memory_space<hbm>>
    tpu.enqueue_dma source(%arg6 : memref<200x128xf32, #tpu.memory_space<vmem>>) target(%dma_start3A_55 : memref<200x128xf32, #tpu.memory_space<hbm>>) target_semaphore(%arg10 : memref<!tpu.dma_semaphore, #tpu.memory_space<semaphore_mem>>)
    %dma_wait3A_56 = arith.constant 0 : i32
    %dma_wait3A_57 = tpu.memref_slice %arg4[%mul3A_2, %dma_wait3A_56] : memref<160000x128xf32, #tpu.memory_space<hbm>> -> memref<200x128xf32, #tpu.memory_space<hbm>>
    %dma_wait3A_58 = arith.constant 0 : i32
    %dma_wait3A_59 = tpu.memref_slice %arg4[%mul3A_2, %dma_wait3A_58] : memref<160000x128xf32, #tpu.memory_space<hbm>> -> memref<200x128xf32, #tpu.memory_space<hbm>>
    tpu.wait_dma2 semaphore(%arg10 : memref<!tpu.dma_semaphore, #tpu.memory_space<semaphore_mem>>) src(%arg6 : memref<200x128xf32, #tpu.memory_space<vmem>>) dst(%dma_wait3A_59 : memref<200x128xf32, #tpu.memory_space<hbm>>)
    %dma_wait3A_60 = arith.constant 0 : i32
    %dma_wait3A_61 = tpu.memref_slice %arg4[%mul3A_2, %dma_wait3A_60] : memref<160000x128xf32, #tpu.memory_space<hbm>> -> memref<200x128xf32, #tpu.memory_space<hbm>>
    %dma_wait3A_62 = arith.constant 0 : i32
    %dma_wait3A_63 = tpu.memref_slice %arg4[%mul3A_2, %dma_wait3A_62] : memref<160000x128xf32, #tpu.memory_space<hbm>> -> memref<200x128xf32, #tpu.memory_space<hbm>>
    tpu.wait_dma2 semaphore(%arg11 : memref<!tpu.dma_semaphore, #tpu.memory_space<semaphore_mem>>) src(%arg7 : memref<200x128xf32, #tpu.memory_space<vmem>>) dst(%dma_wait3A_63 : memref<200x128xf32, #tpu.memory_space<hbm>>)
    return
  }
}

#map = affine_map<(d0, d1) -> (0, 0)>
#map1 = affine_map<(d0, d1) -> (0)>
module attributes {stable_mosaic.version = 14 : i64} {
  func.func @gather_kernel(%arg0: i32, %arg1: i32, %arg2: memref<10000x128xf32, #tpu.memory_space<hbm>>, %arg3: memref<160000xi32, #tpu.memory_space<hbm>>, %arg4: memref<160000x128xf32, #tpu.memory_space<hbm>>, %arg5: memref<5000xi32, #tpu.memory_space<vmem>>, %arg6: memref<200x128xf32, #tpu.memory_space<vmem>>, %arg7: memref<200x128xf32, #tpu.memory_space<vmem>>, %arg8: memref<!tpu.dma_semaphore, #tpu.memory_space<semaphore_mem>>, %arg9: memref<!tpu.dma_semaphore, #tpu.memory_space<semaphore_mem>>, %arg10: memref<!tpu.dma_semaphore, #tpu.memory_space<semaphore_mem>>, %arg11: memref<!tpu.dma_semaphore, #tpu.memory_space<semaphore_mem>>) attributes {dimension_semantics = [#tpu.dimension_semantics<core_parallel>, #tpu.dimension_semantics<subcore_parallel>], iteration_bounds = array<i64: 2, 16>, scalar_prefetch = 0 : i64, scratch_operands = 7 : i64, tpu.core_type = #tpu.core_type<sc_vector_subcore>, window_params = [{transform_indices = #map}, {transform_indices = #map1}, {transform_indices = #map}]} {
    %mul3A = arith.constant 2 : i32
    %mul3A_0 = arith.muli %arg1, %mul3A : i32
    %add3A = arith.addi %mul3A_0, %arg0 : i32
    %mul3A_1 = arith.constant 5000 : i32
    %mul3A_2 = arith.muli %add3A, %mul3A_1 : i32
    "tpu.region"() ({
      %run_scoped3A = tpu.sem_alloc : memref<!tpu.dma_semaphore, #tpu.memory_space<semaphore_mem>>
      %dma_start3A_64 = tpu.memref_slice %arg3[%mul3A_2] : memref<160000xi32, #tpu.memory_space<hbm>> -> memref<5000xi32, #tpu.memory_space<hbm>>
      %dma_start3A_65 = tpu.memref_slice %arg3[%mul3A_2] : memref<160000xi32, #tpu.memory_space<hbm>> -> memref<5000xi32, #tpu.memory_space<hbm>>
      tpu.enqueue_dma source(%dma_start3A_65 : memref<5000xi32, #tpu.memory_space<hbm>>) target(%arg5 : memref<5000xi32, #tpu.memory_space<vmem>>) target_semaphore(%run_scoped3A : memref<!tpu.dma_semaphore, #tpu.memory_space<semaphore_mem>>)
      %dma_wait3A_66 = tpu.memref_slice %arg3[%mul3A_2] : memref<160000xi32, #tpu.memory_space<hbm>> -> memref<5000xi32, #tpu.memory_space<hbm>>
      %dma_wait3A_67 = tpu.memref_slice %arg3[%mul3A_2] : memref<160000xi32, #tpu.memory_space<hbm>> -> memref<5000xi32, #tpu.memory_space<hbm>>
      tpu.wait_dma2 semaphore(%run_scoped3A : memref<!tpu.dma_semaphore, #tpu.memory_space<semaphore_mem>>) src(%dma_wait3A_67 : memref<5000xi32, #tpu.memory_space<hbm>>) dst(%arg5 : memref<5000xi32, #tpu.memory_space<vmem>>)
      tpu.yield
    }) : () -> ()
    %dma_start3A = arith.constant 0 : i32
    %dma_start3A_3 = arith.constant 0 : i32
    %dma_start3A_4 = tpu.memref_slice %arg6[%dma_start3A, %dma_start3A_3] : memref<200x128xf32, #tpu.memory_space<vmem>> -> memref<40x128xf32, #tpu.memory_space<vmem>>
    %dma_start3A_5 = arith.constant 0 : i32
    %dma_start3A_6 = tpu.memref_slice %arg5[%dma_start3A_5] : memref<5000xi32, #tpu.memory_space<vmem>> -> memref<40xi32, #tpu.memory_space<vmem>>
    %dma_start3A_7 = arith.constant 0 : i32
    %dma_start3A_8 = arith.constant 0 : i32
    %dma_start3A_9 = tpu.memref_slice %arg2[%dma_start3A_7, %dma_start3A_8] : memref<10000x128xf32, #tpu.memory_space<hbm>> -> memref<10000x128xf32, #tpu.memory_space<hbm>>
    tpu.enqueue_indirect_dma source(%dma_start3A_9 : memref<10000x128xf32, #tpu.memory_space<hbm>>) target(%dma_start3A_4 : memref<40x128xf32, #tpu.memory_space<vmem>>) offsets(%dma_start3A_6 : memref<40xi32, #tpu.memory_space<vmem>>) semaphore(%arg8 : memref<!tpu.dma_semaphore, #tpu.memory_space<semaphore_mem>>)
    %dma_start3A_10 = arith.constant 40 : i32
    %dma_start3A_11 = arith.constant 0 : i32
    %dma_start3A_12 = tpu.memref_slice %arg6[%dma_start3A_10, %dma_start3A_11] : memref<200x128xf32, #tpu.memory_space<vmem>> -> memref<40x128xf32, #tpu.memory_space<vmem>>
    %dma_start3A_13 = arith.constant 40 : i32
    %dma_start3A_14 = tpu.memref_slice %arg5[%dma_start3A_13] : memref<5000xi32, #tpu.memory_space<vmem>> -> memref<40xi32, #tpu.memory_space<vmem>>
    %dma_start3A_15 = arith.constant 0 : i32
    %dma_start3A_16 = arith.constant 0 : i32
    %dma_start3A_17 = tpu.memref_slice %arg2[%dma_start3A_15, %dma_start3A_16] : memref<10000x128xf32, #tpu.memory_space<hbm>> -> memref<10000x128xf32, #tpu.memory_space<hbm>>
    tpu.enqueue_indirect_dma source(%dma_start3A_17 : memref<10000x128xf32, #tpu.memory_space<hbm>>) target(%dma_start3A_12 : memref<40x128xf32, #tpu.memory_space<vmem>>) offsets(%dma_start3A_14 : memref<40xi32, #tpu.memory_space<vmem>>) semaphore(%arg8 : memref<!tpu.dma_semaphore, #tpu.memory_space<semaphore_mem>>)
    %dma_start3A_18 = arith.constant 80 : i32
    %dma_start3A_19 = arith.constant 0 : i32
    %dma_start3A_20 = tpu.memref_slice %arg6[%dma_start3A_18, %dma_start3A_19] : memref<200x128xf32, #tpu.memory_space<vmem>> -> memref<40x128xf32, #tpu.memory_space<vmem>>
    %dma_start3A_21 = arith.constant 80 : i32
    %dma_start3A_22 = tpu.memref_slice %arg5[%dma_start3A_21] : memref<5000xi32, #tpu.memory_space<vmem>> -> memref<40xi32, #tpu.memory_space<vmem>>
    %dma_start3A_23 = arith.constant 0 : i32
    %dma_start3A_24 = arith.constant 0 : i32
    %dma_start3A_25 = tpu.memref_slice %arg2[%dma_start3A_23, %dma_start3A_24] : memref<10000x128xf32, #tpu.memory_space<hbm>> -> memref<10000x128xf32, #tpu.memory_space<hbm>>
    tpu.enqueue_indirect_dma source(%dma_start3A_25 : memref<10000x128xf32, #tpu.memory_space<hbm>>) target(%dma_start3A_20 : memref<40x128xf32, #tpu.memory_space<vmem>>) offsets(%dma_start3A_22 : memref<40xi32, #tpu.memory_space<vmem>>) semaphore(%arg8 : memref<!tpu.dma_semaphore, #tpu.memory_space<semaphore_mem>>)
    %dma_start3A_26 = arith.constant 120 : i32
    %dma_start3A_27 = arith.constant 0 : i32
    %dma_start3A_28 = tpu.memref_slice %arg6[%dma_start3A_26, %dma_start3A_27] : memref<200x128xf32, #tpu.memory_space<vmem>> -> memref<40x128xf32, #tpu.memory_space<vmem>>
    %dma_start3A_29 = arith.constant 120 : i32
    %dma_start3A_30 = tpu.memref_slice %arg5[%dma_start3A_29] : memref<5000xi32, #tpu.memory_space<vmem>> -> memref<40xi32, #tpu.memory_space<vmem>>
    %dma_start3A_31 = arith.constant 0 : i32
    %dma_start3A_32 = arith.constant 0 : i32
    %dma_start3A_33 = tpu.memref_slice %arg2[%dma_start3A_31, %dma_start3A_32] : memref<10000x128xf32, #tpu.memory_space<hbm>> -> memref<10000x128xf32, #tpu.memory_space<hbm>>
    tpu.enqueue_indirect_dma source(%dma_start3A_33 : memref<10000x128xf32, #tpu.memory_space<hbm>>) target(%dma_start3A_28 : memref<40x128xf32, #tpu.memory_space<vmem>>) offsets(%dma_start3A_30 : memref<40xi32, #tpu.memory_space<vmem>>) semaphore(%arg8 : memref<!tpu.dma_semaphore, #tpu.memory_space<semaphore_mem>>)
    %dma_start3A_34 = arith.constant 160 : i32
    %dma_start3A_35 = arith.constant 0 : i32
    %dma_start3A_36 = tpu.memref_slice %arg6[%dma_start3A_34, %dma_start3A_35] : memref<200x128xf32, #tpu.memory_space<vmem>> -> memref<40x128xf32, #tpu.memory_space<vmem>>
    %dma_start3A_37 = arith.constant 160 : i32
    %dma_start3A_38 = tpu.memref_slice %arg5[%dma_start3A_37] : memref<5000xi32, #tpu.memory_space<vmem>> -> memref<40xi32, #tpu.memory_space<vmem>>
    %dma_start3A_39 = arith.constant 0 : i32
    %dma_start3A_40 = arith.constant 0 : i32
    %dma_start3A_41 = tpu.memref_slice %arg2[%dma_start3A_39, %dma_start3A_40] : memref<10000x128xf32, #tpu.memory_space<hbm>> -> memref<10000x128xf32, #tpu.memory_space<hbm>>
    tpu.enqueue_indirect_dma source(%dma_start3A_41 : memref<10000x128xf32, #tpu.memory_space<hbm>>) target(%dma_start3A_36 : memref<40x128xf32, #tpu.memory_space<vmem>>) offsets(%dma_start3A_38 : memref<40xi32, #tpu.memory_space<vmem>>) semaphore(%arg8 : memref<!tpu.dma_semaphore, #tpu.memory_space<semaphore_mem>>)
    %scan3A = arith.constant 0 : i32
    %scan3A_42 = arith.constant 0 : i32
    %scan3A_43 = arith.constant 12 : i32
    %scan3A_44 = arith.addi %scan3A_42, %scan3A_43 : i32
    %scan3A_45 = arith.constant 1 : i32
    scf.for %scan3A_64 = %scan3A_42 to %scan3A_44 step %scan3A_45  : i32 {
      %mul3A_65 = arith.constant 2 : i32
      %mul3A_66 = arith.muli %mul3A_65, %scan3A_64 : i32
      %add3A_67 = arith.constant 1 : i32
      %add3A_68 = arith.addi %mul3A_66, %add3A_67 : i32
      %mul3A_69 = arith.constant 2 : i32
      %mul3A_70 = arith.muli %mul3A_69, %scan3A_64 : i32
      %add3A_71 = arith.constant 2 : i32
      %add3A_72 = arith.addi %mul3A_70, %add3A_71 : i32
      %gt3A = arith.constant 0 : i32
      %gt3A_73 = arith.cmpi sgt, %scan3A_64, %gt3A : i32
      %convert_element_type3A = arith.extui %gt3A_73 : i1 to i32
      %cond3A = arith.constant 0 : i32
      %cond3A_74 = arith.cmpi ne, %convert_element_type3A, %cond3A : i32
      scf.if %cond3A_74 {
        %dma_wait3A_213 = arith.constant 0 : i32
        %dma_wait3A_214 = tpu.memref_slice %arg4[%mul3A_2, %dma_wait3A_213] : memref<160000x128xf32, #tpu.memory_space<hbm>> -> memref<200x128xf32, #tpu.memory_space<hbm>>
        %dma_wait3A_215 = arith.constant 0 : i32
        %dma_wait3A_216 = tpu.memref_slice %arg4[%mul3A_2, %dma_wait3A_215] : memref<160000x128xf32, #tpu.memory_space<hbm>> -> memref<200x128xf32, #tpu.memory_space<hbm>>
        tpu.wait_dma2 semaphore(%arg11 : memref<!tpu.dma_semaphore, #tpu.memory_space<semaphore_mem>>) src(%arg7 : memref<200x128xf32, #tpu.memory_space<vmem>>) dst(%dma_wait3A_216 : memref<200x128xf32, #tpu.memory_space<hbm>>)
      } else {
      }
      %mul3A_75 = arith.constant 200 : i32
      %mul3A_76 = arith.muli %add3A_68, %mul3A_75 : i32
      %add3A_77 = arith.constant 0 : i32
      %add3A_78 = arith.addi %mul3A_76, %add3A_77 : i32
      %dma_start3A_79 = arith.constant 0 : i32
      %dma_start3A_80 = arith.constant 0 : i32
      %dma_start3A_81 = tpu.memref_slice %arg7[%dma_start3A_79, %dma_start3A_80] : memref<200x128xf32, #tpu.memory_space<vmem>> -> memref<40x128xf32, #tpu.memory_space<vmem>>
      %dma_start3A_82 = tpu.memref_slice %arg5[%add3A_78] : memref<5000xi32, #tpu.memory_space<vmem>> -> memref<40xi32, #tpu.memory_space<vmem>>
      %dma_start3A_83 = arith.constant 0 : i32
      %dma_start3A_84 = arith.constant 0 : i32
      %dma_start3A_85 = tpu.memref_slice %arg2[%dma_start3A_83, %dma_start3A_84] : memref<10000x128xf32, #tpu.memory_space<hbm>> -> memref<10000x128xf32, #tpu.memory_space<hbm>>
      tpu.enqueue_indirect_dma source(%dma_start3A_85 : memref<10000x128xf32, #tpu.memory_space<hbm>>) target(%dma_start3A_81 : memref<40x128xf32, #tpu.memory_space<vmem>>) offsets(%dma_start3A_82 : memref<40xi32, #tpu.memory_space<vmem>>) semaphore(%arg9 : memref<!tpu.dma_semaphore, #tpu.memory_space<semaphore_mem>>)
      %mul3A_86 = arith.constant 200 : i32
      %mul3A_87 = arith.muli %add3A_68, %mul3A_86 : i32
      %add3A_88 = arith.constant 40 : i32
      %add3A_89 = arith.addi %mul3A_87, %add3A_88 : i32
      %dma_start3A_90 = arith.constant 40 : i32
      %dma_start3A_91 = arith.constant 0 : i32
      %dma_start3A_92 = tpu.memref_slice %arg7[%dma_start3A_90, %dma_start3A_91] : memref<200x128xf32, #tpu.memory_space<vmem>> -> memref<40x128xf32, #tpu.memory_space<vmem>>
      %dma_start3A_93 = tpu.memref_slice %arg5[%add3A_89] : memref<5000xi32, #tpu.memory_space<vmem>> -> memref<40xi32, #tpu.memory_space<vmem>>
      %dma_start3A_94 = arith.constant 0 : i32
      %dma_start3A_95 = arith.constant 0 : i32
      %dma_start3A_96 = tpu.memref_slice %arg2[%dma_start3A_94, %dma_start3A_95] : memref<10000x128xf32, #tpu.memory_space<hbm>> -> memref<10000x128xf32, #tpu.memory_space<hbm>>
      tpu.enqueue_indirect_dma source(%dma_start3A_96 : memref<10000x128xf32, #tpu.memory_space<hbm>>) target(%dma_start3A_92 : memref<40x128xf32, #tpu.memory_space<vmem>>) offsets(%dma_start3A_93 : memref<40xi32, #tpu.memory_space<vmem>>) semaphore(%arg9 : memref<!tpu.dma_semaphore, #tpu.memory_space<semaphore_mem>>)
      %mul3A_97 = arith.constant 200 : i32
      %mul3A_98 = arith.muli %add3A_68, %mul3A_97 : i32
      %add3A_99 = arith.constant 80 : i32
      %add3A_100 = arith.addi %mul3A_98, %add3A_99 : i32
      %dma_start3A_101 = arith.constant 80 : i32
      %dma_start3A_102 = arith.constant 0 : i32
      %dma_start3A_103 = tpu.memref_slice %arg7[%dma_start3A_101, %dma_start3A_102] : memref<200x128xf32, #tpu.memory_space<vmem>> -> memref<40x128xf32, #tpu.memory_space<vmem>>
      %dma_start3A_104 = tpu.memref_slice %arg5[%add3A_100] : memref<5000xi32, #tpu.memory_space<vmem>> -> memref<40xi32, #tpu.memory_space<vmem>>
      %dma_start3A_105 = arith.constant 0 : i32
      %dma_start3A_106 = arith.constant 0 : i32
      %dma_start3A_107 = tpu.memref_slice %arg2[%dma_start3A_105, %dma_start3A_106] : memref<10000x128xf32, #tpu.memory_space<hbm>> -> memref<10000x128xf32, #tpu.memory_space<hbm>>
      tpu.enqueue_indirect_dma source(%dma_start3A_107 : memref<10000x128xf32, #tpu.memory_space<hbm>>) target(%dma_start3A_103 : memref<40x128xf32, #tpu.memory_space<vmem>>) offsets(%dma_start3A_104 : memref<40xi32, #tpu.memory_space<vmem>>) semaphore(%arg9 : memref<!tpu.dma_semaphore, #tpu.memory_space<semaphore_mem>>)
      %mul3A_108 = arith.constant 200 : i32
      %mul3A_109 = arith.muli %add3A_68, %mul3A_108 : i32
      %add3A_110 = arith.constant 120 : i32
      %add3A_111 = arith.addi %mul3A_109, %add3A_110 : i32
      %dma_start3A_112 = arith.constant 120 : i32
      %dma_start3A_113 = arith.constant 0 : i32
      %dma_start3A_114 = tpu.memref_slice %arg7[%dma_start3A_112, %dma_start3A_113] : memref<200x128xf32, #tpu.memory_space<vmem>> -> memref<40x128xf32, #tpu.memory_space<vmem>>
      %dma_start3A_115 = tpu.memref_slice %arg5[%add3A_111] : memref<5000xi32, #tpu.memory_space<vmem>> -> memref<40xi32, #tpu.memory_space<vmem>>
      %dma_start3A_116 = arith.constant 0 : i32
      %dma_start3A_117 = arith.constant 0 : i32
      %dma_start3A_118 = tpu.memref_slice %arg2[%dma_start3A_116, %dma_start3A_117] : memref<10000x128xf32, #tpu.memory_space<hbm>> -> memref<10000x128xf32, #tpu.memory_space<hbm>>
      tpu.enqueue_indirect_dma source(%dma_start3A_118 : memref<10000x128xf32, #tpu.memory_space<hbm>>) target(%dma_start3A_114 : memref<40x128xf32, #tpu.memory_space<vmem>>) offsets(%dma_start3A_115 : memref<40xi32, #tpu.memory_space<vmem>>) semaphore(%arg9 : memref<!tpu.dma_semaphore, #tpu.memory_space<semaphore_mem>>)
      %mul3A_119 = arith.constant 200 : i32
      %mul3A_120 = arith.muli %add3A_68, %mul3A_119 : i32
      %add3A_121 = arith.constant 160 : i32
      %add3A_122 = arith.addi %mul3A_120, %add3A_121 : i32
      %dma_start3A_123 = arith.constant 160 : i32
      %dma_start3A_124 = arith.constant 0 : i32
      %dma_start3A_125 = tpu.memref_slice %arg7[%dma_start3A_123, %dma_start3A_124] : memref<200x128xf32, #tpu.memory_space<vmem>> -> memref<40x128xf32, #tpu.memory_space<vmem>>
      %dma_start3A_126 = tpu.memref_slice %arg5[%add3A_122] : memref<5000xi32, #tpu.memory_space<vmem>> -> memref<40xi32, #tpu.memory_space<vmem>>
      %dma_start3A_127 = arith.constant 0 : i32
      %dma_start3A_128 = arith.constant 0 : i32
      %dma_start3A_129 = tpu.memref_slice %arg2[%dma_start3A_127, %dma_start3A_128] : memref<10000x128xf32, #tpu.memory_space<hbm>> -> memref<10000x128xf32, #tpu.memory_space<hbm>>
      tpu.enqueue_indirect_dma source(%dma_start3A_129 : memref<10000x128xf32, #tpu.memory_space<hbm>>) target(%dma_start3A_125 : memref<40x128xf32, #tpu.memory_space<vmem>>) offsets(%dma_start3A_126 : memref<40xi32, #tpu.memory_space<vmem>>) semaphore(%arg9 : memref<!tpu.dma_semaphore, #tpu.memory_space<semaphore_mem>>)
      %dma_wait3A_130 = arith.constant 0 : i32
      %dma_wait3A_131 = tpu.memref_slice %arg4[%mul3A_2, %dma_wait3A_130] : memref<160000x128xf32, #tpu.memory_space<hbm>> -> memref<200x128xf32, #tpu.memory_space<hbm>>
      %dma_wait3A_132 = arith.constant 0 : i32
      %dma_wait3A_133 = tpu.memref_slice %arg4[%mul3A_2, %dma_wait3A_132] : memref<160000x128xf32, #tpu.memory_space<hbm>> -> memref<200x128xf32, #tpu.memory_space<hbm>>
      tpu.wait_dma2 semaphore(%arg8 : memref<!tpu.dma_semaphore, #tpu.memory_space<semaphore_mem>>) src(%dma_wait3A_133 : memref<200x128xf32, #tpu.memory_space<hbm>>) dst(%arg6 : memref<200x128xf32, #tpu.memory_space<vmem>>)
      %mul3A_134 = arith.constant 2 : i32
      %mul3A_135 = arith.muli %mul3A_134, %scan3A_64 : i32
      %mul3A_136 = arith.constant 200 : i32
      %mul3A_137 = arith.muli %mul3A_135, %mul3A_136 : i32
      %add3A_138 = arith.addi %mul3A_2, %mul3A_137 : i32
      %dma_start3A_139 = arith.constant 0 : i32
      %dma_start3A_140 = tpu.memref_slice %arg4[%add3A_138, %dma_start3A_139] : memref<160000x128xf32, #tpu.memory_space<hbm>> -> memref<200x128xf32, #tpu.memory_space<hbm>>
      %dma_start3A_141 = arith.constant 0 : i32
      %dma_start3A_142 = tpu.memref_slice %arg4[%add3A_138, %dma_start3A_141] : memref<160000x128xf32, #tpu.memory_space<hbm>> -> memref<200x128xf32, #tpu.memory_space<hbm>>
      tpu.enqueue_dma source(%arg6 : memref<200x128xf32, #tpu.memory_space<vmem>>) target(%dma_start3A_142 : memref<200x128xf32, #tpu.memory_space<hbm>>) target_semaphore(%arg10 : memref<!tpu.dma_semaphore, #tpu.memory_space<semaphore_mem>>)
      %dma_wait3A_143 = arith.constant 0 : i32
      %dma_wait3A_144 = tpu.memref_slice %arg4[%mul3A_2, %dma_wait3A_143] : memref<160000x128xf32, #tpu.memory_space<hbm>> -> memref<200x128xf32, #tpu.memory_space<hbm>>
      %dma_wait3A_145 = arith.constant 0 : i32
      %dma_wait3A_146 = tpu.memref_slice %arg4[%mul3A_2, %dma_wait3A_145] : memref<160000x128xf32, #tpu.memory_space<hbm>> -> memref<200x128xf32, #tpu.memory_space<hbm>>
      tpu.wait_dma2 semaphore(%arg10 : memref<!tpu.dma_semaphore, #tpu.memory_space<semaphore_mem>>) src(%arg6 : memref<200x128xf32, #tpu.memory_space<vmem>>) dst(%dma_wait3A_146 : memref<200x128xf32, #tpu.memory_space<hbm>>)
      %mul3A_147 = arith.constant 200 : i32
      %mul3A_148 = arith.muli %add3A_72, %mul3A_147 : i32
      %add3A_149 = arith.constant 0 : i32
      %add3A_150 = arith.addi %mul3A_148, %add3A_149 : i32
      %dma_start3A_151 = arith.constant 0 : i32
      %dma_start3A_152 = arith.constant 0 : i32
      %dma_start3A_153 = tpu.memref_slice %arg6[%dma_start3A_151, %dma_start3A_152] : memref<200x128xf32, #tpu.memory_space<vmem>> -> memref<40x128xf32, #tpu.memory_space<vmem>>
      %dma_start3A_154 = tpu.memref_slice %arg5[%add3A_150] : memref<5000xi32, #tpu.memory_space<vmem>> -> memref<40xi32, #tpu.memory_space<vmem>>
      %dma_start3A_155 = arith.constant 0 : i32
      %dma_start3A_156 = arith.constant 0 : i32
      %dma_start3A_157 = tpu.memref_slice %arg2[%dma_start3A_155, %dma_start3A_156] : memref<10000x128xf32, #tpu.memory_space<hbm>> -> memref<10000x128xf32, #tpu.memory_space<hbm>>
      tpu.enqueue_indirect_dma source(%dma_start3A_157 : memref<10000x128xf32, #tpu.memory_space<hbm>>) target(%dma_start3A_153 : memref<40x128xf32, #tpu.memory_space<vmem>>) offsets(%dma_start3A_154 : memref<40xi32, #tpu.memory_space<vmem>>) semaphore(%arg8 : memref<!tpu.dma_semaphore, #tpu.memory_space<semaphore_mem>>)
      %mul3A_158 = arith.constant 200 : i32
      %mul3A_159 = arith.muli %add3A_72, %mul3A_158 : i32
      %add3A_160 = arith.constant 40 : i32
      %add3A_161 = arith.addi %mul3A_159, %add3A_160 : i32
      %dma_start3A_162 = arith.constant 40 : i32
      %dma_start3A_163 = arith.constant 0 : i32
      %dma_start3A_164 = tpu.memref_slice %arg6[%dma_start3A_162, %dma_start3A_163] : memref<200x128xf32, #tpu.memory_space<vmem>> -> memref<40x128xf32, #tpu.memory_space<vmem>>
      %dma_start3A_165 = tpu.memref_slice %arg5[%add3A_161] : memref<5000xi32, #tpu.memory_space<vmem>> -> memref<40xi32, #tpu.memory_space<vmem>>
      %dma_start3A_166 = arith.constant 0 : i32
      %dma_start3A_167 = arith.constant 0 : i32
      %dma_start3A_168 = tpu.memref_slice %arg2[%dma_start3A_166, %dma_start3A_167] : memref<10000x128xf32, #tpu.memory_space<hbm>> -> memref<10000x128xf32, #tpu.memory_space<hbm>>
      tpu.enqueue_indirect_dma source(%dma_start3A_168 : memref<10000x128xf32, #tpu.memory_space<hbm>>) target(%dma_start3A_164 : memref<40x128xf32, #tpu.memory_space<vmem>>) offsets(%dma_start3A_165 : memref<40xi32, #tpu.memory_space<vmem>>) semaphore(%arg8 : memref<!tpu.dma_semaphore, #tpu.memory_space<semaphore_mem>>)
      %mul3A_169 = arith.constant 200 : i32
      %mul3A_170 = arith.muli %add3A_72, %mul3A_169 : i32
      %add3A_171 = arith.constant 80 : i32
      %add3A_172 = arith.addi %mul3A_170, %add3A_171 : i32
      %dma_start3A_173 = arith.constant 80 : i32
      %dma_start3A_174 = arith.constant 0 : i32
      %dma_start3A_175 = tpu.memref_slice %arg6[%dma_start3A_173, %dma_start3A_174] : memref<200x128xf32, #tpu.memory_space<vmem>> -> memref<40x128xf32, #tpu.memory_space<vmem>>
      %dma_start3A_176 = tpu.memref_slice %arg5[%add3A_172] : memref<5000xi32, #tpu.memory_space<vmem>> -> memref<40xi32, #tpu.memory_space<vmem>>
      %dma_start3A_177 = arith.constant 0 : i32
      %dma_start3A_178 = arith.constant 0 : i32
      %dma_start3A_179 = tpu.memref_slice %arg2[%dma_start3A_177, %dma_start3A_178] : memref<10000x128xf32, #tpu.memory_space<hbm>> -> memref<10000x128xf32, #tpu.memory_space<hbm>>
      tpu.enqueue_indirect_dma source(%dma_start3A_179 : memref<10000x128xf32, #tpu.memory_space<hbm>>) target(%dma_start3A_175 : memref<40x128xf32, #tpu.memory_space<vmem>>) offsets(%dma_start3A_176 : memref<40xi32, #tpu.memory_space<vmem>>) semaphore(%arg8 : memref<!tpu.dma_semaphore, #tpu.memory_space<semaphore_mem>>)
      %mul3A_180 = arith.constant 200 : i32
      %mul3A_181 = arith.muli %add3A_72, %mul3A_180 : i32
      %add3A_182 = arith.constant 120 : i32
      %add3A_183 = arith.addi %mul3A_181, %add3A_182 : i32
      %dma_start3A_184 = arith.constant 120 : i32
      %dma_start3A_185 = arith.constant 0 : i32
      %dma_start3A_186 = tpu.memref_slice %arg6[%dma_start3A_184, %dma_start3A_185] : memref<200x128xf32, #tpu.memory_space<vmem>> -> memref<40x128xf32, #tpu.memory_space<vmem>>
      %dma_start3A_187 = tpu.memref_slice %arg5[%add3A_183] : memref<5000xi32, #tpu.memory_space<vmem>> -> memref<40xi32, #tpu.memory_space<vmem>>
      %dma_start3A_188 = arith.constant 0 : i32
      %dma_start3A_189 = arith.constant 0 : i32
      %dma_start3A_190 = tpu.memref_slice %arg2[%dma_start3A_188, %dma_start3A_189] : memref<10000x128xf32, #tpu.memory_space<hbm>> -> memref<10000x128xf32, #tpu.memory_space<hbm>>
      tpu.enqueue_indirect_dma source(%dma_start3A_190 : memref<10000x128xf32, #tpu.memory_space<hbm>>) target(%dma_start3A_186 : memref<40x128xf32, #tpu.memory_space<vmem>>) offsets(%dma_start3A_187 : memref<40xi32, #tpu.memory_space<vmem>>) semaphore(%arg8 : memref<!tpu.dma_semaphore, #tpu.memory_space<semaphore_mem>>)
      %mul3A_191 = arith.constant 200 : i32
      %mul3A_192 = arith.muli %add3A_72, %mul3A_191 : i32
      %add3A_193 = arith.constant 160 : i32
      %add3A_194 = arith.addi %mul3A_192, %add3A_193 : i32
      %dma_start3A_195 = arith.constant 160 : i32
      %dma_start3A_196 = arith.constant 0 : i32
      %dma_start3A_197 = tpu.memref_slice %arg6[%dma_start3A_195, %dma_start3A_196] : memref<200x128xf32, #tpu.memory_space<vmem>> -> memref<40x128xf32, #tpu.memory_space<vmem>>
      %dma_start3A_198 = tpu.memref_slice %arg5[%add3A_194] : memref<5000xi32, #tpu.memory_space<vmem>> -> memref<40xi32, #tpu.memory_space<vmem>>
      %dma_start3A_199 = arith.constant 0 : i32
      %dma_start3A_200 = arith.constant 0 : i32
      %dma_start3A_201 = tpu.memref_slice %arg2[%dma_start3A_199, %dma_start3A_200] : memref<10000x128xf32, #tpu.memory_space<hbm>> -> memref<10000x128xf32, #tpu.memory_space<hbm>>
      tpu.enqueue_indirect_dma source(%dma_start3A_201 : memref<10000x128xf32, #tpu.memory_space<hbm>>) target(%dma_start3A_197 : memref<40x128xf32, #tpu.memory_space<vmem>>) offsets(%dma_start3A_198 : memref<40xi32, #tpu.memory_space<vmem>>) semaphore(%arg8 : memref<!tpu.dma_semaphore, #tpu.memory_space<semaphore_mem>>)
      %dma_wait3A_202 = arith.constant 0 : i32
      %dma_wait3A_203 = tpu.memref_slice %arg4[%mul3A_2, %dma_wait3A_202] : memref<160000x128xf32, #tpu.memory_space<hbm>> -> memref<200x128xf32, #tpu.memory_space<hbm>>
      %dma_wait3A_204 = arith.constant 0 : i32
      %dma_wait3A_205 = tpu.memref_slice %arg4[%mul3A_2, %dma_wait3A_204] : memref<160000x128xf32, #tpu.memory_space<hbm>> -> memref<200x128xf32, #tpu.memory_space<hbm>>
      tpu.wait_dma2 semaphore(%arg9 : memref<!tpu.dma_semaphore, #tpu.memory_space<semaphore_mem>>) src(%dma_wait3A_205 : memref<200x128xf32, #tpu.memory_space<hbm>>) dst(%arg7 : memref<200x128xf32, #tpu.memory_space<vmem>>)
      %mul3A_206 = arith.constant 200 : i32
      %mul3A_207 = arith.muli %add3A_68, %mul3A_206 : i32
      %add3A_208 = arith.addi %mul3A_2, %mul3A_207 : i32
      %dma_start3A_209 = arith.constant 0 : i32
      %dma_start3A_210 = tpu.memref_slice %arg4[%add3A_208, %dma_start3A_209] : memref<160000x128xf32, #tpu.memory_space<hbm>> -> memref<200x128xf32, #tpu.memory_space<hbm>>
      %dma_start3A_211 = arith.constant 0 : i32
      %dma_start3A_212 = tpu.memref_slice %arg4[%add3A_208, %dma_start3A_211] : memref<160000x128xf32, #tpu.memory_space<hbm>> -> memref<200x128xf32, #tpu.memory_space<hbm>>
      tpu.enqueue_dma source(%arg7 : memref<200x128xf32, #tpu.memory_space<vmem>>) target(%dma_start3A_212 : memref<200x128xf32, #tpu.memory_space<hbm>>) target_semaphore(%arg11 : memref<!tpu.dma_semaphore, #tpu.memory_space<semaphore_mem>>)
    }
    %scan3A_46 = arith.constant 12 : i32
    %dma_wait3A = arith.constant 0 : i32
    %dma_wait3A_47 = tpu.memref_slice %arg4[%mul3A_2, %dma_wait3A] : memref<160000x128xf32, #tpu.memory_space<hbm>> -> memref<200x128xf32, #tpu.memory_space<hbm>>
    %dma_wait3A_48 = arith.constant 0 : i32
    %dma_wait3A_49 = tpu.memref_slice %arg4[%mul3A_2, %dma_wait3A_48] : memref<160000x128xf32, #tpu.memory_space<hbm>> -> memref<200x128xf32, #tpu.memory_space<hbm>>
    tpu.wait_dma2 semaphore(%arg8 : memref<!tpu.dma_semaphore, #tpu.memory_space<semaphore_mem>>) src(%dma_wait3A_49 : memref<200x128xf32, #tpu.memory_space<hbm>>) dst(%arg6 : memref<200x128xf32, #tpu.memory_space<vmem>>)
    %add3A_50 = arith.constant 4800 : i32
    %add3A_51 = arith.addi %mul3A_2, %add3A_50 : i32
    %dma_start3A_52 = arith.constant 0 : i32
    %dma_start3A_53 = tpu.memref_slice %arg4[%add3A_51, %dma_start3A_52] : memref<160000x128xf32, #tpu.memory_space<hbm>> -> memref<200x128xf32, #tpu.memory_space<hbm>>
    %dma_start3A_54 = arith.constant 0 : i32
    %dma_start3A_55 = tpu.memref_slice %arg4[%add3A_51, %dma_start3A_54] : memref<160000x128xf32, #tpu.memory_space<hbm>> -> memref<200x128xf32, #tpu.memory_space<hbm>>
    tpu.enqueue_dma source(%arg6 : memref<200x128xf32, #tpu.memory_space<vmem>>) target(%dma_start3A_55 : memref<200x128xf32, #tpu.memory_space<hbm>>) target_semaphore(%arg10 : memref<!tpu.dma_semaphore, #tpu.memory_space<semaphore_mem>>)
    %dma_wait3A_56 = arith.constant 0 : i32
    %dma_wait3A_57 = tpu.memref_slice %arg4[%mul3A_2, %dma_wait3A_56] : memref<160000x128xf32, #tpu.memory_space<hbm>> -> memref<200x128xf32, #tpu.memory_space<hbm>>
    %dma_wait3A_58 = arith.constant 0 : i32
    %dma_wait3A_59 = tpu.memref_slice %arg4[%mul3A_2, %dma_wait3A_58] : memref<160000x128xf32, #tpu.memory_space<hbm>> -> memref<200x128xf32, #tpu.memory_space<hbm>>
    tpu.wait_dma2 semaphore(%arg10 : memref<!tpu.dma_semaphore, #tpu.memory_space<semaphore_mem>>) src(%arg6 : memref<200x128xf32, #tpu.memory_space<vmem>>) dst(%dma_wait3A_59 : memref<200x128xf32, #tpu.memory_space<hbm>>)
    %dma_wait3A_60 = arith.constant 0 : i32
    %dma_wait3A_61 = tpu.memref_slice %arg4[%mul3A_2, %dma_wait3A_60] : memref<160000x128xf32, #tpu.memory_space<hbm>> -> memref<200x128xf32, #tpu.memory_space<hbm>>
    %dma_wait3A_62 = arith.constant 0 : i32
    %dma_wait3A_63 = tpu.memref_slice %arg4[%mul3A_2, %dma_wait3A_62] : memref<160000x128xf32, #tpu.memory_space<hbm>> -> memref<200x128xf32, #tpu.memory_space<hbm>>
    tpu.wait_dma2 semaphore(%arg11 : memref<!tpu.dma_semaphore, #tpu.memory_space<semaphore_mem>>) src(%arg7 : memref<200x128xf32, #tpu.memory_space<vmem>>) dst(%dma_wait3A_63 : memref<200x128xf32, #tpu.memory_space<hbm>>)
    return
  }
}

module attributes {stable_mosaic.version = 14 : i64} {
  func.func @_tc_body(%arg0: i32, %arg1: i32, %arg2: memref<1000x8x128xf32, #tpu.memory_space<vmem>>, %arg3: memref<1000x32xf32, #tpu.memory_space<vmem>>, %arg4: memref<1000x32xf32, #tpu.memory_space<vmem>>, %arg5: memref<128x512xf32, #tpu.memory_space<vmem>>, %arg6: memref<128x512xf32, #tpu.memory_space<vmem>>, %arg7: memref<1408x128xf32, #tpu.memory_space<vmem>>, %arg8: memref<1000x128xf32, #tpu.memory_space<vmem>>, %arg9: memref<1000x128xf32, #tpu.memory_space<vmem>>, %arg10: memref<1000x128xf32, #tpu.memory_space<vmem>>, %arg11: memref<1000x1408xf32, #tpu.memory_space<vmem>>) attributes {dimension_semantics = [#tpu.dimension_semantics<arbitrary>, #tpu.dimension_semantics<arbitrary>], iteration_bounds = array<i64: 5, 4>, scalar_prefetch = 0 : i64, scratch_operands = 3 : i64, tpu.core_type = #tpu.core_type<tc>, window_params = [{transform_indices = @transform_0, window_bounds = array<i64: 1000, 8, 128>}, {transform_indices = @transform_1, window_bounds = array<i64: 1000, 32>}, {transform_indices = @transform_2, window_bounds = array<i64: 1000, 32>}, {pipeline_mode = #tpu.pipeline_mode<synchronous>, transform_indices = @transform_3, window_bounds = array<i64: 128, 512>}, {pipeline_mode = #tpu.pipeline_mode<synchronous>, transform_indices = @transform_4, window_bounds = array<i64: 128, 512>}, {pipeline_mode = #tpu.pipeline_mode<synchronous>, transform_indices = @transform_5, window_bounds = array<i64: 1408, 128>}, {transform_indices = @transform_6, window_bounds = array<i64: 1000, 128>}]} {
    %eq3A = arith.constant 0 : i32
    %eq3A_0 = arith.cmpi eq, %arg1, %eq3A : i32
    %convert_element_type3A = arith.extui %eq3A_0 : i1 to i32
    %cond3A = arith.constant 0 : i32
    %cond3A_1 = arith.cmpi ne, %convert_element_type3A, %cond3A : i32
    scf.if %cond3A_1 {
      %broadcast_in_dim3A_1588 = arith.constant 0.000000e+00 : f32
      %broadcast_in_dim3A_1589 = vector.broadcast %broadcast_in_dim3A_1588 : f32 to vector<1000x128xf32>
      %swap3A_1590 = arith.constant 0 : index
      %swap3A_1591 = arith.constant 0 : index
      %swap3A_1592 = vector.load %arg9[%swap3A_1590, %swap3A_1591] : memref<1000x128xf32, #tpu.memory_space<vmem>>, vector<1000x128xf32>
      tpu.vector_store %arg9[%swap3A_1590, %swap3A_1591], %broadcast_in_dim3A_1589 {strides = array<i32>} : memref<1000x128xf32, #tpu.memory_space<vmem>>, vector<1000x128xf32>,
      %broadcast_in_dim3A_1593 = arith.constant 0.000000e+00 : f32
      %broadcast_in_dim3A_1594 = vector.broadcast %broadcast_in_dim3A_1593 : f32 to vector<1000x128xf32>
      %swap3A_1595 = arith.constant 0 : index
      %swap3A_1596 = arith.constant 0 : index
      %swap3A_1597 = vector.load %arg10[%swap3A_1595, %swap3A_1596] : memref<1000x128xf32, #tpu.memory_space<vmem>>, vector<1000x128xf32>
      tpu.vector_store %arg10[%swap3A_1595, %swap3A_1596], %broadcast_in_dim3A_1594 {strides = array<i32>} : memref<1000x128xf32, #tpu.memory_space<vmem>>, vector<1000x128xf32>,
      %broadcast_in_dim3A_1598 = arith.constant 0.000000e+00 : f32
      %broadcast_in_dim3A_1599 = vector.broadcast %broadcast_in_dim3A_1598 : f32 to vector<1000x1408xf32>
      %swap3A_1600 = arith.constant 0 : index
      %swap3A_1601 = arith.constant 0 : index
      %swap3A_1602 = vector.load %arg11[%swap3A_1600, %swap3A_1601] : memref<1000x1408xf32, #tpu.memory_space<vmem>>, vector<1000x1408xf32>
      tpu.vector_store %arg11[%swap3A_1600, %swap3A_1601], %broadcast_in_dim3A_1599 {strides = array<i32>} : memref<1000x1408xf32, #tpu.memory_space<vmem>>, vector<1000x1408xf32>,
    } else {
    }
    %iota3A = tpu.iota {dimensions = array<i32: 0>} : vector<32x128xi32>
    %iota3A_2 = tpu.iota {dimensions = array<i32: 1>} : vector<32x128xi32>
    %mul3A = arith.constant 8 : i32
    %mul3A_3 = arith.muli %arg1, %mul3A : i32
    %add3A = vector.broadcast %mul3A_3 : i32 to vector<32x128xi32>
    %add3A_4 = arith.addi %add3A, %iota3A_2 : vector<32x128xi32>
    %eq3A_5 = arith.cmpi eq, %iota3A, %add3A_4 : vector<32x128xi32>
    %lt3A = arith.constant 8 : i32
    %lt3A_6 = vector.broadcast %lt3A : i32 to vector<32x128xi32>
    %lt3A_7 = arith.cmpi slt, %iota3A_2, %lt3A_6 : vector<32x128xi32>
    %and3A = arith.andi %eq3A_5, %lt3A_7 : vector<32x128xi1>
    %jit3A = arith.constant 1.000000e+00 : f32
    %jit3A_8 = arith.constant 0.000000e+00 : f32
    %broadcast_in_dim3A = vector.broadcast %jit3A : f32 to vector<32x128xf32>
    %broadcast_in_dim3A_9 = vector.broadcast %jit3A_8 : f32 to vector<32x128xf32>
    %select_n3A = arith.select %and3A, %broadcast_in_dim3A, %broadcast_in_dim3A_9 : vector<32x128xi1>, vector<32x128xf32>
    %get3A = arith.constant 0 : index
    %get3A_10 = arith.constant 0 : index
    %get3A_11 = vector.load %arg3[%get3A, %get3A_10] : memref<1000x32xf32, #tpu.memory_space<vmem>>, vector<1000x32xf32>
    %dot_general3A = arith.constant dense<0.000000e+00> : vector<1000x128xf32>
    %dot_general3A_12 = tpu.matmul %get3A_11, %select_n3A, %dot_general3A {dimension_numbers = #tpu.dot_dimension_numbers<[1], [0], [0], [1], [0, 0, 1, 1], [], []>, transpose_lhs_hint = false} : vector<1000x32xf32>, vector<32x128xf32>, vector<1000x128xf32> -> vector<1000x128xf32>
    %get3A_13 = arith.constant 0 : index
    %get3A_14 = arith.constant 0 : index
    %get3A_15 = vector.load %arg4[%get3A_13, %get3A_14] : memref<1000x32xf32, #tpu.memory_space<vmem>>, vector<1000x32xf32>
    %convert_element_type3A_16 = arith.truncf %get3A_15 : vector<1000x32xf32> to vector<1000x32xbf16>
    %convert_element_type3A_17 = arith.extf %convert_element_type3A_16 : vector<1000x32xbf16> to vector<1000x32xf32>
    %dot_general3A_18 = arith.constant dense<0.000000e+00> : vector<1000x128xf32>
    %dot_general3A_19 = tpu.matmul %convert_element_type3A_17, %select_n3A, %dot_general3A_18 {dimension_numbers = #tpu.dot_dimension_numbers<[1], [0], [0], [1], [0, 0, 1, 1], [], []>, transpose_lhs_hint = false} : vector<1000x32xf32>, vector<32x128xf32>, vector<1000x128xf32> -> vector<1000x128xf32>
    %sub3A = arith.subf %get3A_15, %convert_element_type3A_17 : vector<1000x32xf32>
    %dot_general3A_20 = arith.constant dense<0.000000e+00> : vector<1000x128xf32>
    %dot_general3A_21 = tpu.matmul %sub3A, %select_n3A, %dot_general3A_20 {dimension_numbers = #tpu.dot_dimension_numbers<[1], [0], [0], [1], [0, 0, 1, 1], [], []>, transpose_lhs_hint = false} : vector<1000x32xf32>, vector<32x128xf32>, vector<1000x128xf32> -> vector<1000x128xf32>
    %add3A_22 = arith.addf %dot_general3A_19, %dot_general3A_21 : vector<1000x128xf32>
    %get3A_23 = arith.constant 0 : index
    %get3A_24 = arith.constant 0 : index
    %get3A_25 = vector.load %arg9[%get3A_23, %get3A_24] : memref<1000x128xf32, #tpu.memory_space<vmem>>, vector<1000x128xf32>
    %get3A_26 = arith.constant 0 : index
    %get3A_27 = arith.constant 0 : index
    %get3A_28 = vector.load %arg10[%get3A_26, %get3A_27] : memref<1000x128xf32, #tpu.memory_space<vmem>>, vector<1000x128xf32>
    %get3A_29 = arith.constant 0 : index
    %get3A_30 = arith.constant 0 : index
    %get3A_31 = arith.constant 0 : index
    %get3A_32 = vector.load %arg2[%get3A_29, %get3A_30, %get3A_31] : memref<1000x8x128xf32, #tpu.memory_space<vmem>>, vector<1000x1x128xf32>
    %get3A_33 = vector.shape_cast %get3A_32 : vector<1000x1x128xf32> to vector<1000x128xf32>
    %get3A_34 = arith.constant 0 : index
    %get3A_35 = arith.constant 0 : index
    %get3A_36 = vector.load %arg5[%get3A_34, %get3A_35] : memref<128x512xf32, #tpu.memory_space<vmem>>, vector<128x512xf32>
    %dot_general3A_37 = arith.constant dense<0.000000e+00> : vector<1000x512xf32>
    %dot_general3A_38 = tpu.matmul %get3A_33, %get3A_36, %dot_general3A_37 {dimension_numbers = #tpu.dot_dimension_numbers<[1], [0], [0], [1], [0, 0, 1, 1], [], []>, transpose_lhs_hint = false} : vector<1000x128xf32>, vector<128x512xf32>, vector<1000x512xf32> -> vector<1000x512xf32>
    %get3A_39 = arith.constant 0 : index
    %get3A_40 = arith.constant 0 : index
    %get3A_41 = vector.load %arg6[%get3A_39, %get3A_40] : memref<128x512xf32, #tpu.memory_space<vmem>>, vector<128x512xf32>
    %dot_general3A_42 = arith.constant dense<0.000000e+00> : vector<1000x512xf32>
    %dot_general3A_43 = tpu.matmul %get3A_25, %get3A_41, %dot_general3A_42 {dimension_numbers = #tpu.dot_dimension_numbers<[1], [0], [0], [1], [0, 0, 1, 1], [], []>, transpose_lhs_hint = false} : vector<1000x128xf32>, vector<128x512xf32>, vector<1000x512xf32> -> vector<1000x512xf32>
    %add3A_44 = arith.addf %dot_general3A_38, %dot_general3A_43 : vector<1000x512xf32>
    %slice3A = vector.extract_strided_slice %add3A_44 {offsets = [0, 0], sizes = [1000, 128], strides = [1, 1]} : vector<1000x512xf32> to vector<1000x128xf32>
    %logistic3A = arith.negf %slice3A : vector<1000x128xf32>
    %logistic3A_45 = math.exp %logistic3A : vector<1000x128xf32>
    %logistic3A_46 = arith.constant 1.000000e+00 : f32
    %logistic3A_47 = vector.broadcast %logistic3A_46 : f32 to vector<1000x128xf32>
    %logistic3A_48 = arith.addf %logistic3A_47, %logistic3A_45 : vector<1000x128xf32>
    %logistic3A_49 = arith.divf %logistic3A_47, %logistic3A_48 : vector<1000x128xf32>
    %slice3A_50 = vector.extract_strided_slice %add3A_44 {offsets = [0, 128], sizes = [1000, 128], strides = [1, 1]} : vector<1000x512xf32> to vector<1000x128xf32>
    %logistic3A_51 = arith.negf %slice3A_50 : vector<1000x128xf32>
    %logistic3A_52 = math.exp %logistic3A_51 : vector<1000x128xf32>
    %logistic3A_53 = arith.constant 1.000000e+00 : f32
    %logistic3A_54 = vector.broadcast %logistic3A_53 : f32 to vector<1000x128xf32>
    %logistic3A_55 = arith.addf %logistic3A_54, %logistic3A_52 : vector<1000x128xf32>
    %logistic3A_56 = arith.divf %logistic3A_54, %logistic3A_55 : vector<1000x128xf32>
    %slice3A_57 = vector.extract_strided_slice %add3A_44 {offsets = [0, 256], sizes = [1000, 128], strides = [1, 1]} : vector<1000x512xf32> to vector<1000x128xf32>
    %tanh3A = math.tanh %slice3A_57 : vector<1000x128xf32>
    %slice3A_58 = vector.extract_strided_slice %add3A_44 {offsets = [0, 384], sizes = [1000, 128], strides = [1, 1]} : vector<1000x512xf32> to vector<1000x128xf32>
    %logistic3A_59 = arith.negf %slice3A_58 : vector<1000x128xf32>
    %logistic3A_60 = math.exp %logistic3A_59 : vector<1000x128xf32>
    %logistic3A_61 = arith.constant 1.000000e+00 : f32
    %logistic3A_62 = vector.broadcast %logistic3A_61 : f32 to vector<1000x128xf32>
    %logistic3A_63 = arith.addf %logistic3A_62, %logistic3A_60 : vector<1000x128xf32>
    %logistic3A_64 = arith.divf %logistic3A_62, %logistic3A_63 : vector<1000x128xf32>
    %mul3A_65 = arith.mulf %logistic3A_56, %get3A_28 : vector<1000x128xf32>
    %mul3A_66 = arith.mulf %logistic3A_49, %tanh3A : vector<1000x128xf32>
    %add3A_67 = arith.addf %mul3A_65, %mul3A_66 : vector<1000x128xf32>
    %tanh3A_68 = math.tanh %add3A_67 : vector<1000x128xf32>
    %mul3A_69 = arith.mulf %logistic3A_64, %tanh3A_68 : vector<1000x128xf32>
    %slice3A_70 = vector.extract_strided_slice %dot_general3A_12 {offsets = [0, 0], sizes = [1000, 1], strides = [1, 1]} : vector<1000x128xf32> to vector<1000x1xf32>
    %broadcast_in_dim3A_71 = vector.shape_cast %slice3A_70 : vector<1000x1xf32> to vector<1000x1xf32>
    %broadcast_in_dim3A_72 = vector.broadcast %broadcast_in_dim3A_71 : vector<1000x1xf32> to vector<1000x128xf32>
    %slice3A_73 = vector.extract_strided_slice %add3A_22 {offsets = [0, 0], sizes = [1000, 1], strides = [1, 1]} : vector<1000x128xf32> to vector<1000x1xf32>
    %broadcast_in_dim3A_74 = vector.shape_cast %slice3A_73 : vector<1000x1xf32> to vector<1000x1xf32>
    %broadcast_in_dim3A_75 = vector.broadcast %broadcast_in_dim3A_74 : vector<1000x1xf32> to vector<1000x128xf32>
    %mul3A_76 = arith.mulf %broadcast_in_dim3A_75, %mul3A_69 : vector<1000x128xf32>
    %get3A_77 = arith.constant 0 : index
    %get3A_78 = arith.constant 0 : index
    %get3A_79 = vector.load %arg11[%get3A_77, %get3A_78] : memref<1000x1408xf32, #tpu.memory_space<vmem>>, vector<1000x128xf32>
    %eq3A_80 = arith.constant 0.000000e+00 : f32
    %eq3A_81 = vector.broadcast %eq3A_80 : f32 to vector<1000x128xf32>
    %eq3A_82 = arith.cmpf oeq, %broadcast_in_dim3A_72, %eq3A_81 : vector<1000x128xf32>
    %jit3A_83 = arith.constant 0.000000e+00 : f32
    %broadcast_in_dim3A_84 = vector.broadcast %jit3A_83 : f32 to vector<1000x128xf32>
    %select_n3A_85 = arith.select %eq3A_82, %mul3A_76, %broadcast_in_dim3A_84 : vector<1000x128xi1>, vector<1000x128xf32>
    %add3A_86 = arith.addf %get3A_79, %select_n3A_85 : vector<1000x128xf32>
    %swap3A = arith.constant 0 : index
    %swap3A_87 = arith.constant 0 : index
    %swap3A_88 = vector.load %arg11[%swap3A, %swap3A_87] : memref<1000x1408xf32, #tpu.memory_space<vmem>>, vector<1000x128xf32>
    tpu.vector_store %arg11[%swap3A, %swap3A_87], %add3A_86 {strides = array<i32>} : memref<1000x1408xf32, #tpu.memory_space<vmem>>, vector<1000x128xf32>,
    %get3A_89 = arith.constant 0 : index
    %get3A_90 = arith.constant 128 : index
    %get3A_91 = vector.load %arg11[%get3A_89, %get3A_90] : memref<1000x1408xf32, #tpu.memory_space<vmem>>, vector<1000x128xf32>
    %eq3A_92 = arith.constant 1.000000e+00 : f32
    %eq3A_93 = vector.broadcast %eq3A_92 : f32 to vector<1000x128xf32>
    %eq3A_94 = arith.cmpf oeq, %broadcast_in_dim3A_72, %eq3A_93 : vector<1000x128xf32>
    %jit3A_95 = arith.constant 0.000000e+00 : f32
    %broadcast_in_dim3A_96 = vector.broadcast %jit3A_95 : f32 to vector<1000x128xf32>
    %select_n3A_97 = arith.select %eq3A_94, %mul3A_76, %broadcast_in_dim3A_96 : vector<1000x128xi1>, vector<1000x128xf32>
    %add3A_98 = arith.addf %get3A_91, %select_n3A_97 : vector<1000x128xf32>
    %swap3A_99 = arith.constant 0 : index
    %swap3A_100 = arith.constant 128 : index
    %swap3A_101 = vector.load %arg11[%swap3A_99, %swap3A_100] : memref<1000x1408xf32, #tpu.memory_space<vmem>>, vector<1000x128xf32>
    tpu.vector_store %arg11[%swap3A_99, %swap3A_100], %add3A_98 {strides = array<i32>} : memref<1000x1408xf32, #tpu.memory_space<vmem>>, vector<1000x128xf32>,
    %get3A_102 = arith.constant 0 : index
    %get3A_103 = arith.constant 256 : index
    %get3A_104 = vector.load %arg11[%get3A_102, %get3A_103] : memref<1000x1408xf32, #tpu.memory_space<vmem>>, vector<1000x128xf32>
    %eq3A_105 = arith.constant 2.000000e+00 : f32
    %eq3A_106 = vector.broadcast %eq3A_105 : f32 to vector<1000x128xf32>
    %eq3A_107 = arith.cmpf oeq, %broadcast_in_dim3A_72, %eq3A_106 : vector<1000x128xf32>
    %jit3A_108 = arith.constant 0.000000e+00 : f32
    %broadcast_in_dim3A_109 = vector.broadcast %jit3A_108 : f32 to vector<1000x128xf32>
    %select_n3A_110 = arith.select %eq3A_107, %mul3A_76, %broadcast_in_dim3A_109 : vector<1000x128xi1>, vector<1000x128xf32>
    %add3A_111 = arith.addf %get3A_104, %select_n3A_110 : vector<1000x128xf32>
    %swap3A_112 = arith.constant 0 : index
    %swap3A_113 = arith.constant 256 : index
    %swap3A_114 = vector.load %arg11[%swap3A_112, %swap3A_113] : memref<1000x1408xf32, #tpu.memory_space<vmem>>, vector<1000x128xf32>
    tpu.vector_store %arg11[%swap3A_112, %swap3A_113], %add3A_111 {strides = array<i32>} : memref<1000x1408xf32, #tpu.memory_space<vmem>>, vector<1000x128xf32>,
    %get3A_115 = arith.constant 0 : index
    %get3A_116 = arith.constant 384 : index
    %get3A_117 = vector.load %arg11[%get3A_115, %get3A_116] : memref<1000x1408xf32, #tpu.memory_space<vmem>>, vector<1000x128xf32>
    %eq3A_118 = arith.constant 3.000000e+00 : f32
    %eq3A_119 = vector.broadcast %eq3A_118 : f32 to vector<1000x128xf32>
    %eq3A_120 = arith.cmpf oeq, %broadcast_in_dim3A_72, %eq3A_119 : vector<1000x128xf32>
    %jit3A_121 = arith.constant 0.000000e+00 : f32
    %broadcast_in_dim3A_122 = vector.broadcast %jit3A_121 : f32 to vector<1000x128xf32>
    %select_n3A_123 = arith.select %eq3A_120, %mul3A_76, %broadcast_in_dim3A_122 : vector<1000x128xi1>, vector<1000x128xf32>
    %add3A_124 = arith.addf %get3A_117, %select_n3A_123 : vector<1000x128xf32>
    %swap3A_125 = arith.constant 0 : index
    %swap3A_126 = arith.constant 384 : index
    %swap3A_127 = vector.load %arg11[%swap3A_125, %swap3A_126] : memref<1000x1408xf32, #tpu.memory_space<vmem>>, vector<1000x128xf32>
    tpu.vector_store %arg11[%swap3A_125, %swap3A_126], %add3A_124 {strides = array<i32>} : memref<1000x1408xf32, #tpu.memory_space<vmem>>, vector<1000x128xf32>,
    %get3A_128 = arith.constant 0 : index
    %get3A_129 = arith.constant 512 : index
    %get3A_130 = vector.load %arg11[%get3A_128, %get3A_129] : memref<1000x1408xf32, #tpu.memory_space<vmem>>, vector<1000x128xf32>
    %eq3A_131 = arith.constant 4.000000e+00 : f32
    %eq3A_132 = vector.broadcast %eq3A_131 : f32 to vector<1000x128xf32>
    %eq3A_133 = arith.cmpf oeq, %broadcast_in_dim3A_72, %eq3A_132 : vector<1000x128xf32>
    %jit3A_134 = arith.constant 0.000000e+00 : f32
    %broadcast_in_dim3A_135 = vector.broadcast %jit3A_134 : f32 to vector<1000x128xf32>
    %select_n3A_136 = arith.select %eq3A_133, %mul3A_76, %broadcast_in_dim3A_135 : vector<1000x128xi1>, vector<1000x128xf32>
    %add3A_137 = arith.addf %get3A_130, %select_n3A_136 : vector<1000x128xf32>
    %swap3A_138 = arith.constant 0 : index
    %swap3A_139 = arith.constant 512 : index
    %swap3A_140 = vector.load %arg11[%swap3A_138, %swap3A_139] : memref<1000x1408xf32, #tpu.memory_space<vmem>>, vector<1000x128xf32>
    tpu.vector_store %arg11[%swap3A_138, %swap3A_139], %add3A_137 {strides = array<i32>} : memref<1000x1408xf32, #tpu.memory_space<vmem>>, vector<1000x128xf32>,
    %get3A_141 = arith.constant 0 : index
    %get3A_142 = arith.constant 640 : index
    %get3A_143 = vector.load %arg11[%get3A_141, %get3A_142] : memref<1000x1408xf32, #tpu.memory_space<vmem>>, vector<1000x128xf32>
    %eq3A_144 = arith.constant 5.000000e+00 : f32
    %eq3A_145 = vector.broadcast %eq3A_144 : f32 to vector<1000x128xf32>
    %eq3A_146 = arith.cmpf oeq, %broadcast_in_dim3A_72, %eq3A_145 : vector<1000x128xf32>
    %jit3A_147 = arith.constant 0.000000e+00 : f32
    %broadcast_in_dim3A_148 = vector.broadcast %jit3A_147 : f32 to vector<1000x128xf32>
    %select_n3A_149 = arith.select %eq3A_146, %mul3A_76, %broadcast_in_dim3A_148 : vector<1000x128xi1>, vector<1000x128xf32>
    %add3A_150 = arith.addf %get3A_143, %select_n3A_149 : vector<1000x128xf32>
    %swap3A_151 = arith.constant 0 : index
    %swap3A_152 = arith.constant 640 : index
    %swap3A_153 = vector.load %arg11[%swap3A_151, %swap3A_152] : memref<1000x1408xf32, #tpu.memory_space<vmem>>, vector<1000x128xf32>
    tpu.vector_store %arg11[%swap3A_151, %swap3A_152], %add3A_150 {strides = array<i32>} : memref<1000x1408xf32, #tpu.memory_space<vmem>>, vector<1000x128xf32>,
    %get3A_154 = arith.constant 0 : index
    %get3A_155 = arith.constant 768 : index
    %get3A_156 = vector.load %arg11[%get3A_154, %get3A_155] : memref<1000x1408xf32, #tpu.memory_space<vmem>>, vector<1000x128xf32>
    %eq3A_157 = arith.constant 6.000000e+00 : f32
    %eq3A_158 = vector.broadcast %eq3A_157 : f32 to vector<1000x128xf32>
    %eq3A_159 = arith.cmpf oeq, %broadcast_in_dim3A_72, %eq3A_158 : vector<1000x128xf32>
    %jit3A_160 = arith.constant 0.000000e+00 : f32
    %broadcast_in_dim3A_161 = vector.broadcast %jit3A_160 : f32 to vector<1000x128xf32>
    %select_n3A_162 = arith.select %eq3A_159, %mul3A_76, %broadcast_in_dim3A_161 : vector<1000x128xi1>, vector<1000x128xf32>
    %add3A_163 = arith.addf %get3A_156, %select_n3A_162 : vector<1000x128xf32>
    %swap3A_164 = arith.constant 0 : index
    %swap3A_165 = arith.constant 768 : index
    %swap3A_166 = vector.load %arg11[%swap3A_164, %swap3A_165] : memref<1000x1408xf32, #tpu.memory_space<vmem>>, vector<1000x128xf32>
    tpu.vector_store %arg11[%swap3A_164, %swap3A_165], %add3A_163 {strides = array<i32>} : memref<1000x1408xf32, #tpu.memory_space<vmem>>, vector<1000x128xf32>,
    %get3A_167 = arith.constant 0 : index
    %get3A_168 = arith.constant 896 : index
    %get3A_169 = vector.load %arg11[%get3A_167, %get3A_168] : memref<1000x1408xf32, #tpu.memory_space<vmem>>, vector<1000x128xf32>
    %eq3A_170 = arith.constant 7.000000e+00 : f32
    %eq3A_171 = vector.broadcast %eq3A_170 : f32 to vector<1000x128xf32>
    %eq3A_172 = arith.cmpf oeq, %broadcast_in_dim3A_72, %eq3A_171 : vector<1000x128xf32>
    %jit3A_173 = arith.constant 0.000000e+00 : f32
    %broadcast_in_dim3A_174 = vector.broadcast %jit3A_173 : f32 to vector<1000x128xf32>
    %select_n3A_175 = arith.select %eq3A_172, %mul3A_76, %broadcast_in_dim3A_174 : vector<1000x128xi1>, vector<1000x128xf32>
    %add3A_176 = arith.addf %get3A_169, %select_n3A_175 : vector<1000x128xf32>
    %swap3A_177 = arith.constant 0 : index
    %swap3A_178 = arith.constant 896 : index
    %swap3A_179 = vector.load %arg11[%swap3A_177, %swap3A_178] : memref<1000x1408xf32, #tpu.memory_space<vmem>>, vector<1000x128xf32>
    tpu.vector_store %arg11[%swap3A_177, %swap3A_178], %add3A_176 {strides = array<i32>} : memref<1000x1408xf32, #tpu.memory_space<vmem>>, vector<1000x128xf32>,
    %get3A_180 = arith.constant 0 : index
    %get3A_181 = arith.constant 1024 : index
    %get3A_182 = vector.load %arg11[%get3A_180, %get3A_181] : memref<1000x1408xf32, #tpu.memory_space<vmem>>, vector<1000x128xf32>
    %eq3A_183 = arith.constant 8.000000e+00 : f32
    %eq3A_184 = vector.broadcast %eq3A_183 : f32 to vector<1000x128xf32>
    %eq3A_185 = arith.cmpf oeq, %broadcast_in_dim3A_72, %eq3A_184 : vector<1000x128xf32>
    %jit3A_186 = arith.constant 0.000000e+00 : f32
    %broadcast_in_dim3A_187 = vector.broadcast %jit3A_186 : f32 to vector<1000x128xf32>
    %select_n3A_188 = arith.select %eq3A_185, %mul3A_76, %broadcast_in_dim3A_187 : vector<1000x128xi1>, vector<1000x128xf32>
    %add3A_189 = arith.addf %get3A_182, %select_n3A_188 : vector<1000x128xf32>
    %swap3A_190 = arith.constant 0 : index
    %swap3A_191 = arith.constant 1024 : index
    %swap3A_192 = vector.load %arg11[%swap3A_190, %swap3A_191] : memref<1000x1408xf32, #tpu.memory_space<vmem>>, vector<1000x128xf32>
    tpu.vector_store %arg11[%swap3A_190, %swap3A_191], %add3A_189 {strides = array<i32>} : memref<1000x1408xf32, #tpu.memory_space<vmem>>, vector<1000x128xf32>,
    %get3A_193 = arith.constant 0 : index
    %get3A_194 = arith.constant 1152 : index
    %get3A_195 = vector.load %arg11[%get3A_193, %get3A_194] : memref<1000x1408xf32, #tpu.memory_space<vmem>>, vector<1000x128xf32>
    %eq3A_196 = arith.constant 9.000000e+00 : f32
    %eq3A_197 = vector.broadcast %eq3A_196 : f32 to vector<1000x128xf32>
    %eq3A_198 = arith.cmpf oeq, %broadcast_in_dim3A_72, %eq3A_197 : vector<1000x128xf32>
    %jit3A_199 = arith.constant 0.000000e+00 : f32
    %broadcast_in_dim3A_200 = vector.broadcast %jit3A_199 : f32 to vector<1000x128xf32>
    %select_n3A_201 = arith.select %eq3A_198, %mul3A_76, %broadcast_in_dim3A_200 : vector<1000x128xi1>, vector<1000x128xf32>
    %add3A_202 = arith.addf %get3A_195, %select_n3A_201 : vector<1000x128xf32>
    %swap3A_203 = arith.constant 0 : index
    %swap3A_204 = arith.constant 1152 : index
    %swap3A_205 = vector.load %arg11[%swap3A_203, %swap3A_204] : memref<1000x1408xf32, #tpu.memory_space<vmem>>, vector<1000x128xf32>
    tpu.vector_store %arg11[%swap3A_203, %swap3A_204], %add3A_202 {strides = array<i32>} : memref<1000x1408xf32, #tpu.memory_space<vmem>>, vector<1000x128xf32>,
    %get3A_206 = arith.constant 0 : index
    %get3A_207 = arith.constant 1280 : index
    %get3A_208 = vector.load %arg11[%get3A_206, %get3A_207] : memref<1000x1408xf32, #tpu.memory_space<vmem>>, vector<1000x128xf32>
    %eq3A_209 = arith.constant 1.000000e+01 : f32
    %eq3A_210 = vector.broadcast %eq3A_209 : f32 to vector<1000x128xf32>
    %eq3A_211 = arith.cmpf oeq, %broadcast_in_dim3A_72, %eq3A_210 : vector<1000x128xf32>
    %jit3A_212 = arith.constant 0.000000e+00 : f32
    %broadcast_in_dim3A_213 = vector.broadcast %jit3A_212 : f32 to vector<1000x128xf32>
    %select_n3A_214 = arith.select %eq3A_211, %mul3A_76, %broadcast_in_dim3A_213 : vector<1000x128xi1>, vector<1000x128xf32>
    %add3A_215 = arith.addf %get3A_208, %select_n3A_214 : vector<1000x128xf32>
    %swap3A_216 = arith.constant 0 : index
    %swap3A_217 = arith.constant 1280 : index
    %swap3A_218 = vector.load %arg11[%swap3A_216, %swap3A_217] : memref<1000x1408xf32, #tpu.memory_space<vmem>>, vector<1000x128xf32>
    tpu.vector_store %arg11[%swap3A_216, %swap3A_217], %add3A_215 {strides = array<i32>} : memref<1000x1408xf32, #tpu.memory_space<vmem>>, vector<1000x128xf32>,
    %get3A_219 = arith.constant 0 : index
    %get3A_220 = arith.constant 1 : index
    %get3A_221 = arith.constant 0 : index
    %get3A_222 = vector.load %arg2[%get3A_219, %get3A_220, %get3A_221] : memref<1000x8x128xf32, #tpu.memory_space<vmem>>, vector<1000x1x128xf32>
    %get3A_223 = vector.shape_cast %get3A_222 : vector<1000x1x128xf32> to vector<1000x128xf32>
    %get3A_224 = arith.constant 0 : index
    %get3A_225 = arith.constant 0 : index
    %get3A_226 = vector.load %arg5[%get3A_224, %get3A_225] : memref<128x512xf32, #tpu.memory_space<vmem>>, vector<128x512xf32>
    %dot_general3A_227 = arith.constant dense<0.000000e+00> : vector<1000x512xf32>
    %dot_general3A_228 = tpu.matmul %get3A_223, %get3A_226, %dot_general3A_227 {dimension_numbers = #tpu.dot_dimension_numbers<[1], [0], [0], [1], [0, 0, 1, 1], [], []>, transpose_lhs_hint = false} : vector<1000x128xf32>, vector<128x512xf32>, vector<1000x512xf32> -> vector<1000x512xf32>
    %get3A_229 = arith.constant 0 : index
    %get3A_230 = arith.constant 0 : index
    %get3A_231 = vector.load %arg6[%get3A_229, %get3A_230] : memref<128x512xf32, #tpu.memory_space<vmem>>, vector<128x512xf32>
    %dot_general3A_232 = arith.constant dense<0.000000e+00> : vector<1000x512xf32>
    %dot_general3A_233 = tpu.matmul %mul3A_69, %get3A_231, %dot_general3A_232 {dimension_numbers = #tpu.dot_dimension_numbers<[1], [0], [0], [1], [0, 0, 1, 1], [], []>, transpose_lhs_hint = false} : vector<1000x128xf32>, vector<128x512xf32>, vector<1000x512xf32> -> vector<1000x512xf32>
    %add3A_234 = arith.addf %dot_general3A_228, %dot_general3A_233 : vector<1000x512xf32>
    %slice3A_235 = vector.extract_strided_slice %add3A_234 {offsets = [0, 0], sizes = [1000, 128], strides = [1, 1]} : vector<1000x512xf32> to vector<1000x128xf32>
    %logistic3A_236 = arith.negf %slice3A_235 : vector<1000x128xf32>
    %logistic3A_237 = math.exp %logistic3A_236 : vector<1000x128xf32>
    %logistic3A_238 = arith.constant 1.000000e+00 : f32
    %logistic3A_239 = vector.broadcast %logistic3A_238 : f32 to vector<1000x128xf32>
    %logistic3A_240 = arith.addf %logistic3A_239, %logistic3A_237 : vector<1000x128xf32>
    %logistic3A_241 = arith.divf %logistic3A_239, %logistic3A_240 : vector<1000x128xf32>
    %slice3A_242 = vector.extract_strided_slice %add3A_234 {offsets = [0, 128], sizes = [1000, 128], strides = [1, 1]} : vector<1000x512xf32> to vector<1000x128xf32>
    %logistic3A_243 = arith.negf %slice3A_242 : vector<1000x128xf32>
    %logistic3A_244 = math.exp %logistic3A_243 : vector<1000x128xf32>
    %logistic3A_245 = arith.constant 1.000000e+00 : f32
    %logistic3A_246 = vector.broadcast %logistic3A_245 : f32 to vector<1000x128xf32>
    %logistic3A_247 = arith.addf %logistic3A_246, %logistic3A_244 : vector<1000x128xf32>
    %logistic3A_248 = arith.divf %logistic3A_246, %logistic3A_247 : vector<1000x128xf32>
    %slice3A_249 = vector.extract_strided_slice %add3A_234 {offsets = [0, 256], sizes = [1000, 128], strides = [1, 1]} : vector<1000x512xf32> to vector<1000x128xf32>
    %tanh3A_250 = math.tanh %slice3A_249 : vector<1000x128xf32>
    %slice3A_251 = vector.extract_strided_slice %add3A_234 {offsets = [0, 384], sizes = [1000, 128], strides = [1, 1]} : vector<1000x512xf32> to vector<1000x128xf32>
    %logistic3A_252 = arith.negf %slice3A_251 : vector<1000x128xf32>
    %logistic3A_253 = math.exp %logistic3A_252 : vector<1000x128xf32>
    %logistic3A_254 = arith.constant 1.000000e+00 : f32
    %logistic3A_255 = vector.broadcast %logistic3A_254 : f32 to vector<1000x128xf32>
    %logistic3A_256 = arith.addf %logistic3A_255, %logistic3A_253 : vector<1000x128xf32>
    %logistic3A_257 = arith.divf %logistic3A_255, %logistic3A_256 : vector<1000x128xf32>
    %mul3A_258 = arith.mulf %logistic3A_248, %add3A_67 : vector<1000x128xf32>
    %mul3A_259 = arith.mulf %logistic3A_241, %tanh3A_250 : vector<1000x128xf32>
    %add3A_260 = arith.addf %mul3A_258, %mul3A_259 : vector<1000x128xf32>
    %tanh3A_261 = math.tanh %add3A_260 : vector<1000x128xf32>
    %mul3A_262 = arith.mulf %logistic3A_257, %tanh3A_261 : vector<1000x128xf32>
    %slice3A_263 = vector.extract_strided_slice %dot_general3A_12 {offsets = [0, 1], sizes = [1000, 1], strides = [1, 1]} : vector<1000x128xf32> to vector<1000x1xf32>
    %broadcast_in_dim3A_264 = vector.shape_cast %slice3A_263 : vector<1000x1xf32> to vector<1000x1xf32>
    %broadcast_in_dim3A_265 = vector.broadcast %broadcast_in_dim3A_264 : vector<1000x1xf32> to vector<1000x128xf32>
    %slice3A_266 = vector.extract_strided_slice %add3A_22 {offsets = [0, 1], sizes = [1000, 1], strides = [1, 1]} : vector<1000x128xf32> to vector<1000x1xf32>
    %broadcast_in_dim3A_267 = vector.shape_cast %slice3A_266 : vector<1000x1xf32> to vector<1000x1xf32>
    %broadcast_in_dim3A_268 = vector.broadcast %broadcast_in_dim3A_267 : vector<1000x1xf32> to vector<1000x128xf32>
    %mul3A_269 = arith.mulf %broadcast_in_dim3A_268, %mul3A_262 : vector<1000x128xf32>
    %get3A_270 = arith.constant 0 : index
    %get3A_271 = arith.constant 0 : index
    %get3A_272 = vector.load %arg11[%get3A_270, %get3A_271] : memref<1000x1408xf32, #tpu.memory_space<vmem>>, vector<1000x128xf32>
    %eq3A_273 = arith.constant 0.000000e+00 : f32
    %eq3A_274 = vector.broadcast %eq3A_273 : f32 to vector<1000x128xf32>
    %eq3A_275 = arith.cmpf oeq, %broadcast_in_dim3A_265, %eq3A_274 : vector<1000x128xf32>
    %jit3A_276 = arith.constant 0.000000e+00 : f32
    %broadcast_in_dim3A_277 = vector.broadcast %jit3A_276 : f32 to vector<1000x128xf32>
    %select_n3A_278 = arith.select %eq3A_275, %mul3A_269, %broadcast_in_dim3A_277 : vector<1000x128xi1>, vector<1000x128xf32>
    %add3A_279 = arith.addf %get3A_272, %select_n3A_278 : vector<1000x128xf32>
    %swap3A_280 = arith.constant 0 : index
    %swap3A_281 = arith.constant 0 : index
    %swap3A_282 = vector.load %arg11[%swap3A_280, %swap3A_281] : memref<1000x1408xf32, #tpu.memory_space<vmem>>, vector<1000x128xf32>
    tpu.vector_store %arg11[%swap3A_280, %swap3A_281], %add3A_279 {strides = array<i32>} : memref<1000x1408xf32, #tpu.memory_space<vmem>>, vector<1000x128xf32>,
    %get3A_283 = arith.constant 0 : index
    %get3A_284 = arith.constant 128 : index
    %get3A_285 = vector.load %arg11[%get3A_283, %get3A_284] : memref<1000x1408xf32, #tpu.memory_space<vmem>>, vector<1000x128xf32>
    %eq3A_286 = arith.constant 1.000000e+00 : f32
    %eq3A_287 = vector.broadcast %eq3A_286 : f32 to vector<1000x128xf32>
    %eq3A_288 = arith.cmpf oeq, %broadcast_in_dim3A_265, %eq3A_287 : vector<1000x128xf32>
    %jit3A_289 = arith.constant 0.000000e+00 : f32
    %broadcast_in_dim3A_290 = vector.broadcast %jit3A_289 : f32 to vector<1000x128xf32>
    %select_n3A_291 = arith.select %eq3A_288, %mul3A_269, %broadcast_in_dim3A_290 : vector<1000x128xi1>, vector<1000x128xf32>
    %add3A_292 = arith.addf %get3A_285, %select_n3A_291 : vector<1000x128xf32>
    %swap3A_293 = arith.constant 0 : index
    %swap3A_294 = arith.constant 128 : index
    %swap3A_295 = vector.load %arg11[%swap3A_293, %swap3A_294] : memref<1000x1408xf32, #tpu.memory_space<vmem>>, vector<1000x128xf32>
    tpu.vector_store %arg11[%swap3A_293, %swap3A_294], %add3A_292 {strides = array<i32>} : memref<1000x1408xf32, #tpu.memory_space<vmem>>, vector<1000x128xf32>,
    %get3A_296 = arith.constant 0 : index
    %get3A_297 = arith.constant 256 : index
    %get3A_298 = vector.load %arg11[%get3A_296, %get3A_297] : memref<1000x1408xf32, #tpu.memory_space<vmem>>, vector<1000x128xf32>
    %eq3A_299 = arith.constant 2.000000e+00 : f32
    %eq3A_300 = vector.broadcast %eq3A_299 : f32 to vector<1000x128xf32>
    %eq3A_301 = arith.cmpf oeq, %broadcast_in_dim3A_265, %eq3A_300 : vector<1000x128xf32>
    %jit3A_302 = arith.constant 0.000000e+00 : f32
    %broadcast_in_dim3A_303 = vector.broadcast %jit3A_302 : f32 to vector<1000x128xf32>
    %select_n3A_304 = arith.select %eq3A_301, %mul3A_269, %broadcast_in_dim3A_303 : vector<1000x128xi1>, vector<1000x128xf32>
    %add3A_305 = arith.addf %get3A_298, %select_n3A_304 : vector<1000x128xf32>
    %swap3A_306 = arith.constant 0 : index
    %swap3A_307 = arith.constant 256 : index
    %swap3A_308 = vector.load %arg11[%swap3A_306, %swap3A_307] : memref<1000x1408xf32, #tpu.memory_space<vmem>>, vector<1000x128xf32>
    tpu.vector_store %arg11[%swap3A_306, %swap3A_307], %add3A_305 {strides = array<i32>} : memref<1000x1408xf32, #tpu.memory_space<vmem>>, vector<1000x128xf32>,
    %get3A_309 = arith.constant 0 : index
    %get3A_310 = arith.constant 384 : index
    %get3A_311 = vector.load %arg11[%get3A_309, %get3A_310] : memref<1000x1408xf32, #tpu.memory_space<vmem>>, vector<1000x128xf32>
    %eq3A_312 = arith.constant 3.000000e+00 : f32
    %eq3A_313 = vector.broadcast %eq3A_312 : f32 to vector<1000x128xf32>
    %eq3A_314 = arith.cmpf oeq, %broadcast_in_dim3A_265, %eq3A_313 : vector<1000x128xf32>
    %jit3A_315 = arith.constant 0.000000e+00 : f32
    %broadcast_in_dim3A_316 = vector.broadcast %jit3A_315 : f32 to vector<1000x128xf32>
    %select_n3A_317 = arith.select %eq3A_314, %mul3A_269, %broadcast_in_dim3A_316 : vector<1000x128xi1>, vector<1000x128xf32>
    %add3A_318 = arith.addf %get3A_311, %select_n3A_317 : vector<1000x128xf32>
    %swap3A_319 = arith.constant 0 : index
    %swap3A_320 = arith.constant 384 : index
    %swap3A_321 = vector.load %arg11[%swap3A_319, %swap3A_320] : memref<1000x1408xf32, #tpu.memory_space<vmem>>, vector<1000x128xf32>
    tpu.vector_store %arg11[%swap3A_319, %swap3A_320], %add3A_318 {strides = array<i32>} : memref<1000x1408xf32, #tpu.memory_space<vmem>>, vector<1000x128xf32>,
    %get3A_322 = arith.constant 0 : index
    %get3A_323 = arith.constant 512 : index
    %get3A_324 = vector.load %arg11[%get3A_322, %get3A_323] : memref<1000x1408xf32, #tpu.memory_space<vmem>>, vector<1000x128xf32>
    %eq3A_325 = arith.constant 4.000000e+00 : f32
    %eq3A_326 = vector.broadcast %eq3A_325 : f32 to vector<1000x128xf32>
    %eq3A_327 = arith.cmpf oeq, %broadcast_in_dim3A_265, %eq3A_326 : vector<1000x128xf32>
    %jit3A_328 = arith.constant 0.000000e+00 : f32
    %broadcast_in_dim3A_329 = vector.broadcast %jit3A_328 : f32 to vector<1000x128xf32>
    %select_n3A_330 = arith.select %eq3A_327, %mul3A_269, %broadcast_in_dim3A_329 : vector<1000x128xi1>, vector<1000x128xf32>
    %add3A_331 = arith.addf %get3A_324, %select_n3A_330 : vector<1000x128xf32>
    %swap3A_332 = arith.constant 0 : index
    %swap3A_333 = arith.constant 512 : index
    %swap3A_334 = vector.load %arg11[%swap3A_332, %swap3A_333] : memref<1000x1408xf32, #tpu.memory_space<vmem>>, vector<1000x128xf32>
    tpu.vector_store %arg11[%swap3A_332, %swap3A_333], %add3A_331 {strides = array<i32>} : memref<1000x1408xf32, #tpu.memory_space<vmem>>, vector<1000x128xf32>,
    %get3A_335 = arith.constant 0 : index
    %get3A_336 = arith.constant 640 : index
    %get3A_337 = vector.load %arg11[%get3A_335, %get3A_336] : memref<1000x1408xf32, #tpu.memory_space<vmem>>, vector<1000x128xf32>
    %eq3A_338 = arith.constant 5.000000e+00 : f32
    %eq3A_339 = vector.broadcast %eq3A_338 : f32 to vector<1000x128xf32>
    %eq3A_340 = arith.cmpf oeq, %broadcast_in_dim3A_265, %eq3A_339 : vector<1000x128xf32>
    %jit3A_341 = arith.constant 0.000000e+00 : f32
    %broadcast_in_dim3A_342 = vector.broadcast %jit3A_341 : f32 to vector<1000x128xf32>
    %select_n3A_343 = arith.select %eq3A_340, %mul3A_269, %broadcast_in_dim3A_342 : vector<1000x128xi1>, vector<1000x128xf32>
    %add3A_344 = arith.addf %get3A_337, %select_n3A_343 : vector<1000x128xf32>
    %swap3A_345 = arith.constant 0 : index
    %swap3A_346 = arith.constant 640 : index
    %swap3A_347 = vector.load %arg11[%swap3A_345, %swap3A_346] : memref<1000x1408xf32, #tpu.memory_space<vmem>>, vector<1000x128xf32>
    tpu.vector_store %arg11[%swap3A_345, %swap3A_346], %add3A_344 {strides = array<i32>} : memref<1000x1408xf32, #tpu.memory_space<vmem>>, vector<1000x128xf32>,
    %get3A_348 = arith.constant 0 : index
    %get3A_349 = arith.constant 768 : index
    %get3A_350 = vector.load %arg11[%get3A_348, %get3A_349] : memref<1000x1408xf32, #tpu.memory_space<vmem>>, vector<1000x128xf32>
    %eq3A_351 = arith.constant 6.000000e+00 : f32
    %eq3A_352 = vector.broadcast %eq3A_351 : f32 to vector<1000x128xf32>
    %eq3A_353 = arith.cmpf oeq, %broadcast_in_dim3A_265, %eq3A_352 : vector<1000x128xf32>
    %jit3A_354 = arith.constant 0.000000e+00 : f32
    %broadcast_in_dim3A_355 = vector.broadcast %jit3A_354 : f32 to vector<1000x128xf32>
    %select_n3A_356 = arith.select %eq3A_353, %mul3A_269, %broadcast_in_dim3A_355 : vector<1000x128xi1>, vector<1000x128xf32>
    %add3A_357 = arith.addf %get3A_350, %select_n3A_356 : vector<1000x128xf32>
    %swap3A_358 = arith.constant 0 : index
    %swap3A_359 = arith.constant 768 : index
    %swap3A_360 = vector.load %arg11[%swap3A_358, %swap3A_359] : memref<1000x1408xf32, #tpu.memory_space<vmem>>, vector<1000x128xf32>
    tpu.vector_store %arg11[%swap3A_358, %swap3A_359], %add3A_357 {strides = array<i32>} : memref<1000x1408xf32, #tpu.memory_space<vmem>>, vector<1000x128xf32>,
    %get3A_361 = arith.constant 0 : index
    %get3A_362 = arith.constant 896 : index
    %get3A_363 = vector.load %arg11[%get3A_361, %get3A_362] : memref<1000x1408xf32, #tpu.memory_space<vmem>>, vector<1000x128xf32>
    %eq3A_364 = arith.constant 7.000000e+00 : f32
    %eq3A_365 = vector.broadcast %eq3A_364 : f32 to vector<1000x128xf32>
    %eq3A_366 = arith.cmpf oeq, %broadcast_in_dim3A_265, %eq3A_365 : vector<1000x128xf32>
    %jit3A_367 = arith.constant 0.000000e+00 : f32
    %broadcast_in_dim3A_368 = vector.broadcast %jit3A_367 : f32 to vector<1000x128xf32>
    %select_n3A_369 = arith.select %eq3A_366, %mul3A_269, %broadcast_in_dim3A_368 : vector<1000x128xi1>, vector<1000x128xf32>
    %add3A_370 = arith.addf %get3A_363, %select_n3A_369 : vector<1000x128xf32>
    %swap3A_371 = arith.constant 0 : index
    %swap3A_372 = arith.constant 896 : index
    %swap3A_373 = vector.load %arg11[%swap3A_371, %swap3A_372] : memref<1000x1408xf32, #tpu.memory_space<vmem>>, vector<1000x128xf32>
    tpu.vector_store %arg11[%swap3A_371, %swap3A_372], %add3A_370 {strides = array<i32>} : memref<1000x1408xf32, #tpu.memory_space<vmem>>, vector<1000x128xf32>,
    %get3A_374 = arith.constant 0 : index
    %get3A_375 = arith.constant 1024 : index
    %get3A_376 = vector.load %arg11[%get3A_374, %get3A_375] : memref<1000x1408xf32, #tpu.memory_space<vmem>>, vector<1000x128xf32>
    %eq3A_377 = arith.constant 8.000000e+00 : f32
    %eq3A_378 = vector.broadcast %eq3A_377 : f32 to vector<1000x128xf32>
    %eq3A_379 = arith.cmpf oeq, %broadcast_in_dim3A_265, %eq3A_378 : vector<1000x128xf32>
    %jit3A_380 = arith.constant 0.000000e+00 : f32
    %broadcast_in_dim3A_381 = vector.broadcast %jit3A_380 : f32 to vector<1000x128xf32>
    %select_n3A_382 = arith.select %eq3A_379, %mul3A_269, %broadcast_in_dim3A_381 : vector<1000x128xi1>, vector<1000x128xf32>
    %add3A_383 = arith.addf %get3A_376, %select_n3A_382 : vector<1000x128xf32>
    %swap3A_384 = arith.constant 0 : index
    %swap3A_385 = arith.constant 1024 : index
    %swap3A_386 = vector.load %arg11[%swap3A_384, %swap3A_385] : memref<1000x1408xf32, #tpu.memory_space<vmem>>, vector<1000x128xf32>
    tpu.vector_store %arg11[%swap3A_384, %swap3A_385], %add3A_383 {strides = array<i32>} : memref<1000x1408xf32, #tpu.memory_space<vmem>>, vector<1000x128xf32>,
    %get3A_387 = arith.constant 0 : index
    %get3A_388 = arith.constant 1152 : index
    %get3A_389 = vector.load %arg11[%get3A_387, %get3A_388] : memref<1000x1408xf32, #tpu.memory_space<vmem>>, vector<1000x128xf32>
    %eq3A_390 = arith.constant 9.000000e+00 : f32
    %eq3A_391 = vector.broadcast %eq3A_390 : f32 to vector<1000x128xf32>
    %eq3A_392 = arith.cmpf oeq, %broadcast_in_dim3A_265, %eq3A_391 : vector<1000x128xf32>
    %jit3A_393 = arith.constant 0.000000e+00 : f32
    %broadcast_in_dim3A_394 = vector.broadcast %jit3A_393 : f32 to vector<1000x128xf32>
    %select_n3A_395 = arith.select %eq3A_392, %mul3A_269, %broadcast_in_dim3A_394 : vector<1000x128xi1>, vector<1000x128xf32>
    %add3A_396 = arith.addf %get3A_389, %select_n3A_395 : vector<1000x128xf32>
    %swap3A_397 = arith.constant 0 : index
    %swap3A_398 = arith.constant 1152 : index
    %swap3A_399 = vector.load %arg11[%swap3A_397, %swap3A_398] : memref<1000x1408xf32, #tpu.memory_space<vmem>>, vector<1000x128xf32>
    tpu.vector_store %arg11[%swap3A_397, %swap3A_398], %add3A_396 {strides = array<i32>} : memref<1000x1408xf32, #tpu.memory_space<vmem>>, vector<1000x128xf32>,
    %get3A_400 = arith.constant 0 : index
    %get3A_401 = arith.constant 1280 : index
    %get3A_402 = vector.load %arg11[%get3A_400, %get3A_401] : memref<1000x1408xf32, #tpu.memory_space<vmem>>, vector<1000x128xf32>
    %eq3A_403 = arith.constant 1.000000e+01 : f32
    %eq3A_404 = vector.broadcast %eq3A_403 : f32 to vector<1000x128xf32>
    %eq3A_405 = arith.cmpf oeq, %broadcast_in_dim3A_265, %eq3A_404 : vector<1000x128xf32>
    %jit3A_406 = arith.constant 0.000000e+00 : f32
    %broadcast_in_dim3A_407 = vector.broadcast %jit3A_406 : f32 to vector<1000x128xf32>
    %select_n3A_408 = arith.select %eq3A_405, %mul3A_269, %broadcast_in_dim3A_407 : vector<1000x128xi1>, vector<1000x128xf32>
    %add3A_409 = arith.addf %get3A_402, %select_n3A_408 : vector<1000x128xf32>
    %swap3A_410 = arith.constant 0 : index
    %swap3A_411 = arith.constant 1280 : index
    %swap3A_412 = vector.load %arg11[%swap3A_410, %swap3A_411] : memref<1000x1408xf32, #tpu.memory_space<vmem>>, vector<1000x128xf32>
    tpu.vector_store %arg11[%swap3A_410, %swap3A_411], %add3A_409 {strides = array<i32>} : memref<1000x1408xf32, #tpu.memory_space<vmem>>, vector<1000x128xf32>,
    %get3A_413 = arith.constant 0 : index
    %get3A_414 = arith.constant 2 : index
    %get3A_415 = arith.constant 0 : index
    %get3A_416 = vector.load %arg2[%get3A_413, %get3A_414, %get3A_415] : memref<1000x8x128xf32, #tpu.memory_space<vmem>>, vector<1000x1x128xf32>
    %get3A_417 = vector.shape_cast %get3A_416 : vector<1000x1x128xf32> to vector<1000x128xf32>
    %get3A_418 = arith.constant 0 : index
    %get3A_419 = arith.constant 0 : index
    %get3A_420 = vector.load %arg5[%get3A_418, %get3A_419] : memref<128x512xf32, #tpu.memory_space<vmem>>, vector<128x512xf32>
    %dot_general3A_421 = arith.constant dense<0.000000e+00> : vector<1000x512xf32>
    %dot_general3A_422 = tpu.matmul %get3A_417, %get3A_420, %dot_general3A_421 {dimension_numbers = #tpu.dot_dimension_numbers<[1], [0], [0], [1], [0, 0, 1, 1], [], []>, transpose_lhs_hint = false} : vector<1000x128xf32>, vector<128x512xf32>, vector<1000x512xf32> -> vector<1000x512xf32>
    %get3A_423 = arith.constant 0 : index
    %get3A_424 = arith.constant 0 : index
    %get3A_425 = vector.load %arg6[%get3A_423, %get3A_424] : memref<128x512xf32, #tpu.memory_space<vmem>>, vector<128x512xf32>
    %dot_general3A_426 = arith.constant dense<0.000000e+00> : vector<1000x512xf32>
    %dot_general3A_427 = tpu.matmul %mul3A_262, %get3A_425, %dot_general3A_426 {dimension_numbers = #tpu.dot_dimension_numbers<[1], [0], [0], [1], [0, 0, 1, 1], [], []>, transpose_lhs_hint = false} : vector<1000x128xf32>, vector<128x512xf32>, vector<1000x512xf32> -> vector<1000x512xf32>
    %add3A_428 = arith.addf %dot_general3A_422, %dot_general3A_427 : vector<1000x512xf32>
    %slice3A_429 = vector.extract_strided_slice %add3A_428 {offsets = [0, 0], sizes = [1000, 128], strides = [1, 1]} : vector<1000x512xf32> to vector<1000x128xf32>
    %logistic3A_430 = arith.negf %slice3A_429 : vector<1000x128xf32>
    %logistic3A_431 = math.exp %logistic3A_430 : vector<1000x128xf32>
    %logistic3A_432 = arith.constant 1.000000e+00 : f32
    %logistic3A_433 = vector.broadcast %logistic3A_432 : f32 to vector<1000x128xf32>
    %logistic3A_434 = arith.addf %logistic3A_433, %logistic3A_431 : vector<1000x128xf32>
    %logistic3A_435 = arith.divf %logistic3A_433, %logistic3A_434 : vector<1000x128xf32>
    %slice3A_436 = vector.extract_strided_slice %add3A_428 {offsets = [0, 128], sizes = [1000, 128], strides = [1, 1]} : vector<1000x512xf32> to vector<1000x128xf32>
    %logistic3A_437 = arith.negf %slice3A_436 : vector<1000x128xf32>
    %logistic3A_438 = math.exp %logistic3A_437 : vector<1000x128xf32>
    %logistic3A_439 = arith.constant 1.000000e+00 : f32
    %logistic3A_440 = vector.broadcast %logistic3A_439 : f32 to vector<1000x128xf32>
    %logistic3A_441 = arith.addf %logistic3A_440, %logistic3A_438 : vector<1000x128xf32>
    %logistic3A_442 = arith.divf %logistic3A_440, %logistic3A_441 : vector<1000x128xf32>
    %slice3A_443 = vector.extract_strided_slice %add3A_428 {offsets = [0, 256], sizes = [1000, 128], strides = [1, 1]} : vector<1000x512xf32> to vector<1000x128xf32>
    %tanh3A_444 = math.tanh %slice3A_443 : vector<1000x128xf32>
    %slice3A_445 = vector.extract_strided_slice %add3A_428 {offsets = [0, 384], sizes = [1000, 128], strides = [1, 1]} : vector<1000x512xf32> to vector<1000x128xf32>
    %logistic3A_446 = arith.negf %slice3A_445 : vector<1000x128xf32>
    %logistic3A_447 = math.exp %logistic3A_446 : vector<1000x128xf32>
    %logistic3A_448 = arith.constant 1.000000e+00 : f32
    %logistic3A_449 = vector.broadcast %logistic3A_448 : f32 to vector<1000x128xf32>
    %logistic3A_450 = arith.addf %logistic3A_449, %logistic3A_447 : vector<1000x128xf32>
    %logistic3A_451 = arith.divf %logistic3A_449, %logistic3A_450 : vector<1000x128xf32>
    %mul3A_452 = arith.mulf %logistic3A_442, %add3A_260 : vector<1000x128xf32>
    %mul3A_453 = arith.mulf %logistic3A_435, %tanh3A_444 : vector<1000x128xf32>
    %add3A_454 = arith.addf %mul3A_452, %mul3A_453 : vector<1000x128xf32>
    %tanh3A_455 = math.tanh %add3A_454 : vector<1000x128xf32>
    %mul3A_456 = arith.mulf %logistic3A_451, %tanh3A_455 : vector<1000x128xf32>
    %slice3A_457 = vector.extract_strided_slice %dot_general3A_12 {offsets = [0, 2], sizes = [1000, 1], strides = [1, 1]} : vector<1000x128xf32> to vector<1000x1xf32>
    %broadcast_in_dim3A_458 = vector.shape_cast %slice3A_457 : vector<1000x1xf32> to vector<1000x1xf32>
    %broadcast_in_dim3A_459 = vector.broadcast %broadcast_in_dim3A_458 : vector<1000x1xf32> to vector<1000x128xf32>
    %slice3A_460 = vector.extract_strided_slice %add3A_22 {offsets = [0, 2], sizes = [1000, 1], strides = [1, 1]} : vector<1000x128xf32> to vector<1000x1xf32>
    %broadcast_in_dim3A_461 = vector.shape_cast %slice3A_460 : vector<1000x1xf32> to vector<1000x1xf32>
    %broadcast_in_dim3A_462 = vector.broadcast %broadcast_in_dim3A_461 : vector<1000x1xf32> to vector<1000x128xf32>
    %mul3A_463 = arith.mulf %broadcast_in_dim3A_462, %mul3A_456 : vector<1000x128xf32>
    %get3A_464 = arith.constant 0 : index
    %get3A_465 = arith.constant 0 : index
    %get3A_466 = vector.load %arg11[%get3A_464, %get3A_465] : memref<1000x1408xf32, #tpu.memory_space<vmem>>, vector<1000x128xf32>
    %eq3A_467 = arith.constant 0.000000e+00 : f32
    %eq3A_468 = vector.broadcast %eq3A_467 : f32 to vector<1000x128xf32>
    %eq3A_469 = arith.cmpf oeq, %broadcast_in_dim3A_459, %eq3A_468 : vector<1000x128xf32>
    %jit3A_470 = arith.constant 0.000000e+00 : f32
    %broadcast_in_dim3A_471 = vector.broadcast %jit3A_470 : f32 to vector<1000x128xf32>
    %select_n3A_472 = arith.select %eq3A_469, %mul3A_463, %broadcast_in_dim3A_471 : vector<1000x128xi1>, vector<1000x128xf32>
    %add3A_473 = arith.addf %get3A_466, %select_n3A_472 : vector<1000x128xf32>
    %swap3A_474 = arith.constant 0 : index
    %swap3A_475 = arith.constant 0 : index
    %swap3A_476 = vector.load %arg11[%swap3A_474, %swap3A_475] : memref<1000x1408xf32, #tpu.memory_space<vmem>>, vector<1000x128xf32>
    tpu.vector_store %arg11[%swap3A_474, %swap3A_475], %add3A_473 {strides = array<i32>} : memref<1000x1408xf32, #tpu.memory_space<vmem>>, vector<1000x128xf32>,
    %get3A_477 = arith.constant 0 : index
    %get3A_478 = arith.constant 128 : index
    %get3A_479 = vector.load %arg11[%get3A_477, %get3A_478] : memref<1000x1408xf32, #tpu.memory_space<vmem>>, vector<1000x128xf32>
    %eq3A_480 = arith.constant 1.000000e+00 : f32
    %eq3A_481 = vector.broadcast %eq3A_480 : f32 to vector<1000x128xf32>
    %eq3A_482 = arith.cmpf oeq, %broadcast_in_dim3A_459, %eq3A_481 : vector<1000x128xf32>
    %jit3A_483 = arith.constant 0.000000e+00 : f32
    %broadcast_in_dim3A_484 = vector.broadcast %jit3A_483 : f32 to vector<1000x128xf32>
    %select_n3A_485 = arith.select %eq3A_482, %mul3A_463, %broadcast_in_dim3A_484 : vector<1000x128xi1>, vector<1000x128xf32>
    %add3A_486 = arith.addf %get3A_479, %select_n3A_485 : vector<1000x128xf32>
    %swap3A_487 = arith.constant 0 : index
    %swap3A_488 = arith.constant 128 : index
    %swap3A_489 = vector.load %arg11[%swap3A_487, %swap3A_488] : memref<1000x1408xf32, #tpu.memory_space<vmem>>, vector<1000x128xf32>
    tpu.vector_store %arg11[%swap3A_487, %swap3A_488], %add3A_486 {strides = array<i32>} : memref<1000x1408xf32, #tpu.memory_space<vmem>>, vector<1000x128xf32>,
    %get3A_490 = arith.constant 0 : index
    %get3A_491 = arith.constant 256 : index
    %get3A_492 = vector.load %arg11[%get3A_490, %get3A_491] : memref<1000x1408xf32, #tpu.memory_space<vmem>>, vector<1000x128xf32>
    %eq3A_493 = arith.constant 2.000000e+00 : f32
    %eq3A_494 = vector.broadcast %eq3A_493 : f32 to vector<1000x128xf32>
    %eq3A_495 = arith.cmpf oeq, %broadcast_in_dim3A_459, %eq3A_494 : vector<1000x128xf32>
    %jit3A_496 = arith.constant 0.000000e+00 : f32
    %broadcast_in_dim3A_497 = vector.broadcast %jit3A_496 : f32 to vector<1000x128xf32>
    %select_n3A_498 = arith.select %eq3A_495, %mul3A_463, %broadcast_in_dim3A_497 : vector<1000x128xi1>, vector<1000x128xf32>
    %add3A_499 = arith.addf %get3A_492, %select_n3A_498 : vector<1000x128xf32>
    %swap3A_500 = arith.constant 0 : index
    %swap3A_501 = arith.constant 256 : index
    %swap3A_502 = vector.load %arg11[%swap3A_500, %swap3A_501] : memref<1000x1408xf32, #tpu.memory_space<vmem>>, vector<1000x128xf32>
    tpu.vector_store %arg11[%swap3A_500, %swap3A_501], %add3A_499 {strides = array<i32>} : memref<1000x1408xf32, #tpu.memory_space<vmem>>, vector<1000x128xf32>,
    %get3A_503 = arith.constant 0 : index
    %get3A_504 = arith.constant 384 : index
    %get3A_505 = vector.load %arg11[%get3A_503, %get3A_504] : memref<1000x1408xf32, #tpu.memory_space<vmem>>, vector<1000x128xf32>
    %eq3A_506 = arith.constant 3.000000e+00 : f32
    %eq3A_507 = vector.broadcast %eq3A_506 : f32 to vector<1000x128xf32>
    %eq3A_508 = arith.cmpf oeq, %broadcast_in_dim3A_459, %eq3A_507 : vector<1000x128xf32>
    %jit3A_509 = arith.constant 0.000000e+00 : f32
    %broadcast_in_dim3A_510 = vector.broadcast %jit3A_509 : f32 to vector<1000x128xf32>
    %select_n3A_511 = arith.select %eq3A_508, %mul3A_463, %broadcast_in_dim3A_510 : vector<1000x128xi1>, vector<1000x128xf32>
    %add3A_512 = arith.addf %get3A_505, %select_n3A_511 : vector<1000x128xf32>
    %swap3A_513 = arith.constant 0 : index
    %swap3A_514 = arith.constant 384 : index
    %swap3A_515 = vector.load %arg11[%swap3A_513, %swap3A_514] : memref<1000x1408xf32, #tpu.memory_space<vmem>>, vector<1000x128xf32>
    tpu.vector_store %arg11[%swap3A_513, %swap3A_514], %add3A_512 {strides = array<i32>} : memref<1000x1408xf32, #tpu.memory_space<vmem>>, vector<1000x128xf32>,
    %get3A_516 = arith.constant 0 : index
    %get3A_517 = arith.constant 512 : index
    %get3A_518 = vector.load %arg11[%get3A_516, %get3A_517] : memref<1000x1408xf32, #tpu.memory_space<vmem>>, vector<1000x128xf32>
    %eq3A_519 = arith.constant 4.000000e+00 : f32
    %eq3A_520 = vector.broadcast %eq3A_519 : f32 to vector<1000x128xf32>
    %eq3A_521 = arith.cmpf oeq, %broadcast_in_dim3A_459, %eq3A_520 : vector<1000x128xf32>
    %jit3A_522 = arith.constant 0.000000e+00 : f32
    %broadcast_in_dim3A_523 = vector.broadcast %jit3A_522 : f32 to vector<1000x128xf32>
    %select_n3A_524 = arith.select %eq3A_521, %mul3A_463, %broadcast_in_dim3A_523 : vector<1000x128xi1>, vector<1000x128xf32>
    %add3A_525 = arith.addf %get3A_518, %select_n3A_524 : vector<1000x128xf32>
    %swap3A_526 = arith.constant 0 : index
    %swap3A_527 = arith.constant 512 : index
    %swap3A_528 = vector.load %arg11[%swap3A_526, %swap3A_527] : memref<1000x1408xf32, #tpu.memory_space<vmem>>, vector<1000x128xf32>
    tpu.vector_store %arg11[%swap3A_526, %swap3A_527], %add3A_525 {strides = array<i32>} : memref<1000x1408xf32, #tpu.memory_space<vmem>>, vector<1000x128xf32>,
    %get3A_529 = arith.constant 0 : index
    %get3A_530 = arith.constant 640 : index
    %get3A_531 = vector.load %arg11[%get3A_529, %get3A_530] : memref<1000x1408xf32, #tpu.memory_space<vmem>>, vector<1000x128xf32>
    %eq3A_532 = arith.constant 5.000000e+00 : f32
    %eq3A_533 = vector.broadcast %eq3A_532 : f32 to vector<1000x128xf32>
    %eq3A_534 = arith.cmpf oeq, %broadcast_in_dim3A_459, %eq3A_533 : vector<1000x128xf32>
    %jit3A_535 = arith.constant 0.000000e+00 : f32
    %broadcast_in_dim3A_536 = vector.broadcast %jit3A_535 : f32 to vector<1000x128xf32>
    %select_n3A_537 = arith.select %eq3A_534, %mul3A_463, %broadcast_in_dim3A_536 : vector<1000x128xi1>, vector<1000x128xf32>
    %add3A_538 = arith.addf %get3A_531, %select_n3A_537 : vector<1000x128xf32>
    %swap3A_539 = arith.constant 0 : index
    %swap3A_540 = arith.constant 640 : index
    %swap3A_541 = vector.load %arg11[%swap3A_539, %swap3A_540] : memref<1000x1408xf32, #tpu.memory_space<vmem>>, vector<1000x128xf32>
    tpu.vector_store %arg11[%swap3A_539, %swap3A_540], %add3A_538 {strides = array<i32>} : memref<1000x1408xf32, #tpu.memory_space<vmem>>, vector<1000x128xf32>,
    %get3A_542 = arith.constant 0 : index
    %get3A_543 = arith.constant 768 : index
    %get3A_544 = vector.load %arg11[%get3A_542, %get3A_543] : memref<1000x1408xf32, #tpu.memory_space<vmem>>, vector<1000x128xf32>
    %eq3A_545 = arith.constant 6.000000e+00 : f32
    %eq3A_546 = vector.broadcast %eq3A_545 : f32 to vector<1000x128xf32>
    %eq3A_547 = arith.cmpf oeq, %broadcast_in_dim3A_459, %eq3A_546 : vector<1000x128xf32>
    %jit3A_548 = arith.constant 0.000000e+00 : f32
    %broadcast_in_dim3A_549 = vector.broadcast %jit3A_548 : f32 to vector<1000x128xf32>
    %select_n3A_550 = arith.select %eq3A_547, %mul3A_463, %broadcast_in_dim3A_549 : vector<1000x128xi1>, vector<1000x128xf32>
    %add3A_551 = arith.addf %get3A_544, %select_n3A_550 : vector<1000x128xf32>
    %swap3A_552 = arith.constant 0 : index
    %swap3A_553 = arith.constant 768 : index
    %swap3A_554 = vector.load %arg11[%swap3A_552, %swap3A_553] : memref<1000x1408xf32, #tpu.memory_space<vmem>>, vector<1000x128xf32>
    tpu.vector_store %arg11[%swap3A_552, %swap3A_553], %add3A_551 {strides = array<i32>} : memref<1000x1408xf32, #tpu.memory_space<vmem>>, vector<1000x128xf32>,
    %get3A_555 = arith.constant 0 : index
    %get3A_556 = arith.constant 896 : index
    %get3A_557 = vector.load %arg11[%get3A_555, %get3A_556] : memref<1000x1408xf32, #tpu.memory_space<vmem>>, vector<1000x128xf32>
    %eq3A_558 = arith.constant 7.000000e+00 : f32
    %eq3A_559 = vector.broadcast %eq3A_558 : f32 to vector<1000x128xf32>
    %eq3A_560 = arith.cmpf oeq, %broadcast_in_dim3A_459, %eq3A_559 : vector<1000x128xf32>
    %jit3A_561 = arith.constant 0.000000e+00 : f32
    %broadcast_in_dim3A_562 = vector.broadcast %jit3A_561 : f32 to vector<1000x128xf32>
    %select_n3A_563 = arith.select %eq3A_560, %mul3A_463, %broadcast_in_dim3A_562 : vector<1000x128xi1>, vector<1000x128xf32>
    %add3A_564 = arith.addf %get3A_557, %select_n3A_563 : vector<1000x128xf32>
    %swap3A_565 = arith.constant 0 : index
    %swap3A_566 = arith.constant 896 : index
    %swap3A_567 = vector.load %arg11[%swap3A_565, %swap3A_566] : memref<1000x1408xf32, #tpu.memory_space<vmem>>, vector<1000x128xf32>
    tpu.vector_store %arg11[%swap3A_565, %swap3A_566], %add3A_564 {strides = array<i32>} : memref<1000x1408xf32, #tpu.memory_space<vmem>>, vector<1000x128xf32>,
    %get3A_568 = arith.constant 0 : index
    %get3A_569 = arith.constant 1024 : index
    %get3A_570 = vector.load %arg11[%get3A_568, %get3A_569] : memref<1000x1408xf32, #tpu.memory_space<vmem>>, vector<1000x128xf32>
    %eq3A_571 = arith.constant 8.000000e+00 : f32
    %eq3A_572 = vector.broadcast %eq3A_571 : f32 to vector<1000x128xf32>
    %eq3A_573 = arith.cmpf oeq, %broadcast_in_dim3A_459, %eq3A_572 : vector<1000x128xf32>
    %jit3A_574 = arith.constant 0.000000e+00 : f32
    %broadcast_in_dim3A_575 = vector.broadcast %jit3A_574 : f32 to vector<1000x128xf32>
    %select_n3A_576 = arith.select %eq3A_573, %mul3A_463, %broadcast_in_dim3A_575 : vector<1000x128xi1>, vector<1000x128xf32>
    %add3A_577 = arith.addf %get3A_570, %select_n3A_576 : vector<1000x128xf32>
    %swap3A_578 = arith.constant 0 : index
    %swap3A_579 = arith.constant 1024 : index
    %swap3A_580 = vector.load %arg11[%swap3A_578, %swap3A_579] : memref<1000x1408xf32, #tpu.memory_space<vmem>>, vector<1000x128xf32>
    tpu.vector_store %arg11[%swap3A_578, %swap3A_579], %add3A_577 {strides = array<i32>} : memref<1000x1408xf32, #tpu.memory_space<vmem>>, vector<1000x128xf32>,
    %get3A_581 = arith.constant 0 : index
    %get3A_582 = arith.constant 1152 : index
    %get3A_583 = vector.load %arg11[%get3A_581, %get3A_582] : memref<1000x1408xf32, #tpu.memory_space<vmem>>, vector<1000x128xf32>
    %eq3A_584 = arith.constant 9.000000e+00 : f32
    %eq3A_585 = vector.broadcast %eq3A_584 : f32 to vector<1000x128xf32>
    %eq3A_586 = arith.cmpf oeq, %broadcast_in_dim3A_459, %eq3A_585 : vector<1000x128xf32>
    %jit3A_587 = arith.constant 0.000000e+00 : f32
    %broadcast_in_dim3A_588 = vector.broadcast %jit3A_587 : f32 to vector<1000x128xf32>
    %select_n3A_589 = arith.select %eq3A_586, %mul3A_463, %broadcast_in_dim3A_588 : vector<1000x128xi1>, vector<1000x128xf32>
    %add3A_590 = arith.addf %get3A_583, %select_n3A_589 : vector<1000x128xf32>
    %swap3A_591 = arith.constant 0 : index
    %swap3A_592 = arith.constant 1152 : index
    %swap3A_593 = vector.load %arg11[%swap3A_591, %swap3A_592] : memref<1000x1408xf32, #tpu.memory_space<vmem>>, vector<1000x128xf32>
    tpu.vector_store %arg11[%swap3A_591, %swap3A_592], %add3A_590 {strides = array<i32>} : memref<1000x1408xf32, #tpu.memory_space<vmem>>, vector<1000x128xf32>,
    %get3A_594 = arith.constant 0 : index
    %get3A_595 = arith.constant 1280 : index
    %get3A_596 = vector.load %arg11[%get3A_594, %get3A_595] : memref<1000x1408xf32, #tpu.memory_space<vmem>>, vector<1000x128xf32>
    %eq3A_597 = arith.constant 1.000000e+01 : f32
    %eq3A_598 = vector.broadcast %eq3A_597 : f32 to vector<1000x128xf32>
    %eq3A_599 = arith.cmpf oeq, %broadcast_in_dim3A_459, %eq3A_598 : vector<1000x128xf32>
    %jit3A_600 = arith.constant 0.000000e+00 : f32
    %broadcast_in_dim3A_601 = vector.broadcast %jit3A_600 : f32 to vector<1000x128xf32>
    %select_n3A_602 = arith.select %eq3A_599, %mul3A_463, %broadcast_in_dim3A_601 : vector<1000x128xi1>, vector<1000x128xf32>
    %add3A_603 = arith.addf %get3A_596, %select_n3A_602 : vector<1000x128xf32>
    %swap3A_604 = arith.constant 0 : index
    %swap3A_605 = arith.constant 1280 : index
    %swap3A_606 = vector.load %arg11[%swap3A_604, %swap3A_605] : memref<1000x1408xf32, #tpu.memory_space<vmem>>, vector<1000x128xf32>
    tpu.vector_store %arg11[%swap3A_604, %swap3A_605], %add3A_603 {strides = array<i32>} : memref<1000x1408xf32, #tpu.memory_space<vmem>>, vector<1000x128xf32>,
    %get3A_607 = arith.constant 0 : index
    %get3A_608 = arith.constant 3 : index
    %get3A_609 = arith.constant 0 : index
    %get3A_610 = vector.load %arg2[%get3A_607, %get3A_608, %get3A_609] : memref<1000x8x128xf32, #tpu.memory_space<vmem>>, vector<1000x1x128xf32>
    %get3A_611 = vector.shape_cast %get3A_610 : vector<1000x1x128xf32> to vector<1000x128xf32>
    %get3A_612 = arith.constant 0 : index
    %get3A_613 = arith.constant 0 : index
    %get3A_614 = vector.load %arg5[%get3A_612, %get3A_613] : memref<128x512xf32, #tpu.memory_space<vmem>>, vector<128x512xf32>
    %dot_general3A_615 = arith.constant dense<0.000000e+00> : vector<1000x512xf32>
    %dot_general3A_616 = tpu.matmul %get3A_611, %get3A_614, %dot_general3A_615 {dimension_numbers = #tpu.dot_dimension_numbers<[1], [0], [0], [1], [0, 0, 1, 1], [], []>, transpose_lhs_hint = false} : vector<1000x128xf32>, vector<128x512xf32>, vector<1000x512xf32> -> vector<1000x512xf32>
    %get3A_617 = arith.constant 0 : index
    %get3A_618 = arith.constant 0 : index
    %get3A_619 = vector.load %arg6[%get3A_617, %get3A_618] : memref<128x512xf32, #tpu.memory_space<vmem>>, vector<128x512xf32>
    %dot_general3A_620 = arith.constant dense<0.000000e+00> : vector<1000x512xf32>
    %dot_general3A_621 = tpu.matmul %mul3A_456, %get3A_619, %dot_general3A_620 {dimension_numbers = #tpu.dot_dimension_numbers<[1], [0], [0], [1], [0, 0, 1, 1], [], []>, transpose_lhs_hint = false} : vector<1000x128xf32>, vector<128x512xf32>, vector<1000x512xf32> -> vector<1000x512xf32>
    %add3A_622 = arith.addf %dot_general3A_616, %dot_general3A_621 : vector<1000x512xf32>
    %slice3A_623 = vector.extract_strided_slice %add3A_622 {offsets = [0, 0], sizes = [1000, 128], strides = [1, 1]} : vector<1000x512xf32> to vector<1000x128xf32>
    %logistic3A_624 = arith.negf %slice3A_623 : vector<1000x128xf32>
    %logistic3A_625 = math.exp %logistic3A_624 : vector<1000x128xf32>
    %logistic3A_626 = arith.constant 1.000000e+00 : f32
    %logistic3A_627 = vector.broadcast %logistic3A_626 : f32 to vector<1000x128xf32>
    %logistic3A_628 = arith.addf %logistic3A_627, %logistic3A_625 : vector<1000x128xf32>
    %logistic3A_629 = arith.divf %logistic3A_627, %logistic3A_628 : vector<1000x128xf32>
    %slice3A_630 = vector.extract_strided_slice %add3A_622 {offsets = [0, 128], sizes = [1000, 128], strides = [1, 1]} : vector<1000x512xf32> to vector<1000x128xf32>
    %logistic3A_631 = arith.negf %slice3A_630 : vector<1000x128xf32>
    %logistic3A_632 = math.exp %logistic3A_631 : vector<1000x128xf32>
    %logistic3A_633 = arith.constant 1.000000e+00 : f32
    %logistic3A_634 = vector.broadcast %logistic3A_633 : f32 to vector<1000x128xf32>
    %logistic3A_635 = arith.addf %logistic3A_634, %logistic3A_632 : vector<1000x128xf32>
    %logistic3A_636 = arith.divf %logistic3A_634, %logistic3A_635 : vector<1000x128xf32>
    %slice3A_637 = vector.extract_strided_slice %add3A_622 {offsets = [0, 256], sizes = [1000, 128], strides = [1, 1]} : vector<1000x512xf32> to vector<1000x128xf32>
    %tanh3A_638 = math.tanh %slice3A_637 : vector<1000x128xf32>
    %slice3A_639 = vector.extract_strided_slice %add3A_622 {offsets = [0, 384], sizes = [1000, 128], strides = [1, 1]} : vector<1000x512xf32> to vector<1000x128xf32>
    %logistic3A_640 = arith.negf %slice3A_639 : vector<1000x128xf32>
    %logistic3A_641 = math.exp %logistic3A_640 : vector<1000x128xf32>
    %logistic3A_642 = arith.constant 1.000000e+00 : f32
    %logistic3A_643 = vector.broadcast %logistic3A_642 : f32 to vector<1000x128xf32>
    %logistic3A_644 = arith.addf %logistic3A_643, %logistic3A_641 : vector<1000x128xf32>
    %logistic3A_645 = arith.divf %logistic3A_643, %logistic3A_644 : vector<1000x128xf32>
    %mul3A_646 = arith.mulf %logistic3A_636, %add3A_454 : vector<1000x128xf32>
    %mul3A_647 = arith.mulf %logistic3A_629, %tanh3A_638 : vector<1000x128xf32>
    %add3A_648 = arith.addf %mul3A_646, %mul3A_647 : vector<1000x128xf32>
    %tanh3A_649 = math.tanh %add3A_648 : vector<1000x128xf32>
    %mul3A_650 = arith.mulf %logistic3A_645, %tanh3A_649 : vector<1000x128xf32>
    %slice3A_651 = vector.extract_strided_slice %dot_general3A_12 {offsets = [0, 3], sizes = [1000, 1], strides = [1, 1]} : vector<1000x128xf32> to vector<1000x1xf32>
    %broadcast_in_dim3A_652 = vector.shape_cast %slice3A_651 : vector<1000x1xf32> to vector<1000x1xf32>
    %broadcast_in_dim3A_653 = vector.broadcast %broadcast_in_dim3A_652 : vector<1000x1xf32> to vector<1000x128xf32>
    %slice3A_654 = vector.extract_strided_slice %add3A_22 {offsets = [0, 3], sizes = [1000, 1], strides = [1, 1]} : vector<1000x128xf32> to vector<1000x1xf32>
    %broadcast_in_dim3A_655 = vector.shape_cast %slice3A_654 : vector<1000x1xf32> to vector<1000x1xf32>
    %broadcast_in_dim3A_656 = vector.broadcast %broadcast_in_dim3A_655 : vector<1000x1xf32> to vector<1000x128xf32>
    %mul3A_657 = arith.mulf %broadcast_in_dim3A_656, %mul3A_650 : vector<1000x128xf32>
    %get3A_658 = arith.constant 0 : index
    %get3A_659 = arith.constant 0 : index
    %get3A_660 = vector.load %arg11[%get3A_658, %get3A_659] : memref<1000x1408xf32, #tpu.memory_space<vmem>>, vector<1000x128xf32>
    %eq3A_661 = arith.constant 0.000000e+00 : f32
    %eq3A_662 = vector.broadcast %eq3A_661 : f32 to vector<1000x128xf32>
    %eq3A_663 = arith.cmpf oeq, %broadcast_in_dim3A_653, %eq3A_662 : vector<1000x128xf32>
    %jit3A_664 = arith.constant 0.000000e+00 : f32
    %broadcast_in_dim3A_665 = vector.broadcast %jit3A_664 : f32 to vector<1000x128xf32>
    %select_n3A_666 = arith.select %eq3A_663, %mul3A_657, %broadcast_in_dim3A_665 : vector<1000x128xi1>, vector<1000x128xf32>
    %add3A_667 = arith.addf %get3A_660, %select_n3A_666 : vector<1000x128xf32>
    %swap3A_668 = arith.constant 0 : index
    %swap3A_669 = arith.constant 0 : index
    %swap3A_670 = vector.load %arg11[%swap3A_668, %swap3A_669] : memref<1000x1408xf32, #tpu.memory_space<vmem>>, vector<1000x128xf32>
    tpu.vector_store %arg11[%swap3A_668, %swap3A_669], %add3A_667 {strides = array<i32>} : memref<1000x1408xf32, #tpu.memory_space<vmem>>, vector<1000x128xf32>,
    %get3A_671 = arith.constant 0 : index
    %get3A_672 = arith.constant 128 : index
    %get3A_673 = vector.load %arg11[%get3A_671, %get3A_672] : memref<1000x1408xf32, #tpu.memory_space<vmem>>, vector<1000x128xf32>
    %eq3A_674 = arith.constant 1.000000e+00 : f32
    %eq3A_675 = vector.broadcast %eq3A_674 : f32 to vector<1000x128xf32>
    %eq3A_676 = arith.cmpf oeq, %broadcast_in_dim3A_653, %eq3A_675 : vector<1000x128xf32>
    %jit3A_677 = arith.constant 0.000000e+00 : f32
    %broadcast_in_dim3A_678 = vector.broadcast %jit3A_677 : f32 to vector<1000x128xf32>
    %select_n3A_679 = arith.select %eq3A_676, %mul3A_657, %broadcast_in_dim3A_678 : vector<1000x128xi1>, vector<1000x128xf32>
    %add3A_680 = arith.addf %get3A_673, %select_n3A_679 : vector<1000x128xf32>
    %swap3A_681 = arith.constant 0 : index
    %swap3A_682 = arith.constant 128 : index
    %swap3A_683 = vector.load %arg11[%swap3A_681, %swap3A_682] : memref<1000x1408xf32, #tpu.memory_space<vmem>>, vector<1000x128xf32>
    tpu.vector_store %arg11[%swap3A_681, %swap3A_682], %add3A_680 {strides = array<i32>} : memref<1000x1408xf32, #tpu.memory_space<vmem>>, vector<1000x128xf32>,
    %get3A_684 = arith.constant 0 : index
    %get3A_685 = arith.constant 256 : index
    %get3A_686 = vector.load %arg11[%get3A_684, %get3A_685] : memref<1000x1408xf32, #tpu.memory_space<vmem>>, vector<1000x128xf32>
    %eq3A_687 = arith.constant 2.000000e+00 : f32
    %eq3A_688 = vector.broadcast %eq3A_687 : f32 to vector<1000x128xf32>
    %eq3A_689 = arith.cmpf oeq, %broadcast_in_dim3A_653, %eq3A_688 : vector<1000x128xf32>
    %jit3A_690 = arith.constant 0.000000e+00 : f32
    %broadcast_in_dim3A_691 = vector.broadcast %jit3A_690 : f32 to vector<1000x128xf32>
    %select_n3A_692 = arith.select %eq3A_689, %mul3A_657, %broadcast_in_dim3A_691 : vector<1000x128xi1>, vector<1000x128xf32>
    %add3A_693 = arith.addf %get3A_686, %select_n3A_692 : vector<1000x128xf32>
    %swap3A_694 = arith.constant 0 : index
    %swap3A_695 = arith.constant 256 : index
    %swap3A_696 = vector.load %arg11[%swap3A_694, %swap3A_695] : memref<1000x1408xf32, #tpu.memory_space<vmem>>, vector<1000x128xf32>
    tpu.vector_store %arg11[%swap3A_694, %swap3A_695], %add3A_693 {strides = array<i32>} : memref<1000x1408xf32, #tpu.memory_space<vmem>>, vector<1000x128xf32>,
    %get3A_697 = arith.constant 0 : index
    %get3A_698 = arith.constant 384 : index
    %get3A_699 = vector.load %arg11[%get3A_697, %get3A_698] : memref<1000x1408xf32, #tpu.memory_space<vmem>>, vector<1000x128xf32>
    %eq3A_700 = arith.constant 3.000000e+00 : f32
    %eq3A_701 = vector.broadcast %eq3A_700 : f32 to vector<1000x128xf32>
    %eq3A_702 = arith.cmpf oeq, %broadcast_in_dim3A_653, %eq3A_701 : vector<1000x128xf32>
    %jit3A_703 = arith.constant 0.000000e+00 : f32
    %broadcast_in_dim3A_704 = vector.broadcast %jit3A_703 : f32 to vector<1000x128xf32>
    %select_n3A_705 = arith.select %eq3A_702, %mul3A_657, %broadcast_in_dim3A_704 : vector<1000x128xi1>, vector<1000x128xf32>
    %add3A_706 = arith.addf %get3A_699, %select_n3A_705 : vector<1000x128xf32>
    %swap3A_707 = arith.constant 0 : index
    %swap3A_708 = arith.constant 384 : index
    %swap3A_709 = vector.load %arg11[%swap3A_707, %swap3A_708] : memref<1000x1408xf32, #tpu.memory_space<vmem>>, vector<1000x128xf32>
    tpu.vector_store %arg11[%swap3A_707, %swap3A_708], %add3A_706 {strides = array<i32>} : memref<1000x1408xf32, #tpu.memory_space<vmem>>, vector<1000x128xf32>,
    %get3A_710 = arith.constant 0 : index
    %get3A_711 = arith.constant 512 : index
    %get3A_712 = vector.load %arg11[%get3A_710, %get3A_711] : memref<1000x1408xf32, #tpu.memory_space<vmem>>, vector<1000x128xf32>
    %eq3A_713 = arith.constant 4.000000e+00 : f32
    %eq3A_714 = vector.broadcast %eq3A_713 : f32 to vector<1000x128xf32>
    %eq3A_715 = arith.cmpf oeq, %broadcast_in_dim3A_653, %eq3A_714 : vector<1000x128xf32>
    %jit3A_716 = arith.constant 0.000000e+00 : f32
    %broadcast_in_dim3A_717 = vector.broadcast %jit3A_716 : f32 to vector<1000x128xf32>
    %select_n3A_718 = arith.select %eq3A_715, %mul3A_657, %broadcast_in_dim3A_717 : vector<1000x128xi1>, vector<1000x128xf32>
    %add3A_719 = arith.addf %get3A_712, %select_n3A_718 : vector<1000x128xf32>
    %swap3A_720 = arith.constant 0 : index
    %swap3A_721 = arith.constant 512 : index
    %swap3A_722 = vector.load %arg11[%swap3A_720, %swap3A_721] : memref<1000x1408xf32, #tpu.memory_space<vmem>>, vector<1000x128xf32>
    tpu.vector_store %arg11[%swap3A_720, %swap3A_721], %add3A_719 {strides = array<i32>} : memref<1000x1408xf32, #tpu.memory_space<vmem>>, vector<1000x128xf32>,
    %get3A_723 = arith.constant 0 : index
    %get3A_724 = arith.constant 640 : index
    %get3A_725 = vector.load %arg11[%get3A_723, %get3A_724] : memref<1000x1408xf32, #tpu.memory_space<vmem>>, vector<1000x128xf32>
    %eq3A_726 = arith.constant 5.000000e+00 : f32
    %eq3A_727 = vector.broadcast %eq3A_726 : f32 to vector<1000x128xf32>
    %eq3A_728 = arith.cmpf oeq, %broadcast_in_dim3A_653, %eq3A_727 : vector<1000x128xf32>
    %jit3A_729 = arith.constant 0.000000e+00 : f32
    %broadcast_in_dim3A_730 = vector.broadcast %jit3A_729 : f32 to vector<1000x128xf32>
    %select_n3A_731 = arith.select %eq3A_728, %mul3A_657, %broadcast_in_dim3A_730 : vector<1000x128xi1>, vector<1000x128xf32>
    %add3A_732 = arith.addf %get3A_725, %select_n3A_731 : vector<1000x128xf32>
    %swap3A_733 = arith.constant 0 : index
    %swap3A_734 = arith.constant 640 : index
    %swap3A_735 = vector.load %arg11[%swap3A_733, %swap3A_734] : memref<1000x1408xf32, #tpu.memory_space<vmem>>, vector<1000x128xf32>
    tpu.vector_store %arg11[%swap3A_733, %swap3A_734], %add3A_732 {strides = array<i32>} : memref<1000x1408xf32, #tpu.memory_space<vmem>>, vector<1000x128xf32>,
    %get3A_736 = arith.constant 0 : index
    %get3A_737 = arith.constant 768 : index
    %get3A_738 = vector.load %arg11[%get3A_736, %get3A_737] : memref<1000x1408xf32, #tpu.memory_space<vmem>>, vector<1000x128xf32>
    %eq3A_739 = arith.constant 6.000000e+00 : f32
    %eq3A_740 = vector.broadcast %eq3A_739 : f32 to vector<1000x128xf32>
    %eq3A_741 = arith.cmpf oeq, %broadcast_in_dim3A_653, %eq3A_740 : vector<1000x128xf32>
    %jit3A_742 = arith.constant 0.000000e+00 : f32
    %broadcast_in_dim3A_743 = vector.broadcast %jit3A_742 : f32 to vector<1000x128xf32>
    %select_n3A_744 = arith.select %eq3A_741, %mul3A_657, %broadcast_in_dim3A_743 : vector<1000x128xi1>, vector<1000x128xf32>
    %add3A_745 = arith.addf %get3A_738, %select_n3A_744 : vector<1000x128xf32>
    %swap3A_746 = arith.constant 0 : index
    %swap3A_747 = arith.constant 768 : index
    %swap3A_748 = vector.load %arg11[%swap3A_746, %swap3A_747] : memref<1000x1408xf32, #tpu.memory_space<vmem>>, vector<1000x128xf32>
    tpu.vector_store %arg11[%swap3A_746, %swap3A_747], %add3A_745 {strides = array<i32>} : memref<1000x1408xf32, #tpu.memory_space<vmem>>, vector<1000x128xf32>,
    %get3A_749 = arith.constant 0 : index
    %get3A_750 = arith.constant 896 : index
    %get3A_751 = vector.load %arg11[%get3A_749, %get3A_750] : memref<1000x1408xf32, #tpu.memory_space<vmem>>, vector<1000x128xf32>
    %eq3A_752 = arith.constant 7.000000e+00 : f32
    %eq3A_753 = vector.broadcast %eq3A_752 : f32 to vector<1000x128xf32>
    %eq3A_754 = arith.cmpf oeq, %broadcast_in_dim3A_653, %eq3A_753 : vector<1000x128xf32>
    %jit3A_755 = arith.constant 0.000000e+00 : f32
    %broadcast_in_dim3A_756 = vector.broadcast %jit3A_755 : f32 to vector<1000x128xf32>
    %select_n3A_757 = arith.select %eq3A_754, %mul3A_657, %broadcast_in_dim3A_756 : vector<1000x128xi1>, vector<1000x128xf32>
    %add3A_758 = arith.addf %get3A_751, %select_n3A_757 : vector<1000x128xf32>
    %swap3A_759 = arith.constant 0 : index
    %swap3A_760 = arith.constant 896 : index
    %swap3A_761 = vector.load %arg11[%swap3A_759, %swap3A_760] : memref<1000x1408xf32, #tpu.memory_space<vmem>>, vector<1000x128xf32>
    tpu.vector_store %arg11[%swap3A_759, %swap3A_760], %add3A_758 {strides = array<i32>} : memref<1000x1408xf32, #tpu.memory_space<vmem>>, vector<1000x128xf32>,
    %get3A_762 = arith.constant 0 : index
    %get3A_763 = arith.constant 1024 : index
    %get3A_764 = vector.load %arg11[%get3A_762, %get3A_763] : memref<1000x1408xf32, #tpu.memory_space<vmem>>, vector<1000x128xf32>
    %eq3A_765 = arith.constant 8.000000e+00 : f32
    %eq3A_766 = vector.broadcast %eq3A_765 : f32 to vector<1000x128xf32>
    %eq3A_767 = arith.cmpf oeq, %broadcast_in_dim3A_653, %eq3A_766 : vector<1000x128xf32>
    %jit3A_768 = arith.constant 0.000000e+00 : f32
    %broadcast_in_dim3A_769 = vector.broadcast %jit3A_768 : f32 to vector<1000x128xf32>
    %select_n3A_770 = arith.select %eq3A_767, %mul3A_657, %broadcast_in_dim3A_769 : vector<1000x128xi1>, vector<1000x128xf32>
    %add3A_771 = arith.addf %get3A_764, %select_n3A_770 : vector<1000x128xf32>
    %swap3A_772 = arith.constant 0 : index
    %swap3A_773 = arith.constant 1024 : index
    %swap3A_774 = vector.load %arg11[%swap3A_772, %swap3A_773] : memref<1000x1408xf32, #tpu.memory_space<vmem>>, vector<1000x128xf32>
    tpu.vector_store %arg11[%swap3A_772, %swap3A_773], %add3A_771 {strides = array<i32>} : memref<1000x1408xf32, #tpu.memory_space<vmem>>, vector<1000x128xf32>,
    %get3A_775 = arith.constant 0 : index
    %get3A_776 = arith.constant 1152 : index
    %get3A_777 = vector.load %arg11[%get3A_775, %get3A_776] : memref<1000x1408xf32, #tpu.memory_space<vmem>>, vector<1000x128xf32>
    %eq3A_778 = arith.constant 9.000000e+00 : f32
    %eq3A_779 = vector.broadcast %eq3A_778 : f32 to vector<1000x128xf32>
    %eq3A_780 = arith.cmpf oeq, %broadcast_in_dim3A_653, %eq3A_779 : vector<1000x128xf32>
    %jit3A_781 = arith.constant 0.000000e+00 : f32
    %broadcast_in_dim3A_782 = vector.broadcast %jit3A_781 : f32 to vector<1000x128xf32>
    %select_n3A_783 = arith.select %eq3A_780, %mul3A_657, %broadcast_in_dim3A_782 : vector<1000x128xi1>, vector<1000x128xf32>
    %add3A_784 = arith.addf %get3A_777, %select_n3A_783 : vector<1000x128xf32>
    %swap3A_785 = arith.constant 0 : index
    %swap3A_786 = arith.constant 1152 : index
    %swap3A_787 = vector.load %arg11[%swap3A_785, %swap3A_786] : memref<1000x1408xf32, #tpu.memory_space<vmem>>, vector<1000x128xf32>
    tpu.vector_store %arg11[%swap3A_785, %swap3A_786], %add3A_784 {strides = array<i32>} : memref<1000x1408xf32, #tpu.memory_space<vmem>>, vector<1000x128xf32>,
    %get3A_788 = arith.constant 0 : index
    %get3A_789 = arith.constant 1280 : index
    %get3A_790 = vector.load %arg11[%get3A_788, %get3A_789] : memref<1000x1408xf32, #tpu.memory_space<vmem>>, vector<1000x128xf32>
    %eq3A_791 = arith.constant 1.000000e+01 : f32
    %eq3A_792 = vector.broadcast %eq3A_791 : f32 to vector<1000x128xf32>
    %eq3A_793 = arith.cmpf oeq, %broadcast_in_dim3A_653, %eq3A_792 : vector<1000x128xf32>
    %jit3A_794 = arith.constant 0.000000e+00 : f32
    %broadcast_in_dim3A_795 = vector.broadcast %jit3A_794 : f32 to vector<1000x128xf32>
    %select_n3A_796 = arith.select %eq3A_793, %mul3A_657, %broadcast_in_dim3A_795 : vector<1000x128xi1>, vector<1000x128xf32>
    %add3A_797 = arith.addf %get3A_790, %select_n3A_796 : vector<1000x128xf32>
    %swap3A_798 = arith.constant 0 : index
    %swap3A_799 = arith.constant 1280 : index
    %swap3A_800 = vector.load %arg11[%swap3A_798, %swap3A_799] : memref<1000x1408xf32, #tpu.memory_space<vmem>>, vector<1000x128xf32>
    tpu.vector_store %arg11[%swap3A_798, %swap3A_799], %add3A_797 {strides = array<i32>} : memref<1000x1408xf32, #tpu.memory_space<vmem>>, vector<1000x128xf32>,
    %get3A_801 = arith.constant 0 : index
    %get3A_802 = arith.constant 4 : index
    %get3A_803 = arith.constant 0 : index
    %get3A_804 = vector.load %arg2[%get3A_801, %get3A_802, %get3A_803] : memref<1000x8x128xf32, #tpu.memory_space<vmem>>, vector<1000x1x128xf32>
    %get3A_805 = vector.shape_cast %get3A_804 : vector<1000x1x128xf32> to vector<1000x128xf32>
    %get3A_806 = arith.constant 0 : index
    %get3A_807 = arith.constant 0 : index
    %get3A_808 = vector.load %arg5[%get3A_806, %get3A_807] : memref<128x512xf32, #tpu.memory_space<vmem>>, vector<128x512xf32>
    %dot_general3A_809 = arith.constant dense<0.000000e+00> : vector<1000x512xf32>
    %dot_general3A_810 = tpu.matmul %get3A_805, %get3A_808, %dot_general3A_809 {dimension_numbers = #tpu.dot_dimension_numbers<[1], [0], [0], [1], [0, 0, 1, 1], [], []>, transpose_lhs_hint = false} : vector<1000x128xf32>, vector<128x512xf32>, vector<1000x512xf32> -> vector<1000x512xf32>
    %get3A_811 = arith.constant 0 : index
    %get3A_812 = arith.constant 0 : index
    %get3A_813 = vector.load %arg6[%get3A_811, %get3A_812] : memref<128x512xf32, #tpu.memory_space<vmem>>, vector<128x512xf32>
    %dot_general3A_814 = arith.constant dense<0.000000e+00> : vector<1000x512xf32>
    %dot_general3A_815 = tpu.matmul %mul3A_650, %get3A_813, %dot_general3A_814 {dimension_numbers = #tpu.dot_dimension_numbers<[1], [0], [0], [1], [0, 0, 1, 1], [], []>, transpose_lhs_hint = false} : vector<1000x128xf32>, vector<128x512xf32>, vector<1000x512xf32> -> vector<1000x512xf32>
    %add3A_816 = arith.addf %dot_general3A_810, %dot_general3A_815 : vector<1000x512xf32>
    %slice3A_817 = vector.extract_strided_slice %add3A_816 {offsets = [0, 0], sizes = [1000, 128], strides = [1, 1]} : vector<1000x512xf32> to vector<1000x128xf32>
    %logistic3A_818 = arith.negf %slice3A_817 : vector<1000x128xf32>
    %logistic3A_819 = math.exp %logistic3A_818 : vector<1000x128xf32>
    %logistic3A_820 = arith.constant 1.000000e+00 : f32
    %logistic3A_821 = vector.broadcast %logistic3A_820 : f32 to vector<1000x128xf32>
    %logistic3A_822 = arith.addf %logistic3A_821, %logistic3A_819 : vector<1000x128xf32>
    %logistic3A_823 = arith.divf %logistic3A_821, %logistic3A_822 : vector<1000x128xf32>
    %slice3A_824 = vector.extract_strided_slice %add3A_816 {offsets = [0, 128], sizes = [1000, 128], strides = [1, 1]} : vector<1000x512xf32> to vector<1000x128xf32>
    %logistic3A_825 = arith.negf %slice3A_824 : vector<1000x128xf32>
    %logistic3A_826 = math.exp %logistic3A_825 : vector<1000x128xf32>
    %logistic3A_827 = arith.constant 1.000000e+00 : f32
    %logistic3A_828 = vector.broadcast %logistic3A_827 : f32 to vector<1000x128xf32>
    %logistic3A_829 = arith.addf %logistic3A_828, %logistic3A_826 : vector<1000x128xf32>
    %logistic3A_830 = arith.divf %logistic3A_828, %logistic3A_829 : vector<1000x128xf32>
    %slice3A_831 = vector.extract_strided_slice %add3A_816 {offsets = [0, 256], sizes = [1000, 128], strides = [1, 1]} : vector<1000x512xf32> to vector<1000x128xf32>
    %tanh3A_832 = math.tanh %slice3A_831 : vector<1000x128xf32>
    %slice3A_833 = vector.extract_strided_slice %add3A_816 {offsets = [0, 384], sizes = [1000, 128], strides = [1, 1]} : vector<1000x512xf32> to vector<1000x128xf32>
    %logistic3A_834 = arith.negf %slice3A_833 : vector<1000x128xf32>
    %logistic3A_835 = math.exp %logistic3A_834 : vector<1000x128xf32>
    %logistic3A_836 = arith.constant 1.000000e+00 : f32
    %logistic3A_837 = vector.broadcast %logistic3A_836 : f32 to vector<1000x128xf32>
    %logistic3A_838 = arith.addf %logistic3A_837, %logistic3A_835 : vector<1000x128xf32>
    %logistic3A_839 = arith.divf %logistic3A_837, %logistic3A_838 : vector<1000x128xf32>
    %mul3A_840 = arith.mulf %logistic3A_830, %add3A_648 : vector<1000x128xf32>
    %mul3A_841 = arith.mulf %logistic3A_823, %tanh3A_832 : vector<1000x128xf32>
    %add3A_842 = arith.addf %mul3A_840, %mul3A_841 : vector<1000x128xf32>
    %tanh3A_843 = math.tanh %add3A_842 : vector<1000x128xf32>
    %mul3A_844 = arith.mulf %logistic3A_839, %tanh3A_843 : vector<1000x128xf32>
    %slice3A_845 = vector.extract_strided_slice %dot_general3A_12 {offsets = [0, 4], sizes = [1000, 1], strides = [1, 1]} : vector<1000x128xf32> to vector<1000x1xf32>
    %broadcast_in_dim3A_846 = vector.shape_cast %slice3A_845 : vector<1000x1xf32> to vector<1000x1xf32>
    %broadcast_in_dim3A_847 = vector.broadcast %broadcast_in_dim3A_846 : vector<1000x1xf32> to vector<1000x128xf32>
    %slice3A_848 = vector.extract_strided_slice %add3A_22 {offsets = [0, 4], sizes = [1000, 1], strides = [1, 1]} : vector<1000x128xf32> to vector<1000x1xf32>
    %broadcast_in_dim3A_849 = vector.shape_cast %slice3A_848 : vector<1000x1xf32> to vector<1000x1xf32>
    %broadcast_in_dim3A_850 = vector.broadcast %broadcast_in_dim3A_849 : vector<1000x1xf32> to vector<1000x128xf32>
    %mul3A_851 = arith.mulf %broadcast_in_dim3A_850, %mul3A_844 : vector<1000x128xf32>
    %get3A_852 = arith.constant 0 : index
    %get3A_853 = arith.constant 0 : index
    %get3A_854 = vector.load %arg11[%get3A_852, %get3A_853] : memref<1000x1408xf32, #tpu.memory_space<vmem>>, vector<1000x128xf32>
    %eq3A_855 = arith.constant 0.000000e+00 : f32
    %eq3A_856 = vector.broadcast %eq3A_855 : f32 to vector<1000x128xf32>
    %eq3A_857 = arith.cmpf oeq, %broadcast_in_dim3A_847, %eq3A_856 : vector<1000x128xf32>
    %jit3A_858 = arith.constant 0.000000e+00 : f32
    %broadcast_in_dim3A_859 = vector.broadcast %jit3A_858 : f32 to vector<1000x128xf32>
    %select_n3A_860 = arith.select %eq3A_857, %mul3A_851, %broadcast_in_dim3A_859 : vector<1000x128xi1>, vector<1000x128xf32>
    %add3A_861 = arith.addf %get3A_854, %select_n3A_860 : vector<1000x128xf32>
    %swap3A_862 = arith.constant 0 : index
    %swap3A_863 = arith.constant 0 : index
    %swap3A_864 = vector.load %arg11[%swap3A_862, %swap3A_863] : memref<1000x1408xf32, #tpu.memory_space<vmem>>, vector<1000x128xf32>
    tpu.vector_store %arg11[%swap3A_862, %swap3A_863], %add3A_861 {strides = array<i32>} : memref<1000x1408xf32, #tpu.memory_space<vmem>>, vector<1000x128xf32>,
    %get3A_865 = arith.constant 0 : index
    %get3A_866 = arith.constant 128 : index
    %get3A_867 = vector.load %arg11[%get3A_865, %get3A_866] : memref<1000x1408xf32, #tpu.memory_space<vmem>>, vector<1000x128xf32>
    %eq3A_868 = arith.constant 1.000000e+00 : f32
    %eq3A_869 = vector.broadcast %eq3A_868 : f32 to vector<1000x128xf32>
    %eq3A_870 = arith.cmpf oeq, %broadcast_in_dim3A_847, %eq3A_869 : vector<1000x128xf32>
    %jit3A_871 = arith.constant 0.000000e+00 : f32
    %broadcast_in_dim3A_872 = vector.broadcast %jit3A_871 : f32 to vector<1000x128xf32>
    %select_n3A_873 = arith.select %eq3A_870, %mul3A_851, %broadcast_in_dim3A_872 : vector<1000x128xi1>, vector<1000x128xf32>
    %add3A_874 = arith.addf %get3A_867, %select_n3A_873 : vector<1000x128xf32>
    %swap3A_875 = arith.constant 0 : index
    %swap3A_876 = arith.constant 128 : index
    %swap3A_877 = vector.load %arg11[%swap3A_875, %swap3A_876] : memref<1000x1408xf32, #tpu.memory_space<vmem>>, vector<1000x128xf32>
    tpu.vector_store %arg11[%swap3A_875, %swap3A_876], %add3A_874 {strides = array<i32>} : memref<1000x1408xf32, #tpu.memory_space<vmem>>, vector<1000x128xf32>,
    %get3A_878 = arith.constant 0 : index
    %get3A_879 = arith.constant 256 : index
    %get3A_880 = vector.load %arg11[%get3A_878, %get3A_879] : memref<1000x1408xf32, #tpu.memory_space<vmem>>, vector<1000x128xf32>
    %eq3A_881 = arith.constant 2.000000e+00 : f32
    %eq3A_882 = vector.broadcast %eq3A_881 : f32 to vector<1000x128xf32>
    %eq3A_883 = arith.cmpf oeq, %broadcast_in_dim3A_847, %eq3A_882 : vector<1000x128xf32>
    %jit3A_884 = arith.constant 0.000000e+00 : f32
    %broadcast_in_dim3A_885 = vector.broadcast %jit3A_884 : f32 to vector<1000x128xf32>
    %select_n3A_886 = arith.select %eq3A_883, %mul3A_851, %broadcast_in_dim3A_885 : vector<1000x128xi1>, vector<1000x128xf32>
    %add3A_887 = arith.addf %get3A_880, %select_n3A_886 : vector<1000x128xf32>
    %swap3A_888 = arith.constant 0 : index
    %swap3A_889 = arith.constant 256 : index
    %swap3A_890 = vector.load %arg11[%swap3A_888, %swap3A_889] : memref<1000x1408xf32, #tpu.memory_space<vmem>>, vector<1000x128xf32>
    tpu.vector_store %arg11[%swap3A_888, %swap3A_889], %add3A_887 {strides = array<i32>} : memref<1000x1408xf32, #tpu.memory_space<vmem>>, vector<1000x128xf32>,
    %get3A_891 = arith.constant 0 : index
    %get3A_892 = arith.constant 384 : index
    %get3A_893 = vector.load %arg11[%get3A_891, %get3A_892] : memref<1000x1408xf32, #tpu.memory_space<vmem>>, vector<1000x128xf32>
    %eq3A_894 = arith.constant 3.000000e+00 : f32
    %eq3A_895 = vector.broadcast %eq3A_894 : f32 to vector<1000x128xf32>
    %eq3A_896 = arith.cmpf oeq, %broadcast_in_dim3A_847, %eq3A_895 : vector<1000x128xf32>
    %jit3A_897 = arith.constant 0.000000e+00 : f32
    %broadcast_in_dim3A_898 = vector.broadcast %jit3A_897 : f32 to vector<1000x128xf32>
    %select_n3A_899 = arith.select %eq3A_896, %mul3A_851, %broadcast_in_dim3A_898 : vector<1000x128xi1>, vector<1000x128xf32>
    %add3A_900 = arith.addf %get3A_893, %select_n3A_899 : vector<1000x128xf32>
    %swap3A_901 = arith.constant 0 : index
    %swap3A_902 = arith.constant 384 : index
    %swap3A_903 = vector.load %arg11[%swap3A_901, %swap3A_902] : memref<1000x1408xf32, #tpu.memory_space<vmem>>, vector<1000x128xf32>
    tpu.vector_store %arg11[%swap3A_901, %swap3A_902], %add3A_900 {strides = array<i32>} : memref<1000x1408xf32, #tpu.memory_space<vmem>>, vector<1000x128xf32>,
    %get3A_904 = arith.constant 0 : index
    %get3A_905 = arith.constant 512 : index
    %get3A_906 = vector.load %arg11[%get3A_904, %get3A_905] : memref<1000x1408xf32, #tpu.memory_space<vmem>>, vector<1000x128xf32>
    %eq3A_907 = arith.constant 4.000000e+00 : f32
    %eq3A_908 = vector.broadcast %eq3A_907 : f32 to vector<1000x128xf32>
    %eq3A_909 = arith.cmpf oeq, %broadcast_in_dim3A_847, %eq3A_908 : vector<1000x128xf32>
    %jit3A_910 = arith.constant 0.000000e+00 : f32
    %broadcast_in_dim3A_911 = vector.broadcast %jit3A_910 : f32 to vector<1000x128xf32>
    %select_n3A_912 = arith.select %eq3A_909, %mul3A_851, %broadcast_in_dim3A_911 : vector<1000x128xi1>, vector<1000x128xf32>
    %add3A_913 = arith.addf %get3A_906, %select_n3A_912 : vector<1000x128xf32>
    %swap3A_914 = arith.constant 0 : index
    %swap3A_915 = arith.constant 512 : index
    %swap3A_916 = vector.load %arg11[%swap3A_914, %swap3A_915] : memref<1000x1408xf32, #tpu.memory_space<vmem>>, vector<1000x128xf32>
    tpu.vector_store %arg11[%swap3A_914, %swap3A_915], %add3A_913 {strides = array<i32>} : memref<1000x1408xf32, #tpu.memory_space<vmem>>, vector<1000x128xf32>,
    %get3A_917 = arith.constant 0 : index
    %get3A_918 = arith.constant 640 : index
    %get3A_919 = vector.load %arg11[%get3A_917, %get3A_918] : memref<1000x1408xf32, #tpu.memory_space<vmem>>, vector<1000x128xf32>
    %eq3A_920 = arith.constant 5.000000e+00 : f32
    %eq3A_921 = vector.broadcast %eq3A_920 : f32 to vector<1000x128xf32>
    %eq3A_922 = arith.cmpf oeq, %broadcast_in_dim3A_847, %eq3A_921 : vector<1000x128xf32>
    %jit3A_923 = arith.constant 0.000000e+00 : f32
    %broadcast_in_dim3A_924 = vector.broadcast %jit3A_923 : f32 to vector<1000x128xf32>
    %select_n3A_925 = arith.select %eq3A_922, %mul3A_851, %broadcast_in_dim3A_924 : vector<1000x128xi1>, vector<1000x128xf32>
    %add3A_926 = arith.addf %get3A_919, %select_n3A_925 : vector<1000x128xf32>
    %swap3A_927 = arith.constant 0 : index
    %swap3A_928 = arith.constant 640 : index
    %swap3A_929 = vector.load %arg11[%swap3A_927, %swap3A_928] : memref<1000x1408xf32, #tpu.memory_space<vmem>>, vector<1000x128xf32>
    tpu.vector_store %arg11[%swap3A_927, %swap3A_928], %add3A_926 {strides = array<i32>} : memref<1000x1408xf32, #tpu.memory_space<vmem>>, vector<1000x128xf32>,
    %get3A_930 = arith.constant 0 : index
    %get3A_931 = arith.constant 768 : index
    %get3A_932 = vector.load %arg11[%get3A_930, %get3A_931] : memref<1000x1408xf32, #tpu.memory_space<vmem>>, vector<1000x128xf32>
    %eq3A_933 = arith.constant 6.000000e+00 : f32
    %eq3A_934 = vector.broadcast %eq3A_933 : f32 to vector<1000x128xf32>
    %eq3A_935 = arith.cmpf oeq, %broadcast_in_dim3A_847, %eq3A_934 : vector<1000x128xf32>
    %jit3A_936 = arith.constant 0.000000e+00 : f32
    %broadcast_in_dim3A_937 = vector.broadcast %jit3A_936 : f32 to vector<1000x128xf32>
    %select_n3A_938 = arith.select %eq3A_935, %mul3A_851, %broadcast_in_dim3A_937 : vector<1000x128xi1>, vector<1000x128xf32>
    %add3A_939 = arith.addf %get3A_932, %select_n3A_938 : vector<1000x128xf32>
    %swap3A_940 = arith.constant 0 : index
    %swap3A_941 = arith.constant 768 : index
    %swap3A_942 = vector.load %arg11[%swap3A_940, %swap3A_941] : memref<1000x1408xf32, #tpu.memory_space<vmem>>, vector<1000x128xf32>
    tpu.vector_store %arg11[%swap3A_940, %swap3A_941], %add3A_939 {strides = array<i32>} : memref<1000x1408xf32, #tpu.memory_space<vmem>>, vector<1000x128xf32>,
    %get3A_943 = arith.constant 0 : index
    %get3A_944 = arith.constant 896 : index
    %get3A_945 = vector.load %arg11[%get3A_943, %get3A_944] : memref<1000x1408xf32, #tpu.memory_space<vmem>>, vector<1000x128xf32>
    %eq3A_946 = arith.constant 7.000000e+00 : f32
    %eq3A_947 = vector.broadcast %eq3A_946 : f32 to vector<1000x128xf32>
    %eq3A_948 = arith.cmpf oeq, %broadcast_in_dim3A_847, %eq3A_947 : vector<1000x128xf32>
    %jit3A_949 = arith.constant 0.000000e+00 : f32
    %broadcast_in_dim3A_950 = vector.broadcast %jit3A_949 : f32 to vector<1000x128xf32>
    %select_n3A_951 = arith.select %eq3A_948, %mul3A_851, %broadcast_in_dim3A_950 : vector<1000x128xi1>, vector<1000x128xf32>
    %add3A_952 = arith.addf %get3A_945, %select_n3A_951 : vector<1000x128xf32>
    %swap3A_953 = arith.constant 0 : index
    %swap3A_954 = arith.constant 896 : index
    %swap3A_955 = vector.load %arg11[%swap3A_953, %swap3A_954] : memref<1000x1408xf32, #tpu.memory_space<vmem>>, vector<1000x128xf32>
    tpu.vector_store %arg11[%swap3A_953, %swap3A_954], %add3A_952 {strides = array<i32>} : memref<1000x1408xf32, #tpu.memory_space<vmem>>, vector<1000x128xf32>,
    %get3A_956 = arith.constant 0 : index
    %get3A_957 = arith.constant 1024 : index
    %get3A_958 = vector.load %arg11[%get3A_956, %get3A_957] : memref<1000x1408xf32, #tpu.memory_space<vmem>>, vector<1000x128xf32>
    %eq3A_959 = arith.constant 8.000000e+00 : f32
    %eq3A_960 = vector.broadcast %eq3A_959 : f32 to vector<1000x128xf32>
    %eq3A_961 = arith.cmpf oeq, %broadcast_in_dim3A_847, %eq3A_960 : vector<1000x128xf32>
    %jit3A_962 = arith.constant 0.000000e+00 : f32
    %broadcast_in_dim3A_963 = vector.broadcast %jit3A_962 : f32 to vector<1000x128xf32>
    %select_n3A_964 = arith.select %eq3A_961, %mul3A_851, %broadcast_in_dim3A_963 : vector<1000x128xi1>, vector<1000x128xf32>
    %add3A_965 = arith.addf %get3A_958, %select_n3A_964 : vector<1000x128xf32>
    %swap3A_966 = arith.constant 0 : index
    %swap3A_967 = arith.constant 1024 : index
    %swap3A_968 = vector.load %arg11[%swap3A_966, %swap3A_967] : memref<1000x1408xf32, #tpu.memory_space<vmem>>, vector<1000x128xf32>
    tpu.vector_store %arg11[%swap3A_966, %swap3A_967], %add3A_965 {strides = array<i32>} : memref<1000x1408xf32, #tpu.memory_space<vmem>>, vector<1000x128xf32>,
    %get3A_969 = arith.constant 0 : index
    %get3A_970 = arith.constant 1152 : index
    %get3A_971 = vector.load %arg11[%get3A_969, %get3A_970] : memref<1000x1408xf32, #tpu.memory_space<vmem>>, vector<1000x128xf32>
    %eq3A_972 = arith.constant 9.000000e+00 : f32
    %eq3A_973 = vector.broadcast %eq3A_972 : f32 to vector<1000x128xf32>
    %eq3A_974 = arith.cmpf oeq, %broadcast_in_dim3A_847, %eq3A_973 : vector<1000x128xf32>
    %jit3A_975 = arith.constant 0.000000e+00 : f32
    %broadcast_in_dim3A_976 = vector.broadcast %jit3A_975 : f32 to vector<1000x128xf32>
    %select_n3A_977 = arith.select %eq3A_974, %mul3A_851, %broadcast_in_dim3A_976 : vector<1000x128xi1>, vector<1000x128xf32>
    %add3A_978 = arith.addf %get3A_971, %select_n3A_977 : vector<1000x128xf32>
    %swap3A_979 = arith.constant 0 : index
    %swap3A_980 = arith.constant 1152 : index
    %swap3A_981 = vector.load %arg11[%swap3A_979, %swap3A_980] : memref<1000x1408xf32, #tpu.memory_space<vmem>>, vector<1000x128xf32>
    tpu.vector_store %arg11[%swap3A_979, %swap3A_980], %add3A_978 {strides = array<i32>} : memref<1000x1408xf32, #tpu.memory_space<vmem>>, vector<1000x128xf32>,
    %get3A_982 = arith.constant 0 : index
    %get3A_983 = arith.constant 1280 : index
    %get3A_984 = vector.load %arg11[%get3A_982, %get3A_983] : memref<1000x1408xf32, #tpu.memory_space<vmem>>, vector<1000x128xf32>
    %eq3A_985 = arith.constant 1.000000e+01 : f32
    %eq3A_986 = vector.broadcast %eq3A_985 : f32 to vector<1000x128xf32>
    %eq3A_987 = arith.cmpf oeq, %broadcast_in_dim3A_847, %eq3A_986 : vector<1000x128xf32>
    %jit3A_988 = arith.constant 0.000000e+00 : f32
    %broadcast_in_dim3A_989 = vector.broadcast %jit3A_988 : f32 to vector<1000x128xf32>
    %select_n3A_990 = arith.select %eq3A_987, %mul3A_851, %broadcast_in_dim3A_989 : vector<1000x128xi1>, vector<1000x128xf32>
    %add3A_991 = arith.addf %get3A_984, %select_n3A_990 : vector<1000x128xf32>
    %swap3A_992 = arith.constant 0 : index
    %swap3A_993 = arith.constant 1280 : index
    %swap3A_994 = vector.load %arg11[%swap3A_992, %swap3A_993] : memref<1000x1408xf32, #tpu.memory_space<vmem>>, vector<1000x128xf32>
    tpu.vector_store %arg11[%swap3A_992, %swap3A_993], %add3A_991 {strides = array<i32>} : memref<1000x1408xf32, #tpu.memory_space<vmem>>, vector<1000x128xf32>,
    %get3A_995 = arith.constant 0 : index
    %get3A_996 = arith.constant 5 : index
    %get3A_997 = arith.constant 0 : index
    %get3A_998 = vector.load %arg2[%get3A_995, %get3A_996, %get3A_997] : memref<1000x8x128xf32, #tpu.memory_space<vmem>>, vector<1000x1x128xf32>
    %get3A_999 = vector.shape_cast %get3A_998 : vector<1000x1x128xf32> to vector<1000x128xf32>
    %get3A_1000 = arith.constant 0 : index
    %get3A_1001 = arith.constant 0 : index
    %get3A_1002 = vector.load %arg5[%get3A_1000, %get3A_1001] : memref<128x512xf32, #tpu.memory_space<vmem>>, vector<128x512xf32>
    %dot_general3A_1003 = arith.constant dense<0.000000e+00> : vector<1000x512xf32>
    %dot_general3A_1004 = tpu.matmul %get3A_999, %get3A_1002, %dot_general3A_1003 {dimension_numbers = #tpu.dot_dimension_numbers<[1], [0], [0], [1], [0, 0, 1, 1], [], []>, transpose_lhs_hint = false} : vector<1000x128xf32>, vector<128x512xf32>, vector<1000x512xf32> -> vector<1000x512xf32>
    %get3A_1005 = arith.constant 0 : index
    %get3A_1006 = arith.constant 0 : index
    %get3A_1007 = vector.load %arg6[%get3A_1005, %get3A_1006] : memref<128x512xf32, #tpu.memory_space<vmem>>, vector<128x512xf32>
    %dot_general3A_1008 = arith.constant dense<0.000000e+00> : vector<1000x512xf32>
    %dot_general3A_1009 = tpu.matmul %mul3A_844, %get3A_1007, %dot_general3A_1008 {dimension_numbers = #tpu.dot_dimension_numbers<[1], [0], [0], [1], [0, 0, 1, 1], [], []>, transpose_lhs_hint = false} : vector<1000x128xf32>, vector<128x512xf32>, vector<1000x512xf32> -> vector<1000x512xf32>
    %add3A_1010 = arith.addf %dot_general3A_1004, %dot_general3A_1009 : vector<1000x512xf32>
    %slice3A_1011 = vector.extract_strided_slice %add3A_1010 {offsets = [0, 0], sizes = [1000, 128], strides = [1, 1]} : vector<1000x512xf32> to vector<1000x128xf32>
    %logistic3A_1012 = arith.negf %slice3A_1011 : vector<1000x128xf32>
    %logistic3A_1013 = math.exp %logistic3A_1012 : vector<1000x128xf32>
    %logistic3A_1014 = arith.constant 1.000000e+00 : f32
    %logistic3A_1015 = vector.broadcast %logistic3A_1014 : f32 to vector<1000x128xf32>
    %logistic3A_1016 = arith.addf %logistic3A_1015, %logistic3A_1013 : vector<1000x128xf32>
    %logistic3A_1017 = arith.divf %logistic3A_1015, %logistic3A_1016 : vector<1000x128xf32>
    %slice3A_1018 = vector.extract_strided_slice %add3A_1010 {offsets = [0, 128], sizes = [1000, 128], strides = [1, 1]} : vector<1000x512xf32> to vector<1000x128xf32>
    %logistic3A_1019 = arith.negf %slice3A_1018 : vector<1000x128xf32>
    %logistic3A_1020 = math.exp %logistic3A_1019 : vector<1000x128xf32>
    %logistic3A_1021 = arith.constant 1.000000e+00 : f32
    %logistic3A_1022 = vector.broadcast %logistic3A_1021 : f32 to vector<1000x128xf32>
    %logistic3A_1023 = arith.addf %logistic3A_1022, %logistic3A_1020 : vector<1000x128xf32>
    %logistic3A_1024 = arith.divf %logistic3A_1022, %logistic3A_1023 : vector<1000x128xf32>
    %slice3A_1025 = vector.extract_strided_slice %add3A_1010 {offsets = [0, 256], sizes = [1000, 128], strides = [1, 1]} : vector<1000x512xf32> to vector<1000x128xf32>
    %tanh3A_1026 = math.tanh %slice3A_1025 : vector<1000x128xf32>
    %slice3A_1027 = vector.extract_strided_slice %add3A_1010 {offsets = [0, 384], sizes = [1000, 128], strides = [1, 1]} : vector<1000x512xf32> to vector<1000x128xf32>
    %logistic3A_1028 = arith.negf %slice3A_1027 : vector<1000x128xf32>
    %logistic3A_1029 = math.exp %logistic3A_1028 : vector<1000x128xf32>
    %logistic3A_1030 = arith.constant 1.000000e+00 : f32
    %logistic3A_1031 = vector.broadcast %logistic3A_1030 : f32 to vector<1000x128xf32>
    %logistic3A_1032 = arith.addf %logistic3A_1031, %logistic3A_1029 : vector<1000x128xf32>
    %logistic3A_1033 = arith.divf %logistic3A_1031, %logistic3A_1032 : vector<1000x128xf32>
    %mul3A_1034 = arith.mulf %logistic3A_1024, %add3A_842 : vector<1000x128xf32>
    %mul3A_1035 = arith.mulf %logistic3A_1017, %tanh3A_1026 : vector<1000x128xf32>
    %add3A_1036 = arith.addf %mul3A_1034, %mul3A_1035 : vector<1000x128xf32>
    %tanh3A_1037 = math.tanh %add3A_1036 : vector<1000x128xf32>
    %mul3A_1038 = arith.mulf %logistic3A_1033, %tanh3A_1037 : vector<1000x128xf32>
    %slice3A_1039 = vector.extract_strided_slice %dot_general3A_12 {offsets = [0, 5], sizes = [1000, 1], strides = [1, 1]} : vector<1000x128xf32> to vector<1000x1xf32>
    %broadcast_in_dim3A_1040 = vector.shape_cast %slice3A_1039 : vector<1000x1xf32> to vector<1000x1xf32>
    %broadcast_in_dim3A_1041 = vector.broadcast %broadcast_in_dim3A_1040 : vector<1000x1xf32> to vector<1000x128xf32>
    %slice3A_1042 = vector.extract_strided_slice %add3A_22 {offsets = [0, 5], sizes = [1000, 1], strides = [1, 1]} : vector<1000x128xf32> to vector<1000x1xf32>
    %broadcast_in_dim3A_1043 = vector.shape_cast %slice3A_1042 : vector<1000x1xf32> to vector<1000x1xf32>
    %broadcast_in_dim3A_1044 = vector.broadcast %broadcast_in_dim3A_1043 : vector<1000x1xf32> to vector<1000x128xf32>
    %mul3A_1045 = arith.mulf %broadcast_in_dim3A_1044, %mul3A_1038 : vector<1000x128xf32>
    %get3A_1046 = arith.constant 0 : index
    %get3A_1047 = arith.constant 0 : index
    %get3A_1048 = vector.load %arg11[%get3A_1046, %get3A_1047] : memref<1000x1408xf32, #tpu.memory_space<vmem>>, vector<1000x128xf32>
    %eq3A_1049 = arith.constant 0.000000e+00 : f32
    %eq3A_1050 = vector.broadcast %eq3A_1049 : f32 to vector<1000x128xf32>
    %eq3A_1051 = arith.cmpf oeq, %broadcast_in_dim3A_1041, %eq3A_1050 : vector<1000x128xf32>
    %jit3A_1052 = arith.constant 0.000000e+00 : f32
    %broadcast_in_dim3A_1053 = vector.broadcast %jit3A_1052 : f32 to vector<1000x128xf32>
    %select_n3A_1054 = arith.select %eq3A_1051, %mul3A_1045, %broadcast_in_dim3A_1053 : vector<1000x128xi1>, vector<1000x128xf32>
    %add3A_1055 = arith.addf %get3A_1048, %select_n3A_1054 : vector<1000x128xf32>
    %swap3A_1056 = arith.constant 0 : index
    %swap3A_1057 = arith.constant 0 : index
    %swap3A_1058 = vector.load %arg11[%swap3A_1056, %swap3A_1057] : memref<1000x1408xf32, #tpu.memory_space<vmem>>, vector<1000x128xf32>
    tpu.vector_store %arg11[%swap3A_1056, %swap3A_1057], %add3A_1055 {strides = array<i32>} : memref<1000x1408xf32, #tpu.memory_space<vmem>>, vector<1000x128xf32>,
    %get3A_1059 = arith.constant 0 : index
    %get3A_1060 = arith.constant 128 : index
    %get3A_1061 = vector.load %arg11[%get3A_1059, %get3A_1060] : memref<1000x1408xf32, #tpu.memory_space<vmem>>, vector<1000x128xf32>
    %eq3A_1062 = arith.constant 1.000000e+00 : f32
    %eq3A_1063 = vector.broadcast %eq3A_1062 : f32 to vector<1000x128xf32>
    %eq3A_1064 = arith.cmpf oeq, %broadcast_in_dim3A_1041, %eq3A_1063 : vector<1000x128xf32>
    %jit3A_1065 = arith.constant 0.000000e+00 : f32
    %broadcast_in_dim3A_1066 = vector.broadcast %jit3A_1065 : f32 to vector<1000x128xf32>
    %select_n3A_1067 = arith.select %eq3A_1064, %mul3A_1045, %broadcast_in_dim3A_1066 : vector<1000x128xi1>, vector<1000x128xf32>
    %add3A_1068 = arith.addf %get3A_1061, %select_n3A_1067 : vector<1000x128xf32>
    %swap3A_1069 = arith.constant 0 : index
    %swap3A_1070 = arith.constant 128 : index
    %swap3A_1071 = vector.load %arg11[%swap3A_1069, %swap3A_1070] : memref<1000x1408xf32, #tpu.memory_space<vmem>>, vector<1000x128xf32>
    tpu.vector_store %arg11[%swap3A_1069, %swap3A_1070], %add3A_1068 {strides = array<i32>} : memref<1000x1408xf32, #tpu.memory_space<vmem>>, vector<1000x128xf32>,
    %get3A_1072 = arith.constant 0 : index
    %get3A_1073 = arith.constant 256 : index
    %get3A_1074 = vector.load %arg11[%get3A_1072, %get3A_1073] : memref<1000x1408xf32, #tpu.memory_space<vmem>>, vector<1000x128xf32>
    %eq3A_1075 = arith.constant 2.000000e+00 : f32
    %eq3A_1076 = vector.broadcast %eq3A_1075 : f32 to vector<1000x128xf32>
    %eq3A_1077 = arith.cmpf oeq, %broadcast_in_dim3A_1041, %eq3A_1076 : vector<1000x128xf32>
    %jit3A_1078 = arith.constant 0.000000e+00 : f32
    %broadcast_in_dim3A_1079 = vector.broadcast %jit3A_1078 : f32 to vector<1000x128xf32>
    %select_n3A_1080 = arith.select %eq3A_1077, %mul3A_1045, %broadcast_in_dim3A_1079 : vector<1000x128xi1>, vector<1000x128xf32>
    %add3A_1081 = arith.addf %get3A_1074, %select_n3A_1080 : vector<1000x128xf32>
    %swap3A_1082 = arith.constant 0 : index
    %swap3A_1083 = arith.constant 256 : index
    %swap3A_1084 = vector.load %arg11[%swap3A_1082, %swap3A_1083] : memref<1000x1408xf32, #tpu.memory_space<vmem>>, vector<1000x128xf32>
    tpu.vector_store %arg11[%swap3A_1082, %swap3A_1083], %add3A_1081 {strides = array<i32>} : memref<1000x1408xf32, #tpu.memory_space<vmem>>, vector<1000x128xf32>,
    %get3A_1085 = arith.constant 0 : index
    %get3A_1086 = arith.constant 384 : index
    %get3A_1087 = vector.load %arg11[%get3A_1085, %get3A_1086] : memref<1000x1408xf32, #tpu.memory_space<vmem>>, vector<1000x128xf32>
    %eq3A_1088 = arith.constant 3.000000e+00 : f32
    %eq3A_1089 = vector.broadcast %eq3A_1088 : f32 to vector<1000x128xf32>
    %eq3A_1090 = arith.cmpf oeq, %broadcast_in_dim3A_1041, %eq3A_1089 : vector<1000x128xf32>
    %jit3A_1091 = arith.constant 0.000000e+00 : f32
    %broadcast_in_dim3A_1092 = vector.broadcast %jit3A_1091 : f32 to vector<1000x128xf32>
    %select_n3A_1093 = arith.select %eq3A_1090, %mul3A_1045, %broadcast_in_dim3A_1092 : vector<1000x128xi1>, vector<1000x128xf32>
    %add3A_1094 = arith.addf %get3A_1087, %select_n3A_1093 : vector<1000x128xf32>
    %swap3A_1095 = arith.constant 0 : index
    %swap3A_1096 = arith.constant 384 : index
    %swap3A_1097 = vector.load %arg11[%swap3A_1095, %swap3A_1096] : memref<1000x1408xf32, #tpu.memory_space<vmem>>, vector<1000x128xf32>
    tpu.vector_store %arg11[%swap3A_1095, %swap3A_1096], %add3A_1094 {strides = array<i32>} : memref<1000x1408xf32, #tpu.memory_space<vmem>>, vector<1000x128xf32>,
    %get3A_1098 = arith.constant 0 : index
    %get3A_1099 = arith.constant 512 : index
    %get3A_1100 = vector.load %arg11[%get3A_1098, %get3A_1099] : memref<1000x1408xf32, #tpu.memory_space<vmem>>, vector<1000x128xf32>
    %eq3A_1101 = arith.constant 4.000000e+00 : f32
    %eq3A_1102 = vector.broadcast %eq3A_1101 : f32 to vector<1000x128xf32>
    %eq3A_1103 = arith.cmpf oeq, %broadcast_in_dim3A_1041, %eq3A_1102 : vector<1000x128xf32>
    %jit3A_1104 = arith.constant 0.000000e+00 : f32
    %broadcast_in_dim3A_1105 = vector.broadcast %jit3A_1104 : f32 to vector<1000x128xf32>
    %select_n3A_1106 = arith.select %eq3A_1103, %mul3A_1045, %broadcast_in_dim3A_1105 : vector<1000x128xi1>, vector<1000x128xf32>
    %add3A_1107 = arith.addf %get3A_1100, %select_n3A_1106 : vector<1000x128xf32>
    %swap3A_1108 = arith.constant 0 : index
    %swap3A_1109 = arith.constant 512 : index
    %swap3A_1110 = vector.load %arg11[%swap3A_1108, %swap3A_1109] : memref<1000x1408xf32, #tpu.memory_space<vmem>>, vector<1000x128xf32>
    tpu.vector_store %arg11[%swap3A_1108, %swap3A_1109], %add3A_1107 {strides = array<i32>} : memref<1000x1408xf32, #tpu.memory_space<vmem>>, vector<1000x128xf32>,
    %get3A_1111 = arith.constant 0 : index
    %get3A_1112 = arith.constant 640 : index
    %get3A_1113 = vector.load %arg11[%get3A_1111, %get3A_1112] : memref<1000x1408xf32, #tpu.memory_space<vmem>>, vector<1000x128xf32>
    %eq3A_1114 = arith.constant 5.000000e+00 : f32
    %eq3A_1115 = vector.broadcast %eq3A_1114 : f32 to vector<1000x128xf32>
    %eq3A_1116 = arith.cmpf oeq, %broadcast_in_dim3A_1041, %eq3A_1115 : vector<1000x128xf32>
    %jit3A_1117 = arith.constant 0.000000e+00 : f32
    %broadcast_in_dim3A_1118 = vector.broadcast %jit3A_1117 : f32 to vector<1000x128xf32>
    %select_n3A_1119 = arith.select %eq3A_1116, %mul3A_1045, %broadcast_in_dim3A_1118 : vector<1000x128xi1>, vector<1000x128xf32>
    %add3A_1120 = arith.addf %get3A_1113, %select_n3A_1119 : vector<1000x128xf32>
    %swap3A_1121 = arith.constant 0 : index
    %swap3A_1122 = arith.constant 640 : index
    %swap3A_1123 = vector.load %arg11[%swap3A_1121, %swap3A_1122] : memref<1000x1408xf32, #tpu.memory_space<vmem>>, vector<1000x128xf32>
    tpu.vector_store %arg11[%swap3A_1121, %swap3A_1122], %add3A_1120 {strides = array<i32>} : memref<1000x1408xf32, #tpu.memory_space<vmem>>, vector<1000x128xf32>,
    %get3A_1124 = arith.constant 0 : index
    %get3A_1125 = arith.constant 768 : index
    %get3A_1126 = vector.load %arg11[%get3A_1124, %get3A_1125] : memref<1000x1408xf32, #tpu.memory_space<vmem>>, vector<1000x128xf32>
    %eq3A_1127 = arith.constant 6.000000e+00 : f32
    %eq3A_1128 = vector.broadcast %eq3A_1127 : f32 to vector<1000x128xf32>
    %eq3A_1129 = arith.cmpf oeq, %broadcast_in_dim3A_1041, %eq3A_1128 : vector<1000x128xf32>
    %jit3A_1130 = arith.constant 0.000000e+00 : f32
    %broadcast_in_dim3A_1131 = vector.broadcast %jit3A_1130 : f32 to vector<1000x128xf32>
    %select_n3A_1132 = arith.select %eq3A_1129, %mul3A_1045, %broadcast_in_dim3A_1131 : vector<1000x128xi1>, vector<1000x128xf32>
    %add3A_1133 = arith.addf %get3A_1126, %select_n3A_1132 : vector<1000x128xf32>
    %swap3A_1134 = arith.constant 0 : index
    %swap3A_1135 = arith.constant 768 : index
    %swap3A_1136 = vector.load %arg11[%swap3A_1134, %swap3A_1135] : memref<1000x1408xf32, #tpu.memory_space<vmem>>, vector<1000x128xf32>
    tpu.vector_store %arg11[%swap3A_1134, %swap3A_1135], %add3A_1133 {strides = array<i32>} : memref<1000x1408xf32, #tpu.memory_space<vmem>>, vector<1000x128xf32>,
    %get3A_1137 = arith.constant 0 : index
    %get3A_1138 = arith.constant 896 : index
    %get3A_1139 = vector.load %arg11[%get3A_1137, %get3A_1138] : memref<1000x1408xf32, #tpu.memory_space<vmem>>, vector<1000x128xf32>
    %eq3A_1140 = arith.constant 7.000000e+00 : f32
    %eq3A_1141 = vector.broadcast %eq3A_1140 : f32 to vector<1000x128xf32>
    %eq3A_1142 = arith.cmpf oeq, %broadcast_in_dim3A_1041, %eq3A_1141 : vector<1000x128xf32>
    %jit3A_1143 = arith.constant 0.000000e+00 : f32
    %broadcast_in_dim3A_1144 = vector.broadcast %jit3A_1143 : f32 to vector<1000x128xf32>
    %select_n3A_1145 = arith.select %eq3A_1142, %mul3A_1045, %broadcast_in_dim3A_1144 : vector<1000x128xi1>, vector<1000x128xf32>
    %add3A_1146 = arith.addf %get3A_1139, %select_n3A_1145 : vector<1000x128xf32>
    %swap3A_1147 = arith.constant 0 : index
    %swap3A_1148 = arith.constant 896 : index
    %swap3A_1149 = vector.load %arg11[%swap3A_1147, %swap3A_1148] : memref<1000x1408xf32, #tpu.memory_space<vmem>>, vector<1000x128xf32>
    tpu.vector_store %arg11[%swap3A_1147, %swap3A_1148], %add3A_1146 {strides = array<i32>} : memref<1000x1408xf32, #tpu.memory_space<vmem>>, vector<1000x128xf32>,
    %get3A_1150 = arith.constant 0 : index
    %get3A_1151 = arith.constant 1024 : index
    %get3A_1152 = vector.load %arg11[%get3A_1150, %get3A_1151] : memref<1000x1408xf32, #tpu.memory_space<vmem>>, vector<1000x128xf32>
    %eq3A_1153 = arith.constant 8.000000e+00 : f32
    %eq3A_1154 = vector.broadcast %eq3A_1153 : f32 to vector<1000x128xf32>
    %eq3A_1155 = arith.cmpf oeq, %broadcast_in_dim3A_1041, %eq3A_1154 : vector<1000x128xf32>
    %jit3A_1156 = arith.constant 0.000000e+00 : f32
    %broadcast_in_dim3A_1157 = vector.broadcast %jit3A_1156 : f32 to vector<1000x128xf32>
    %select_n3A_1158 = arith.select %eq3A_1155, %mul3A_1045, %broadcast_in_dim3A_1157 : vector<1000x128xi1>, vector<1000x128xf32>
    %add3A_1159 = arith.addf %get3A_1152, %select_n3A_1158 : vector<1000x128xf32>
    %swap3A_1160 = arith.constant 0 : index
    %swap3A_1161 = arith.constant 1024 : index
    %swap3A_1162 = vector.load %arg11[%swap3A_1160, %swap3A_1161] : memref<1000x1408xf32, #tpu.memory_space<vmem>>, vector<1000x128xf32>
    tpu.vector_store %arg11[%swap3A_1160, %swap3A_1161], %add3A_1159 {strides = array<i32>} : memref<1000x1408xf32, #tpu.memory_space<vmem>>, vector<1000x128xf32>,
    %get3A_1163 = arith.constant 0 : index
    %get3A_1164 = arith.constant 1152 : index
    %get3A_1165 = vector.load %arg11[%get3A_1163, %get3A_1164] : memref<1000x1408xf32, #tpu.memory_space<vmem>>, vector<1000x128xf32>
    %eq3A_1166 = arith.constant 9.000000e+00 : f32
    %eq3A_1167 = vector.broadcast %eq3A_1166 : f32 to vector<1000x128xf32>
    %eq3A_1168 = arith.cmpf oeq, %broadcast_in_dim3A_1041, %eq3A_1167 : vector<1000x128xf32>
    %jit3A_1169 = arith.constant 0.000000e+00 : f32
    %broadcast_in_dim3A_1170 = vector.broadcast %jit3A_1169 : f32 to vector<1000x128xf32>
    %select_n3A_1171 = arith.select %eq3A_1168, %mul3A_1045, %broadcast_in_dim3A_1170 : vector<1000x128xi1>, vector<1000x128xf32>
    %add3A_1172 = arith.addf %get3A_1165, %select_n3A_1171 : vector<1000x128xf32>
    %swap3A_1173 = arith.constant 0 : index
    %swap3A_1174 = arith.constant 1152 : index
    %swap3A_1175 = vector.load %arg11[%swap3A_1173, %swap3A_1174] : memref<1000x1408xf32, #tpu.memory_space<vmem>>, vector<1000x128xf32>
    tpu.vector_store %arg11[%swap3A_1173, %swap3A_1174], %add3A_1172 {strides = array<i32>} : memref<1000x1408xf32, #tpu.memory_space<vmem>>, vector<1000x128xf32>,
    %get3A_1176 = arith.constant 0 : index
    %get3A_1177 = arith.constant 1280 : index
    %get3A_1178 = vector.load %arg11[%get3A_1176, %get3A_1177] : memref<1000x1408xf32, #tpu.memory_space<vmem>>, vector<1000x128xf32>
    %eq3A_1179 = arith.constant 1.000000e+01 : f32
    %eq3A_1180 = vector.broadcast %eq3A_1179 : f32 to vector<1000x128xf32>
    %eq3A_1181 = arith.cmpf oeq, %broadcast_in_dim3A_1041, %eq3A_1180 : vector<1000x128xf32>
    %jit3A_1182 = arith.constant 0.000000e+00 : f32
    %broadcast_in_dim3A_1183 = vector.broadcast %jit3A_1182 : f32 to vector<1000x128xf32>
    %select_n3A_1184 = arith.select %eq3A_1181, %mul3A_1045, %broadcast_in_dim3A_1183 : vector<1000x128xi1>, vector<1000x128xf32>
    %add3A_1185 = arith.addf %get3A_1178, %select_n3A_1184 : vector<1000x128xf32>
    %swap3A_1186 = arith.constant 0 : index
    %swap3A_1187 = arith.constant 1280 : index
    %swap3A_1188 = vector.load %arg11[%swap3A_1186, %swap3A_1187] : memref<1000x1408xf32, #tpu.memory_space<vmem>>, vector<1000x128xf32>
    tpu.vector_store %arg11[%swap3A_1186, %swap3A_1187], %add3A_1185 {strides = array<i32>} : memref<1000x1408xf32, #tpu.memory_space<vmem>>, vector<1000x128xf32>,
    %get3A_1189 = arith.constant 0 : index
    %get3A_1190 = arith.constant 6 : index
    %get3A_1191 = arith.constant 0 : index
    %get3A_1192 = vector.load %arg2[%get3A_1189, %get3A_1190, %get3A_1191] : memref<1000x8x128xf32, #tpu.memory_space<vmem>>, vector<1000x1x128xf32>
    %get3A_1193 = vector.shape_cast %get3A_1192 : vector<1000x1x128xf32> to vector<1000x128xf32>
    %get3A_1194 = arith.constant 0 : index
    %get3A_1195 = arith.constant 0 : index
    %get3A_1196 = vector.load %arg5[%get3A_1194, %get3A_1195] : memref<128x512xf32, #tpu.memory_space<vmem>>, vector<128x512xf32>
    %dot_general3A_1197 = arith.constant dense<0.000000e+00> : vector<1000x512xf32>
    %dot_general3A_1198 = tpu.matmul %get3A_1193, %get3A_1196, %dot_general3A_1197 {dimension_numbers = #tpu.dot_dimension_numbers<[1], [0], [0], [1], [0, 0, 1, 1], [], []>, transpose_lhs_hint = false} : vector<1000x128xf32>, vector<128x512xf32>, vector<1000x512xf32> -> vector<1000x512xf32>
    %get3A_1199 = arith.constant 0 : index
    %get3A_1200 = arith.constant 0 : index
    %get3A_1201 = vector.load %arg6[%get3A_1199, %get3A_1200] : memref<128x512xf32, #tpu.memory_space<vmem>>, vector<128x512xf32>
    %dot_general3A_1202 = arith.constant dense<0.000000e+00> : vector<1000x512xf32>
    %dot_general3A_1203 = tpu.matmul %mul3A_1038, %get3A_1201, %dot_general3A_1202 {dimension_numbers = #tpu.dot_dimension_numbers<[1], [0], [0], [1], [0, 0, 1, 1], [], []>, transpose_lhs_hint = false} : vector<1000x128xf32>, vector<128x512xf32>, vector<1000x512xf32> -> vector<1000x512xf32>
    %add3A_1204 = arith.addf %dot_general3A_1198, %dot_general3A_1203 : vector<1000x512xf32>
    %slice3A_1205 = vector.extract_strided_slice %add3A_1204 {offsets = [0, 0], sizes = [1000, 128], strides = [1, 1]} : vector<1000x512xf32> to vector<1000x128xf32>
    %logistic3A_1206 = arith.negf %slice3A_1205 : vector<1000x128xf32>
    %logistic3A_1207 = math.exp %logistic3A_1206 : vector<1000x128xf32>
    %logistic3A_1208 = arith.constant 1.000000e+00 : f32
    %logistic3A_1209 = vector.broadcast %logistic3A_1208 : f32 to vector<1000x128xf32>
    %logistic3A_1210 = arith.addf %logistic3A_1209, %logistic3A_1207 : vector<1000x128xf32>
    %logistic3A_1211 = arith.divf %logistic3A_1209, %logistic3A_1210 : vector<1000x128xf32>
    %slice3A_1212 = vector.extract_strided_slice %add3A_1204 {offsets = [0, 128], sizes = [1000, 128], strides = [1, 1]} : vector<1000x512xf32> to vector<1000x128xf32>
    %logistic3A_1213 = arith.negf %slice3A_1212 : vector<1000x128xf32>
    %logistic3A_1214 = math.exp %logistic3A_1213 : vector<1000x128xf32>
    %logistic3A_1215 = arith.constant 1.000000e+00 : f32
    %logistic3A_1216 = vector.broadcast %logistic3A_1215 : f32 to vector<1000x128xf32>
    %logistic3A_1217 = arith.addf %logistic3A_1216, %logistic3A_1214 : vector<1000x128xf32>
    %logistic3A_1218 = arith.divf %logistic3A_1216, %logistic3A_1217 : vector<1000x128xf32>
    %slice3A_1219 = vector.extract_strided_slice %add3A_1204 {offsets = [0, 256], sizes = [1000, 128], strides = [1, 1]} : vector<1000x512xf32> to vector<1000x128xf32>
    %tanh3A_1220 = math.tanh %slice3A_1219 : vector<1000x128xf32>
    %slice3A_1221 = vector.extract_strided_slice %add3A_1204 {offsets = [0, 384], sizes = [1000, 128], strides = [1, 1]} : vector<1000x512xf32> to vector<1000x128xf32>
    %logistic3A_1222 = arith.negf %slice3A_1221 : vector<1000x128xf32>
    %logistic3A_1223 = math.exp %logistic3A_1222 : vector<1000x128xf32>
    %logistic3A_1224 = arith.constant 1.000000e+00 : f32
    %logistic3A_1225 = vector.broadcast %logistic3A_1224 : f32 to vector<1000x128xf32>
    %logistic3A_1226 = arith.addf %logistic3A_1225, %logistic3A_1223 : vector<1000x128xf32>
    %logistic3A_1227 = arith.divf %logistic3A_1225, %logistic3A_1226 : vector<1000x128xf32>
    %mul3A_1228 = arith.mulf %logistic3A_1218, %add3A_1036 : vector<1000x128xf32>
    %mul3A_1229 = arith.mulf %logistic3A_1211, %tanh3A_1220 : vector<1000x128xf32>
    %add3A_1230 = arith.addf %mul3A_1228, %mul3A_1229 : vector<1000x128xf32>
    %tanh3A_1231 = math.tanh %add3A_1230 : vector<1000x128xf32>
    %mul3A_1232 = arith.mulf %logistic3A_1227, %tanh3A_1231 : vector<1000x128xf32>
    %slice3A_1233 = vector.extract_strided_slice %dot_general3A_12 {offsets = [0, 6], sizes = [1000, 1], strides = [1, 1]} : vector<1000x128xf32> to vector<1000x1xf32>
    %broadcast_in_dim3A_1234 = vector.shape_cast %slice3A_1233 : vector<1000x1xf32> to vector<1000x1xf32>
    %broadcast_in_dim3A_1235 = vector.broadcast %broadcast_in_dim3A_1234 : vector<1000x1xf32> to vector<1000x128xf32>
    %slice3A_1236 = vector.extract_strided_slice %add3A_22 {offsets = [0, 6], sizes = [1000, 1], strides = [1, 1]} : vector<1000x128xf32> to vector<1000x1xf32>
    %broadcast_in_dim3A_1237 = vector.shape_cast %slice3A_1236 : vector<1000x1xf32> to vector<1000x1xf32>
    %broadcast_in_dim3A_1238 = vector.broadcast %broadcast_in_dim3A_1237 : vector<1000x1xf32> to vector<1000x128xf32>
    %mul3A_1239 = arith.mulf %broadcast_in_dim3A_1238, %mul3A_1232 : vector<1000x128xf32>
    %get3A_1240 = arith.constant 0 : index
    %get3A_1241 = arith.constant 0 : index
    %get3A_1242 = vector.load %arg11[%get3A_1240, %get3A_1241] : memref<1000x1408xf32, #tpu.memory_space<vmem>>, vector<1000x128xf32>
    %eq3A_1243 = arith.constant 0.000000e+00 : f32
    %eq3A_1244 = vector.broadcast %eq3A_1243 : f32 to vector<1000x128xf32>
    %eq3A_1245 = arith.cmpf oeq, %broadcast_in_dim3A_1235, %eq3A_1244 : vector<1000x128xf32>
    %jit3A_1246 = arith.constant 0.000000e+00 : f32
    %broadcast_in_dim3A_1247 = vector.broadcast %jit3A_1246 : f32 to vector<1000x128xf32>
    %select_n3A_1248 = arith.select %eq3A_1245, %mul3A_1239, %broadcast_in_dim3A_1247 : vector<1000x128xi1>, vector<1000x128xf32>
    %add3A_1249 = arith.addf %get3A_1242, %select_n3A_1248 : vector<1000x128xf32>
    %swap3A_1250 = arith.constant 0 : index
    %swap3A_1251 = arith.constant 0 : index
    %swap3A_1252 = vector.load %arg11[%swap3A_1250, %swap3A_1251] : memref<1000x1408xf32, #tpu.memory_space<vmem>>, vector<1000x128xf32>
    tpu.vector_store %arg11[%swap3A_1250, %swap3A_1251], %add3A_1249 {strides = array<i32>} : memref<1000x1408xf32, #tpu.memory_space<vmem>>, vector<1000x128xf32>,
    %get3A_1253 = arith.constant 0 : index
    %get3A_1254 = arith.constant 128 : index
    %get3A_1255 = vector.load %arg11[%get3A_1253, %get3A_1254] : memref<1000x1408xf32, #tpu.memory_space<vmem>>, vector<1000x128xf32>
    %eq3A_1256 = arith.constant 1.000000e+00 : f32
    %eq3A_1257 = vector.broadcast %eq3A_1256 : f32 to vector<1000x128xf32>
    %eq3A_1258 = arith.cmpf oeq, %broadcast_in_dim3A_1235, %eq3A_1257 : vector<1000x128xf32>
    %jit3A_1259 = arith.constant 0.000000e+00 : f32
    %broadcast_in_dim3A_1260 = vector.broadcast %jit3A_1259 : f32 to vector<1000x128xf32>
    %select_n3A_1261 = arith.select %eq3A_1258, %mul3A_1239, %broadcast_in_dim3A_1260 : vector<1000x128xi1>, vector<1000x128xf32>
    %add3A_1262 = arith.addf %get3A_1255, %select_n3A_1261 : vector<1000x128xf32>
    %swap3A_1263 = arith.constant 0 : index
    %swap3A_1264 = arith.constant 128 : index
    %swap3A_1265 = vector.load %arg11[%swap3A_1263, %swap3A_1264] : memref<1000x1408xf32, #tpu.memory_space<vmem>>, vector<1000x128xf32>
    tpu.vector_store %arg11[%swap3A_1263, %swap3A_1264], %add3A_1262 {strides = array<i32>} : memref<1000x1408xf32, #tpu.memory_space<vmem>>, vector<1000x128xf32>,
    %get3A_1266 = arith.constant 0 : index
    %get3A_1267 = arith.constant 256 : index
    %get3A_1268 = vector.load %arg11[%get3A_1266, %get3A_1267] : memref<1000x1408xf32, #tpu.memory_space<vmem>>, vector<1000x128xf32>
    %eq3A_1269 = arith.constant 2.000000e+00 : f32
    %eq3A_1270 = vector.broadcast %eq3A_1269 : f32 to vector<1000x128xf32>
    %eq3A_1271 = arith.cmpf oeq, %broadcast_in_dim3A_1235, %eq3A_1270 : vector<1000x128xf32>
    %jit3A_1272 = arith.constant 0.000000e+00 : f32
    %broadcast_in_dim3A_1273 = vector.broadcast %jit3A_1272 : f32 to vector<1000x128xf32>
    %select_n3A_1274 = arith.select %eq3A_1271, %mul3A_1239, %broadcast_in_dim3A_1273 : vector<1000x128xi1>, vector<1000x128xf32>
    %add3A_1275 = arith.addf %get3A_1268, %select_n3A_1274 : vector<1000x128xf32>
    %swap3A_1276 = arith.constant 0 : index
    %swap3A_1277 = arith.constant 256 : index
    %swap3A_1278 = vector.load %arg11[%swap3A_1276, %swap3A_1277] : memref<1000x1408xf32, #tpu.memory_space<vmem>>, vector<1000x128xf32>
    tpu.vector_store %arg11[%swap3A_1276, %swap3A_1277], %add3A_1275 {strides = array<i32>} : memref<1000x1408xf32, #tpu.memory_space<vmem>>, vector<1000x128xf32>,
    %get3A_1279 = arith.constant 0 : index
    %get3A_1280 = arith.constant 384 : index
    %get3A_1281 = vector.load %arg11[%get3A_1279, %get3A_1280] : memref<1000x1408xf32, #tpu.memory_space<vmem>>, vector<1000x128xf32>
    %eq3A_1282 = arith.constant 3.000000e+00 : f32
    %eq3A_1283 = vector.broadcast %eq3A_1282 : f32 to vector<1000x128xf32>
    %eq3A_1284 = arith.cmpf oeq, %broadcast_in_dim3A_1235, %eq3A_1283 : vector<1000x128xf32>
    %jit3A_1285 = arith.constant 0.000000e+00 : f32
    %broadcast_in_dim3A_1286 = vector.broadcast %jit3A_1285 : f32 to vector<1000x128xf32>
    %select_n3A_1287 = arith.select %eq3A_1284, %mul3A_1239, %broadcast_in_dim3A_1286 : vector<1000x128xi1>, vector<1000x128xf32>
    %add3A_1288 = arith.addf %get3A_1281, %select_n3A_1287 : vector<1000x128xf32>
    %swap3A_1289 = arith.constant 0 : index
    %swap3A_1290 = arith.constant 384 : index
    %swap3A_1291 = vector.load %arg11[%swap3A_1289, %swap3A_1290] : memref<1000x1408xf32, #tpu.memory_space<vmem>>, vector<1000x128xf32>
    tpu.vector_store %arg11[%swap3A_1289, %swap3A_1290], %add3A_1288 {strides = array<i32>} : memref<1000x1408xf32, #tpu.memory_space<vmem>>, vector<1000x128xf32>,
    %get3A_1292 = arith.constant 0 : index
    %get3A_1293 = arith.constant 512 : index
    %get3A_1294 = vector.load %arg11[%get3A_1292, %get3A_1293] : memref<1000x1408xf32, #tpu.memory_space<vmem>>, vector<1000x128xf32>
    %eq3A_1295 = arith.constant 4.000000e+00 : f32
    %eq3A_1296 = vector.broadcast %eq3A_1295 : f32 to vector<1000x128xf32>
    %eq3A_1297 = arith.cmpf oeq, %broadcast_in_dim3A_1235, %eq3A_1296 : vector<1000x128xf32>
    %jit3A_1298 = arith.constant 0.000000e+00 : f32
    %broadcast_in_dim3A_1299 = vector.broadcast %jit3A_1298 : f32 to vector<1000x128xf32>
    %select_n3A_1300 = arith.select %eq3A_1297, %mul3A_1239, %broadcast_in_dim3A_1299 : vector<1000x128xi1>, vector<1000x128xf32>
    %add3A_1301 = arith.addf %get3A_1294, %select_n3A_1300 : vector<1000x128xf32>
    %swap3A_1302 = arith.constant 0 : index
    %swap3A_1303 = arith.constant 512 : index
    %swap3A_1304 = vector.load %arg11[%swap3A_1302, %swap3A_1303] : memref<1000x1408xf32, #tpu.memory_space<vmem>>, vector<1000x128xf32>
    tpu.vector_store %arg11[%swap3A_1302, %swap3A_1303], %add3A_1301 {strides = array<i32>} : memref<1000x1408xf32, #tpu.memory_space<vmem>>, vector<1000x128xf32>,
    %get3A_1305 = arith.constant 0 : index
    %get3A_1306 = arith.constant 640 : index
    %get3A_1307 = vector.load %arg11[%get3A_1305, %get3A_1306] : memref<1000x1408xf32, #tpu.memory_space<vmem>>, vector<1000x128xf32>
    %eq3A_1308 = arith.constant 5.000000e+00 : f32
    %eq3A_1309 = vector.broadcast %eq3A_1308 : f32 to vector<1000x128xf32>
    %eq3A_1310 = arith.cmpf oeq, %broadcast_in_dim3A_1235, %eq3A_1309 : vector<1000x128xf32>
    %jit3A_1311 = arith.constant 0.000000e+00 : f32
    %broadcast_in_dim3A_1312 = vector.broadcast %jit3A_1311 : f32 to vector<1000x128xf32>
    %select_n3A_1313 = arith.select %eq3A_1310, %mul3A_1239, %broadcast_in_dim3A_1312 : vector<1000x128xi1>, vector<1000x128xf32>
    %add3A_1314 = arith.addf %get3A_1307, %select_n3A_1313 : vector<1000x128xf32>
    %swap3A_1315 = arith.constant 0 : index
    %swap3A_1316 = arith.constant 640 : index
    %swap3A_1317 = vector.load %arg11[%swap3A_1315, %swap3A_1316] : memref<1000x1408xf32, #tpu.memory_space<vmem>>, vector<1000x128xf32>
    tpu.vector_store %arg11[%swap3A_1315, %swap3A_1316], %add3A_1314 {strides = array<i32>} : memref<1000x1408xf32, #tpu.memory_space<vmem>>, vector<1000x128xf32>,
    %get3A_1318 = arith.constant 0 : index
    %get3A_1319 = arith.constant 768 : index
    %get3A_1320 = vector.load %arg11[%get3A_1318, %get3A_1319] : memref<1000x1408xf32, #tpu.memory_space<vmem>>, vector<1000x128xf32>
    %eq3A_1321 = arith.constant 6.000000e+00 : f32
    %eq3A_1322 = vector.broadcast %eq3A_1321 : f32 to vector<1000x128xf32>
    %eq3A_1323 = arith.cmpf oeq, %broadcast_in_dim3A_1235, %eq3A_1322 : vector<1000x128xf32>
    %jit3A_1324 = arith.constant 0.000000e+00 : f32
    %broadcast_in_dim3A_1325 = vector.broadcast %jit3A_1324 : f32 to vector<1000x128xf32>
    %select_n3A_1326 = arith.select %eq3A_1323, %mul3A_1239, %broadcast_in_dim3A_1325 : vector<1000x128xi1>, vector<1000x128xf32>
    %add3A_1327 = arith.addf %get3A_1320, %select_n3A_1326 : vector<1000x128xf32>
    %swap3A_1328 = arith.constant 0 : index
    %swap3A_1329 = arith.constant 768 : index
    %swap3A_1330 = vector.load %arg11[%swap3A_1328, %swap3A_1329] : memref<1000x1408xf32, #tpu.memory_space<vmem>>, vector<1000x128xf32>
    tpu.vector_store %arg11[%swap3A_1328, %swap3A_1329], %add3A_1327 {strides = array<i32>} : memref<1000x1408xf32, #tpu.memory_space<vmem>>, vector<1000x128xf32>,
    %get3A_1331 = arith.constant 0 : index
    %get3A_1332 = arith.constant 896 : index
    %get3A_1333 = vector.load %arg11[%get3A_1331, %get3A_1332] : memref<1000x1408xf32, #tpu.memory_space<vmem>>, vector<1000x128xf32>
    %eq3A_1334 = arith.constant 7.000000e+00 : f32
    %eq3A_1335 = vector.broadcast %eq3A_1334 : f32 to vector<1000x128xf32>
    %eq3A_1336 = arith.cmpf oeq, %broadcast_in_dim3A_1235, %eq3A_1335 : vector<1000x128xf32>
    %jit3A_1337 = arith.constant 0.000000e+00 : f32
    %broadcast_in_dim3A_1338 = vector.broadcast %jit3A_1337 : f32 to vector<1000x128xf32>
    %select_n3A_1339 = arith.select %eq3A_1336, %mul3A_1239, %broadcast_in_dim3A_1338 : vector<1000x128xi1>, vector<1000x128xf32>
    %add3A_1340 = arith.addf %get3A_1333, %select_n3A_1339 : vector<1000x128xf32>
    %swap3A_1341 = arith.constant 0 : index
    %swap3A_1342 = arith.constant 896 : index
    %swap3A_1343 = vector.load %arg11[%swap3A_1341, %swap3A_1342] : memref<1000x1408xf32, #tpu.memory_space<vmem>>, vector<1000x128xf32>
    tpu.vector_store %arg11[%swap3A_1341, %swap3A_1342], %add3A_1340 {strides = array<i32>} : memref<1000x1408xf32, #tpu.memory_space<vmem>>, vector<1000x128xf32>,
    %get3A_1344 = arith.constant 0 : index
    %get3A_1345 = arith.constant 1024 : index
    %get3A_1346 = vector.load %arg11[%get3A_1344, %get3A_1345] : memref<1000x1408xf32, #tpu.memory_space<vmem>>, vector<1000x128xf32>
    %eq3A_1347 = arith.constant 8.000000e+00 : f32
    %eq3A_1348 = vector.broadcast %eq3A_1347 : f32 to vector<1000x128xf32>
    %eq3A_1349 = arith.cmpf oeq, %broadcast_in_dim3A_1235, %eq3A_1348 : vector<1000x128xf32>
    %jit3A_1350 = arith.constant 0.000000e+00 : f32
    %broadcast_in_dim3A_1351 = vector.broadcast %jit3A_1350 : f32 to vector<1000x128xf32>
    %select_n3A_1352 = arith.select %eq3A_1349, %mul3A_1239, %broadcast_in_dim3A_1351 : vector<1000x128xi1>, vector<1000x128xf32>
    %add3A_1353 = arith.addf %get3A_1346, %select_n3A_1352 : vector<1000x128xf32>
    %swap3A_1354 = arith.constant 0 : index
    %swap3A_1355 = arith.constant 1024 : index
    %swap3A_1356 = vector.load %arg11[%swap3A_1354, %swap3A_1355] : memref<1000x1408xf32, #tpu.memory_space<vmem>>, vector<1000x128xf32>
    tpu.vector_store %arg11[%swap3A_1354, %swap3A_1355], %add3A_1353 {strides = array<i32>} : memref<1000x1408xf32, #tpu.memory_space<vmem>>, vector<1000x128xf32>,
    %get3A_1357 = arith.constant 0 : index
    %get3A_1358 = arith.constant 1152 : index
    %get3A_1359 = vector.load %arg11[%get3A_1357, %get3A_1358] : memref<1000x1408xf32, #tpu.memory_space<vmem>>, vector<1000x128xf32>
    %eq3A_1360 = arith.constant 9.000000e+00 : f32
    %eq3A_1361 = vector.broadcast %eq3A_1360 : f32 to vector<1000x128xf32>
    %eq3A_1362 = arith.cmpf oeq, %broadcast_in_dim3A_1235, %eq3A_1361 : vector<1000x128xf32>
    %jit3A_1363 = arith.constant 0.000000e+00 : f32
    %broadcast_in_dim3A_1364 = vector.broadcast %jit3A_1363 : f32 to vector<1000x128xf32>
    %select_n3A_1365 = arith.select %eq3A_1362, %mul3A_1239, %broadcast_in_dim3A_1364 : vector<1000x128xi1>, vector<1000x128xf32>
    %add3A_1366 = arith.addf %get3A_1359, %select_n3A_1365 : vector<1000x128xf32>
    %swap3A_1367 = arith.constant 0 : index
    %swap3A_1368 = arith.constant 1152 : index
    %swap3A_1369 = vector.load %arg11[%swap3A_1367, %swap3A_1368] : memref<1000x1408xf32, #tpu.memory_space<vmem>>, vector<1000x128xf32>
    tpu.vector_store %arg11[%swap3A_1367, %swap3A_1368], %add3A_1366 {strides = array<i32>} : memref<1000x1408xf32, #tpu.memory_space<vmem>>, vector<1000x128xf32>,
    %get3A_1370 = arith.constant 0 : index
    %get3A_1371 = arith.constant 1280 : index
    %get3A_1372 = vector.load %arg11[%get3A_1370, %get3A_1371] : memref<1000x1408xf32, #tpu.memory_space<vmem>>, vector<1000x128xf32>
    %eq3A_1373 = arith.constant 1.000000e+01 : f32
    %eq3A_1374 = vector.broadcast %eq3A_1373 : f32 to vector<1000x128xf32>
    %eq3A_1375 = arith.cmpf oeq, %broadcast_in_dim3A_1235, %eq3A_1374 : vector<1000x128xf32>
    %jit3A_1376 = arith.constant 0.000000e+00 : f32
    %broadcast_in_dim3A_1377 = vector.broadcast %jit3A_1376 : f32 to vector<1000x128xf32>
    %select_n3A_1378 = arith.select %eq3A_1375, %mul3A_1239, %broadcast_in_dim3A_1377 : vector<1000x128xi1>, vector<1000x128xf32>
    %add3A_1379 = arith.addf %get3A_1372, %select_n3A_1378 : vector<1000x128xf32>
    %swap3A_1380 = arith.constant 0 : index
    %swap3A_1381 = arith.constant 1280 : index
    %swap3A_1382 = vector.load %arg11[%swap3A_1380, %swap3A_1381] : memref<1000x1408xf32, #tpu.memory_space<vmem>>, vector<1000x128xf32>
    tpu.vector_store %arg11[%swap3A_1380, %swap3A_1381], %add3A_1379 {strides = array<i32>} : memref<1000x1408xf32, #tpu.memory_space<vmem>>, vector<1000x128xf32>,
    %get3A_1383 = arith.constant 0 : index
    %get3A_1384 = arith.constant 7 : index
    %get3A_1385 = arith.constant 0 : index
    %get3A_1386 = vector.load %arg2[%get3A_1383, %get3A_1384, %get3A_1385] : memref<1000x8x128xf32, #tpu.memory_space<vmem>>, vector<1000x1x128xf32>
    %get3A_1387 = vector.shape_cast %get3A_1386 : vector<1000x1x128xf32> to vector<1000x128xf32>
    %get3A_1388 = arith.constant 0 : index
    %get3A_1389 = arith.constant 0 : index
    %get3A_1390 = vector.load %arg5[%get3A_1388, %get3A_1389] : memref<128x512xf32, #tpu.memory_space<vmem>>, vector<128x512xf32>
    %dot_general3A_1391 = arith.constant dense<0.000000e+00> : vector<1000x512xf32>
    %dot_general3A_1392 = tpu.matmul %get3A_1387, %get3A_1390, %dot_general3A_1391 {dimension_numbers = #tpu.dot_dimension_numbers<[1], [0], [0], [1], [0, 0, 1, 1], [], []>, transpose_lhs_hint = false} : vector<1000x128xf32>, vector<128x512xf32>, vector<1000x512xf32> -> vector<1000x512xf32>
    %get3A_1393 = arith.constant 0 : index
    %get3A_1394 = arith.constant 0 : index
    %get3A_1395 = vector.load %arg6[%get3A_1393, %get3A_1394] : memref<128x512xf32, #tpu.memory_space<vmem>>, vector<128x512xf32>
    %dot_general3A_1396 = arith.constant dense<0.000000e+00> : vector<1000x512xf32>
    %dot_general3A_1397 = tpu.matmul %mul3A_1232, %get3A_1395, %dot_general3A_1396 {dimension_numbers = #tpu.dot_dimension_numbers<[1], [0], [0], [1], [0, 0, 1, 1], [], []>, transpose_lhs_hint = false} : vector<1000x128xf32>, vector<128x512xf32>, vector<1000x512xf32> -> vector<1000x512xf32>
    %add3A_1398 = arith.addf %dot_general3A_1392, %dot_general3A_1397 : vector<1000x512xf32>
    %slice3A_1399 = vector.extract_strided_slice %add3A_1398 {offsets = [0, 0], sizes = [1000, 128], strides = [1, 1]} : vector<1000x512xf32> to vector<1000x128xf32>
    %logistic3A_1400 = arith.negf %slice3A_1399 : vector<1000x128xf32>
    %logistic3A_1401 = math.exp %logistic3A_1400 : vector<1000x128xf32>
    %logistic3A_1402 = arith.constant 1.000000e+00 : f32
    %logistic3A_1403 = vector.broadcast %logistic3A_1402 : f32 to vector<1000x128xf32>
    %logistic3A_1404 = arith.addf %logistic3A_1403, %logistic3A_1401 : vector<1000x128xf32>
    %logistic3A_1405 = arith.divf %logistic3A_1403, %logistic3A_1404 : vector<1000x128xf32>
    %slice3A_1406 = vector.extract_strided_slice %add3A_1398 {offsets = [0, 128], sizes = [1000, 128], strides = [1, 1]} : vector<1000x512xf32> to vector<1000x128xf32>
    %logistic3A_1407 = arith.negf %slice3A_1406 : vector<1000x128xf32>
    %logistic3A_1408 = math.exp %logistic3A_1407 : vector<1000x128xf32>
    %logistic3A_1409 = arith.constant 1.000000e+00 : f32
    %logistic3A_1410 = vector.broadcast %logistic3A_1409 : f32 to vector<1000x128xf32>
    %logistic3A_1411 = arith.addf %logistic3A_1410, %logistic3A_1408 : vector<1000x128xf32>
    %logistic3A_1412 = arith.divf %logistic3A_1410, %logistic3A_1411 : vector<1000x128xf32>
    %slice3A_1413 = vector.extract_strided_slice %add3A_1398 {offsets = [0, 256], sizes = [1000, 128], strides = [1, 1]} : vector<1000x512xf32> to vector<1000x128xf32>
    %tanh3A_1414 = math.tanh %slice3A_1413 : vector<1000x128xf32>
    %slice3A_1415 = vector.extract_strided_slice %add3A_1398 {offsets = [0, 384], sizes = [1000, 128], strides = [1, 1]} : vector<1000x512xf32> to vector<1000x128xf32>
    %logistic3A_1416 = arith.negf %slice3A_1415 : vector<1000x128xf32>
    %logistic3A_1417 = math.exp %logistic3A_1416 : vector<1000x128xf32>
    %logistic3A_1418 = arith.constant 1.000000e+00 : f32
    %logistic3A_1419 = vector.broadcast %logistic3A_1418 : f32 to vector<1000x128xf32>
    %logistic3A_1420 = arith.addf %logistic3A_1419, %logistic3A_1417 : vector<1000x128xf32>
    %logistic3A_1421 = arith.divf %logistic3A_1419, %logistic3A_1420 : vector<1000x128xf32>
    %mul3A_1422 = arith.mulf %logistic3A_1412, %add3A_1230 : vector<1000x128xf32>
    %mul3A_1423 = arith.mulf %logistic3A_1405, %tanh3A_1414 : vector<1000x128xf32>
    %add3A_1424 = arith.addf %mul3A_1422, %mul3A_1423 : vector<1000x128xf32>
    %tanh3A_1425 = math.tanh %add3A_1424 : vector<1000x128xf32>
    %mul3A_1426 = arith.mulf %logistic3A_1421, %tanh3A_1425 : vector<1000x128xf32>
    %slice3A_1427 = vector.extract_strided_slice %dot_general3A_12 {offsets = [0, 7], sizes = [1000, 1], strides = [1, 1]} : vector<1000x128xf32> to vector<1000x1xf32>
    %broadcast_in_dim3A_1428 = vector.shape_cast %slice3A_1427 : vector<1000x1xf32> to vector<1000x1xf32>
    %broadcast_in_dim3A_1429 = vector.broadcast %broadcast_in_dim3A_1428 : vector<1000x1xf32> to vector<1000x128xf32>
    %slice3A_1430 = vector.extract_strided_slice %add3A_22 {offsets = [0, 7], sizes = [1000, 1], strides = [1, 1]} : vector<1000x128xf32> to vector<1000x1xf32>
    %broadcast_in_dim3A_1431 = vector.shape_cast %slice3A_1430 : vector<1000x1xf32> to vector<1000x1xf32>
    %broadcast_in_dim3A_1432 = vector.broadcast %broadcast_in_dim3A_1431 : vector<1000x1xf32> to vector<1000x128xf32>
    %mul3A_1433 = arith.mulf %broadcast_in_dim3A_1432, %mul3A_1426 : vector<1000x128xf32>
    %get3A_1434 = arith.constant 0 : index
    %get3A_1435 = arith.constant 0 : index
    %get3A_1436 = vector.load %arg11[%get3A_1434, %get3A_1435] : memref<1000x1408xf32, #tpu.memory_space<vmem>>, vector<1000x128xf32>
    %eq3A_1437 = arith.constant 0.000000e+00 : f32
    %eq3A_1438 = vector.broadcast %eq3A_1437 : f32 to vector<1000x128xf32>
    %eq3A_1439 = arith.cmpf oeq, %broadcast_in_dim3A_1429, %eq3A_1438 : vector<1000x128xf32>
    %jit3A_1440 = arith.constant 0.000000e+00 : f32
    %broadcast_in_dim3A_1441 = vector.broadcast %jit3A_1440 : f32 to vector<1000x128xf32>
    %select_n3A_1442 = arith.select %eq3A_1439, %mul3A_1433, %broadcast_in_dim3A_1441 : vector<1000x128xi1>, vector<1000x128xf32>
    %add3A_1443 = arith.addf %get3A_1436, %select_n3A_1442 : vector<1000x128xf32>
    %swap3A_1444 = arith.constant 0 : index
    %swap3A_1445 = arith.constant 0 : index
    %swap3A_1446 = vector.load %arg11[%swap3A_1444, %swap3A_1445] : memref<1000x1408xf32, #tpu.memory_space<vmem>>, vector<1000x128xf32>
    tpu.vector_store %arg11[%swap3A_1444, %swap3A_1445], %add3A_1443 {strides = array<i32>} : memref<1000x1408xf32, #tpu.memory_space<vmem>>, vector<1000x128xf32>,
    %get3A_1447 = arith.constant 0 : index
    %get3A_1448 = arith.constant 128 : index
    %get3A_1449 = vector.load %arg11[%get3A_1447, %get3A_1448] : memref<1000x1408xf32, #tpu.memory_space<vmem>>, vector<1000x128xf32>
    %eq3A_1450 = arith.constant 1.000000e+00 : f32
    %eq3A_1451 = vector.broadcast %eq3A_1450 : f32 to vector<1000x128xf32>
    %eq3A_1452 = arith.cmpf oeq, %broadcast_in_dim3A_1429, %eq3A_1451 : vector<1000x128xf32>
    %jit3A_1453 = arith.constant 0.000000e+00 : f32
    %broadcast_in_dim3A_1454 = vector.broadcast %jit3A_1453 : f32 to vector<1000x128xf32>
    %select_n3A_1455 = arith.select %eq3A_1452, %mul3A_1433, %broadcast_in_dim3A_1454 : vector<1000x128xi1>, vector<1000x128xf32>
    %add3A_1456 = arith.addf %get3A_1449, %select_n3A_1455 : vector<1000x128xf32>
    %swap3A_1457 = arith.constant 0 : index
    %swap3A_1458 = arith.constant 128 : index
    %swap3A_1459 = vector.load %arg11[%swap3A_1457, %swap3A_1458] : memref<1000x1408xf32, #tpu.memory_space<vmem>>, vector<1000x128xf32>
    tpu.vector_store %arg11[%swap3A_1457, %swap3A_1458], %add3A_1456 {strides = array<i32>} : memref<1000x1408xf32, #tpu.memory_space<vmem>>, vector<1000x128xf32>,
    %get3A_1460 = arith.constant 0 : index
    %get3A_1461 = arith.constant 256 : index
    %get3A_1462 = vector.load %arg11[%get3A_1460, %get3A_1461] : memref<1000x1408xf32, #tpu.memory_space<vmem>>, vector<1000x128xf32>
    %eq3A_1463 = arith.constant 2.000000e+00 : f32
    %eq3A_1464 = vector.broadcast %eq3A_1463 : f32 to vector<1000x128xf32>
    %eq3A_1465 = arith.cmpf oeq, %broadcast_in_dim3A_1429, %eq3A_1464 : vector<1000x128xf32>
    %jit3A_1466 = arith.constant 0.000000e+00 : f32
    %broadcast_in_dim3A_1467 = vector.broadcast %jit3A_1466 : f32 to vector<1000x128xf32>
    %select_n3A_1468 = arith.select %eq3A_1465, %mul3A_1433, %broadcast_in_dim3A_1467 : vector<1000x128xi1>, vector<1000x128xf32>
    %add3A_1469 = arith.addf %get3A_1462, %select_n3A_1468 : vector<1000x128xf32>
    %swap3A_1470 = arith.constant 0 : index
    %swap3A_1471 = arith.constant 256 : index
    %swap3A_1472 = vector.load %arg11[%swap3A_1470, %swap3A_1471] : memref<1000x1408xf32, #tpu.memory_space<vmem>>, vector<1000x128xf32>
    tpu.vector_store %arg11[%swap3A_1470, %swap3A_1471], %add3A_1469 {strides = array<i32>} : memref<1000x1408xf32, #tpu.memory_space<vmem>>, vector<1000x128xf32>,
    %get3A_1473 = arith.constant 0 : index
    %get3A_1474 = arith.constant 384 : index
    %get3A_1475 = vector.load %arg11[%get3A_1473, %get3A_1474] : memref<1000x1408xf32, #tpu.memory_space<vmem>>, vector<1000x128xf32>
    %eq3A_1476 = arith.constant 3.000000e+00 : f32
    %eq3A_1477 = vector.broadcast %eq3A_1476 : f32 to vector<1000x128xf32>
    %eq3A_1478 = arith.cmpf oeq, %broadcast_in_dim3A_1429, %eq3A_1477 : vector<1000x128xf32>
    %jit3A_1479 = arith.constant 0.000000e+00 : f32
    %broadcast_in_dim3A_1480 = vector.broadcast %jit3A_1479 : f32 to vector<1000x128xf32>
    %select_n3A_1481 = arith.select %eq3A_1478, %mul3A_1433, %broadcast_in_dim3A_1480 : vector<1000x128xi1>, vector<1000x128xf32>
    %add3A_1482 = arith.addf %get3A_1475, %select_n3A_1481 : vector<1000x128xf32>
    %swap3A_1483 = arith.constant 0 : index
    %swap3A_1484 = arith.constant 384 : index
    %swap3A_1485 = vector.load %arg11[%swap3A_1483, %swap3A_1484] : memref<1000x1408xf32, #tpu.memory_space<vmem>>, vector<1000x128xf32>
    tpu.vector_store %arg11[%swap3A_1483, %swap3A_1484], %add3A_1482 {strides = array<i32>} : memref<1000x1408xf32, #tpu.memory_space<vmem>>, vector<1000x128xf32>,
    %get3A_1486 = arith.constant 0 : index
    %get3A_1487 = arith.constant 512 : index
    %get3A_1488 = vector.load %arg11[%get3A_1486, %get3A_1487] : memref<1000x1408xf32, #tpu.memory_space<vmem>>, vector<1000x128xf32>
    %eq3A_1489 = arith.constant 4.000000e+00 : f32
    %eq3A_1490 = vector.broadcast %eq3A_1489 : f32 to vector<1000x128xf32>
    %eq3A_1491 = arith.cmpf oeq, %broadcast_in_dim3A_1429, %eq3A_1490 : vector<1000x128xf32>
    %jit3A_1492 = arith.constant 0.000000e+00 : f32
    %broadcast_in_dim3A_1493 = vector.broadcast %jit3A_1492 : f32 to vector<1000x128xf32>
    %select_n3A_1494 = arith.select %eq3A_1491, %mul3A_1433, %broadcast_in_dim3A_1493 : vector<1000x128xi1>, vector<1000x128xf32>
    %add3A_1495 = arith.addf %get3A_1488, %select_n3A_1494 : vector<1000x128xf32>
    %swap3A_1496 = arith.constant 0 : index
    %swap3A_1497 = arith.constant 512 : index
    %swap3A_1498 = vector.load %arg11[%swap3A_1496, %swap3A_1497] : memref<1000x1408xf32, #tpu.memory_space<vmem>>, vector<1000x128xf32>
    tpu.vector_store %arg11[%swap3A_1496, %swap3A_1497], %add3A_1495 {strides = array<i32>} : memref<1000x1408xf32, #tpu.memory_space<vmem>>, vector<1000x128xf32>,
    %get3A_1499 = arith.constant 0 : index
    %get3A_1500 = arith.constant 640 : index
    %get3A_1501 = vector.load %arg11[%get3A_1499, %get3A_1500] : memref<1000x1408xf32, #tpu.memory_space<vmem>>, vector<1000x128xf32>
    %eq3A_1502 = arith.constant 5.000000e+00 : f32
    %eq3A_1503 = vector.broadcast %eq3A_1502 : f32 to vector<1000x128xf32>
    %eq3A_1504 = arith.cmpf oeq, %broadcast_in_dim3A_1429, %eq3A_1503 : vector<1000x128xf32>
    %jit3A_1505 = arith.constant 0.000000e+00 : f32
    %broadcast_in_dim3A_1506 = vector.broadcast %jit3A_1505 : f32 to vector<1000x128xf32>
    %select_n3A_1507 = arith.select %eq3A_1504, %mul3A_1433, %broadcast_in_dim3A_1506 : vector<1000x128xi1>, vector<1000x128xf32>
    %add3A_1508 = arith.addf %get3A_1501, %select_n3A_1507 : vector<1000x128xf32>
    %swap3A_1509 = arith.constant 0 : index
    %swap3A_1510 = arith.constant 640 : index
    %swap3A_1511 = vector.load %arg11[%swap3A_1509, %swap3A_1510] : memref<1000x1408xf32, #tpu.memory_space<vmem>>, vector<1000x128xf32>
    tpu.vector_store %arg11[%swap3A_1509, %swap3A_1510], %add3A_1508 {strides = array<i32>} : memref<1000x1408xf32, #tpu.memory_space<vmem>>, vector<1000x128xf32>,
    %get3A_1512 = arith.constant 0 : index
    %get3A_1513 = arith.constant 768 : index
    %get3A_1514 = vector.load %arg11[%get3A_1512, %get3A_1513] : memref<1000x1408xf32, #tpu.memory_space<vmem>>, vector<1000x128xf32>
    %eq3A_1515 = arith.constant 6.000000e+00 : f32
    %eq3A_1516 = vector.broadcast %eq3A_1515 : f32 to vector<1000x128xf32>
    %eq3A_1517 = arith.cmpf oeq, %broadcast_in_dim3A_1429, %eq3A_1516 : vector<1000x128xf32>
    %jit3A_1518 = arith.constant 0.000000e+00 : f32
    %broadcast_in_dim3A_1519 = vector.broadcast %jit3A_1518 : f32 to vector<1000x128xf32>
    %select_n3A_1520 = arith.select %eq3A_1517, %mul3A_1433, %broadcast_in_dim3A_1519 : vector<1000x128xi1>, vector<1000x128xf32>
    %add3A_1521 = arith.addf %get3A_1514, %select_n3A_1520 : vector<1000x128xf32>
    %swap3A_1522 = arith.constant 0 : index
    %swap3A_1523 = arith.constant 768 : index
    %swap3A_1524 = vector.load %arg11[%swap3A_1522, %swap3A_1523] : memref<1000x1408xf32, #tpu.memory_space<vmem>>, vector<1000x128xf32>
    tpu.vector_store %arg11[%swap3A_1522, %swap3A_1523], %add3A_1521 {strides = array<i32>} : memref<1000x1408xf32, #tpu.memory_space<vmem>>, vector<1000x128xf32>,
    %get3A_1525 = arith.constant 0 : index
    %get3A_1526 = arith.constant 896 : index
    %get3A_1527 = vector.load %arg11[%get3A_1525, %get3A_1526] : memref<1000x1408xf32, #tpu.memory_space<vmem>>, vector<1000x128xf32>
    %eq3A_1528 = arith.constant 7.000000e+00 : f32
    %eq3A_1529 = vector.broadcast %eq3A_1528 : f32 to vector<1000x128xf32>
    %eq3A_1530 = arith.cmpf oeq, %broadcast_in_dim3A_1429, %eq3A_1529 : vector<1000x128xf32>
    %jit3A_1531 = arith.constant 0.000000e+00 : f32
    %broadcast_in_dim3A_1532 = vector.broadcast %jit3A_1531 : f32 to vector<1000x128xf32>
    %select_n3A_1533 = arith.select %eq3A_1530, %mul3A_1433, %broadcast_in_dim3A_1532 : vector<1000x128xi1>, vector<1000x128xf32>
    %add3A_1534 = arith.addf %get3A_1527, %select_n3A_1533 : vector<1000x128xf32>
    %swap3A_1535 = arith.constant 0 : index
    %swap3A_1536 = arith.constant 896 : index
    %swap3A_1537 = vector.load %arg11[%swap3A_1535, %swap3A_1536] : memref<1000x1408xf32, #tpu.memory_space<vmem>>, vector<1000x128xf32>
    tpu.vector_store %arg11[%swap3A_1535, %swap3A_1536], %add3A_1534 {strides = array<i32>} : memref<1000x1408xf32, #tpu.memory_space<vmem>>, vector<1000x128xf32>,
    %get3A_1538 = arith.constant 0 : index
    %get3A_1539 = arith.constant 1024 : index
    %get3A_1540 = vector.load %arg11[%get3A_1538, %get3A_1539] : memref<1000x1408xf32, #tpu.memory_space<vmem>>, vector<1000x128xf32>
    %eq3A_1541 = arith.constant 8.000000e+00 : f32
    %eq3A_1542 = vector.broadcast %eq3A_1541 : f32 to vector<1000x128xf32>
    %eq3A_1543 = arith.cmpf oeq, %broadcast_in_dim3A_1429, %eq3A_1542 : vector<1000x128xf32>
    %jit3A_1544 = arith.constant 0.000000e+00 : f32
    %broadcast_in_dim3A_1545 = vector.broadcast %jit3A_1544 : f32 to vector<1000x128xf32>
    %select_n3A_1546 = arith.select %eq3A_1543, %mul3A_1433, %broadcast_in_dim3A_1545 : vector<1000x128xi1>, vector<1000x128xf32>
    %add3A_1547 = arith.addf %get3A_1540, %select_n3A_1546 : vector<1000x128xf32>
    %swap3A_1548 = arith.constant 0 : index
    %swap3A_1549 = arith.constant 1024 : index
    %swap3A_1550 = vector.load %arg11[%swap3A_1548, %swap3A_1549] : memref<1000x1408xf32, #tpu.memory_space<vmem>>, vector<1000x128xf32>
    tpu.vector_store %arg11[%swap3A_1548, %swap3A_1549], %add3A_1547 {strides = array<i32>} : memref<1000x1408xf32, #tpu.memory_space<vmem>>, vector<1000x128xf32>,
    %get3A_1551 = arith.constant 0 : index
    %get3A_1552 = arith.constant 1152 : index
    %get3A_1553 = vector.load %arg11[%get3A_1551, %get3A_1552] : memref<1000x1408xf32, #tpu.memory_space<vmem>>, vector<1000x128xf32>
    %eq3A_1554 = arith.constant 9.000000e+00 : f32
    %eq3A_1555 = vector.broadcast %eq3A_1554 : f32 to vector<1000x128xf32>
    %eq3A_1556 = arith.cmpf oeq, %broadcast_in_dim3A_1429, %eq3A_1555 : vector<1000x128xf32>
    %jit3A_1557 = arith.constant 0.000000e+00 : f32
    %broadcast_in_dim3A_1558 = vector.broadcast %jit3A_1557 : f32 to vector<1000x128xf32>
    %select_n3A_1559 = arith.select %eq3A_1556, %mul3A_1433, %broadcast_in_dim3A_1558 : vector<1000x128xi1>, vector<1000x128xf32>
    %add3A_1560 = arith.addf %get3A_1553, %select_n3A_1559 : vector<1000x128xf32>
    %swap3A_1561 = arith.constant 0 : index
    %swap3A_1562 = arith.constant 1152 : index
    %swap3A_1563 = vector.load %arg11[%swap3A_1561, %swap3A_1562] : memref<1000x1408xf32, #tpu.memory_space<vmem>>, vector<1000x128xf32>
    tpu.vector_store %arg11[%swap3A_1561, %swap3A_1562], %add3A_1560 {strides = array<i32>} : memref<1000x1408xf32, #tpu.memory_space<vmem>>, vector<1000x128xf32>,
    %get3A_1564 = arith.constant 0 : index
    %get3A_1565 = arith.constant 1280 : index
    %get3A_1566 = vector.load %arg11[%get3A_1564, %get3A_1565] : memref<1000x1408xf32, #tpu.memory_space<vmem>>, vector<1000x128xf32>
    %eq3A_1567 = arith.constant 1.000000e+01 : f32
    %eq3A_1568 = vector.broadcast %eq3A_1567 : f32 to vector<1000x128xf32>
    %eq3A_1569 = arith.cmpf oeq, %broadcast_in_dim3A_1429, %eq3A_1568 : vector<1000x128xf32>
    %jit3A_1570 = arith.constant 0.000000e+00 : f32
    %broadcast_in_dim3A_1571 = vector.broadcast %jit3A_1570 : f32 to vector<1000x128xf32>
    %select_n3A_1572 = arith.select %eq3A_1569, %mul3A_1433, %broadcast_in_dim3A_1571 : vector<1000x128xi1>, vector<1000x128xf32>
    %add3A_1573 = arith.addf %get3A_1566, %select_n3A_1572 : vector<1000x128xf32>
    %swap3A_1574 = arith.constant 0 : index
    %swap3A_1575 = arith.constant 1280 : index
    %swap3A_1576 = vector.load %arg11[%swap3A_1574, %swap3A_1575] : memref<1000x1408xf32, #tpu.memory_space<vmem>>, vector<1000x128xf32>
    tpu.vector_store %arg11[%swap3A_1574, %swap3A_1575], %add3A_1573 {strides = array<i32>} : memref<1000x1408xf32, #tpu.memory_space<vmem>>, vector<1000x128xf32>,
    %swap3A_1577 = arith.constant 0 : index
    %swap3A_1578 = arith.constant 0 : index
    %swap3A_1579 = vector.load %arg9[%swap3A_1577, %swap3A_1578] : memref<1000x128xf32, #tpu.memory_space<vmem>>, vector<1000x128xf32>
    tpu.vector_store %arg9[%swap3A_1577, %swap3A_1578], %mul3A_1426 {strides = array<i32>} : memref<1000x128xf32, #tpu.memory_space<vmem>>, vector<1000x128xf32>,
    %swap3A_1580 = arith.constant 0 : index
    %swap3A_1581 = arith.constant 0 : index
    %swap3A_1582 = vector.load %arg10[%swap3A_1580, %swap3A_1581] : memref<1000x128xf32, #tpu.memory_space<vmem>>, vector<1000x128xf32>
    tpu.vector_store %arg10[%swap3A_1580, %swap3A_1581], %add3A_1424 {strides = array<i32>} : memref<1000x128xf32, #tpu.memory_space<vmem>>, vector<1000x128xf32>,
    %eq3A_1583 = arith.constant 3 : i32
    %eq3A_1584 = arith.cmpi eq, %arg1, %eq3A_1583 : i32
    %convert_element_type3A_1585 = arith.extui %eq3A_1584 : i1 to i32
    %cond3A_1586 = arith.constant 0 : i32
    %cond3A_1587 = arith.cmpi ne, %convert_element_type3A_1585, %cond3A_1586 : i32
    scf.if %cond3A_1587 {
      %get3A_1588 = arith.constant 0 : index
      %get3A_1589 = arith.constant 0 : index
      %get3A_1590 = vector.load %arg11[%get3A_1588, %get3A_1589] : memref<1000x1408xf32, #tpu.memory_space<vmem>>, vector<1000x1408xf32>
      %get3A_1591 = arith.constant 0 : index
      %get3A_1592 = arith.constant 0 : index
      %get3A_1593 = vector.load %arg7[%get3A_1591, %get3A_1592] : memref<1408x128xf32, #tpu.memory_space<vmem>>, vector<1408x128xf32>
      %dot_general3A_1594 = arith.constant dense<0.000000e+00> : vector<1000x128xf32>
      %dot_general3A_1595 = tpu.matmul %get3A_1590, %get3A_1593, %dot_general3A_1594 {dimension_numbers = #tpu.dot_dimension_numbers<[1], [0], [0], [1], [0, 0, 1, 1], [], []>, transpose_lhs_hint = false} : vector<1000x1408xf32>, vector<1408x128xf32>, vector<1000x128xf32> -> vector<1000x128xf32>
      %max3A = arith.constant 0.000000e+00 : f32
      %max3A_1596 = vector.broadcast %max3A : f32 to vector<1000x128xf32>
      %max3A_1597 = arith.maximumf %dot_general3A_1595, %max3A_1596 : vector<1000x128xf32>
      %swap3A_1598 = arith.constant 0 : index
      %swap3A_1599 = arith.constant 0 : index
      %swap3A_1600 = vector.load %arg8[%swap3A_1598, %swap3A_1599] : memref<1000x128xf32, #tpu.memory_space<vmem>>, vector<1000x128xf32>
      tpu.vector_store %arg8[%swap3A_1598, %swap3A_1599], %max3A_1597 {strides = array<i32>} : memref<1000x128xf32, #tpu.memory_space<vmem>>, vector<1000x128xf32>,
    } else {
    }
    return
  }
  func.func @transform_0(%arg0: i32, %arg1: i32) -> (i32, i32, i32) {
    %c0_i32 = arith.constant 0 : i32
    %c0_i32_0 = arith.constant 0 : i32
    return %arg0, %arg1, %c0_i32 : i32, i32, i32
  }
  func.func @transform_1(%arg0: i32, %arg1: i32) -> (i32, i32) {
    %c0_i32 = arith.constant 0 : i32
    %c0_i32_0 = arith.constant 0 : i32
    return %arg0, %c0_i32 : i32, i32
  }
  func.func @transform_2(%arg0: i32, %arg1: i32) -> (i32, i32) {
    %c0_i32 = arith.constant 0 : i32
    %c0_i32_0 = arith.constant 0 : i32
    return %arg0, %c0_i32 : i32, i32
  }
  func.func @transform_3(%arg0: i32, %arg1: i32) -> (i32, i32) {
    %c0_i32 = arith.constant 0 : i32
    %c0_i32_0 = arith.constant 0 : i32
    %c0_i32_1 = arith.constant 0 : i32
    return %c0_i32, %c0_i32_0 : i32, i32
  }
  func.func @transform_4(%arg0: i32, %arg1: i32) -> (i32, i32) {
    %c0_i32 = arith.constant 0 : i32
    %c0_i32_0 = arith.constant 0 : i32
    %c0_i32_1 = arith.constant 0 : i32
    return %c0_i32, %c0_i32_0 : i32, i32
  }
  func.func @transform_5(%arg0: i32, %arg1: i32) -> (i32, i32) {
    %c0_i32 = arith.constant 0 : i32
    %c0_i32_0 = arith.constant 0 : i32
    %c0_i32_1 = arith.constant 0 : i32
    return %c0_i32, %c0_i32_0 : i32, i32
  }
  func.func @transform_6(%arg0: i32, %arg1: i32) -> (i32, i32) {
    %c0_i32 = arith.constant 0 : i32
    %c0_i32_0 = arith.constant 0 : i32
    return %arg0, %c0_i32 : i32, i32
  }
}

</mosaic_0001>

<sc_bundles>
// kernel: kernel.6.cloned.1.call-start
scs
__scs_entry_jumppad:
0x0: {  	(pc) =	sbr.rel $0x88, $3  }
0x1: {  	(tag) =	ssettag $0x0;
	lr =	simm.s32 $0x1  }
0x2: {  	[smem:$0x3F9A] =	sst lr;
	_ =	strace $0xD0000000  }
0x3: {  	_ = 	snop  }
0x4: {  	_ = 	snop  }
0x5: {  	_ = 	snop  }
0x6: {  	_ = 	snop  }
0x7: {  	_ = 	snop  }
__scs_overlays_trampoline_lowered:
0x8: {  	[smem:$0x3FA9] =	sst s0  }
0x9: {  	[smem:$0x3FAA] =	sst s1  }
0xa: {  	[smem:$0x3FAB] =	sst s2  }
0xb: {  	[smem:$0x3FAC] =	sst s3  }
0xc: {  	[smem:$0x3FAD] =	sst s4  }
0xd: {  	[smem:$0x3FAE] =	sst s5  }
0xe: {  	[smem:$0x3FAF] =	sst s6  }
0xf: {  	[smem:$0x3FB0] =	sst s7  }
0x10: {  	[smem:$0x3FB1] =	sst s8  }
0x11: {  	[smem:$0x3FB2] =	sst s9;
	s0 =	simm.s32 @!p0 $0x0  }
0x12: {  	s1 =	sld [smem:$0x3F98];
	s0 =	simm.s32 @p0 $0x1  }
0x13: {  	[smem:$0x3FB3] =	sst s0;
	s0 =	simm.s32 @!p1 $0x0  }
0x14: {  	s2 =	sld [smem:$0x3F97];
	s0 =	simm.s32 @p1 $0x1  }
0x15: {  	[smem:$0x3FB4] =	sst s0;
	s0 =	simm.s32 @!p2 $0x0  }
0x16: {  	s3 =	sld [smem:$0x3FDB];
	s0 =	simm.s32 @p2 $0x1  }
0x17: {  	s4 =	simm.s32 $0x1BF5;
	[smem:$0x3FB6] =	sst s0  }
0x18: {  	s0 =	sld [smem:$0x3F99];
	_ =	swait.ge [sflag:s4], $0x0  }
0x19: {  	s7 =	sld [smem:$0x3F9A]  }
0x1a: {  	s8 =	sadd.s32 $0xFFFFE003, lr  }
0x1b: {  	s9 =	sadd.s32 $0xFFFFFEF7, lr;
	s5 =	simm.s32 $0xFFFFFFFF;
	p2 =	slt.u32 s8, $0xFFFFF086  }
0x1c: {  	p1 =	slt.u32 s9, $0xF7A;
	s5 =	simm.s32 @!p2 $0x0  }
0x1d: {  	s5 =	simm.s32 @p1 $0x1;
	p0 =	seq.s32 s7, s2  }
0x1e: {  	s7 =	smul.u32 @!p0 $0xF7A, s2;
	p2 =	seq.s32 @!p0 s5, $0x0  }
0x1f: {  	s9 =	smul.u32 $0xF7A, s1;
	s8 =	simm.s32 @!p0 $0x1BF5;
	p2 =	por !p2, p0  }
0x20: {  	[sflag:s8] =	ssyncset.s32 @!p0 $0xFFFFF086;
	s6 =	sadd.s32 @!p0 s3, s7;
	s7 =	simm.s32 @!p0 $0x108  }
0x21: {  	s3 =	sadd.s32 s3, s9;
	s6 =	sadd.s32 @!p0 $0x88, s6;
	s7 =	simm.s32 @p2 $0x1082  }
0x22: {  	[simem:s7], [sflag:s8] =	dma.local @!p0 [hbm:s6], $0xF7A  }
0x23: {  	s9 =	sor.u32 $0xD0000000, s2;
	s6 =	simm.s32 $0x108;
	_ =	swait.ge @!p0 [sflag:s8], $0x0  }
0x24: {  	s3 =	sadd.s32 $0x88, s3;
	s6 =	simm.s32 @!p1 $0x1082;
	[sflag:s4] =	ssyncset.s32 $0xFFFFF086  }
0x25: {  	[simem:s6], [sflag:s4] =	dma.local [hbm:s3], $0xF7A  }
0x26: {  	[smem:$0x3F9A] =	sst s1;
	(tag) =	ssettag s2;
	_ =	strace s9  }
0x27: {  	s1 =	sld [smem:$0x3FAA]  }
0x28: {  	s2 =	sld [smem:$0x3FAB]  }
0x29: {  	s4 =	sld [smem:$0x3FAD]  }
0x2a: {  	p0 =	seq.s32 s5, $0x0;
	s5 =	sld [smem:$0x3FAE]  }
0x2b: {  	s6 =	sld [smem:$0x3FAF]  }
0x2c: {  	s7 =	sld [smem:$0x3FB0]  }
0x2d: {  	s3 =	simm.s32 $0x108;
	s8 =	sld [smem:$0x3FB1]  }
0x2e: {  	s3 =	simm.s32 @!p0 $0x1082;
	s9 =	sld [smem:$0x3FB2]  }
0x2f: {  	lr =	sadd.s32 s0, s3;
	s0 =	sld [smem:$0x3FA9]  }
0x30: {  	s3 =	sld [smem:$0x3FAC]  }
0x31: {  	[smem:$0x3FB5] =	sst s10  }
0x32: {  	s10 =	sld [smem:$0x3FB3];
	_ =	sdelay $0x3  }
0x33: {  	p0 =	seq.s32 s10, $0x1;
	s10 =	sld [smem:$0x3FB5];
	_ =	sdelay $0x3  }
0x34: {  	[smem:$0x3FB5] =	sst s10  }
0x35: {  	s10 =	sld [smem:$0x3FB4];
	_ =	sdelay $0x3  }
0x36: {  	p1 =	seq.s32 s10, $0x1;
	s10 =	sld [smem:$0x3FB5];
	_ =	sdelay $0x3  }
0x37: {  	[smem:$0x3FB5] =	sst s10  }
0x38: {  	s10 =	sld [smem:$0x3FB6]  }
0x39: {  	_ = 	snop;
	(pc) =	sbr.ind lr, $3  }
0x3a: {  	_ = 	snop  }
0x3b: {  	_ = 	snop  }
0x3c: {  	p2 =	seq.s32 s10, $0x1;
	s10 =	sld [smem:$0x3FB5]  }
0x3d: {  	_ =	shalt  }
0x3e: {  	_ =	shalt  }
0x3f: {  	_ =	shalt  }
0x40: {  	_ =	shalt  }
0x41: {  	_ =	shalt  }
0x42: {  	_ =	shalt  }
0x43: {  	_ =	shalt  }
0x44: {  	_ =	shalt  }
0x45: {  	_ =	shalt  }
0x46: {  	_ =	shalt  }
0x47: {  	_ =	shalt  }
0x48: {  	_ =	shalt  }
0x49: {  	_ =	shalt  }
0x4a: {  	_ =	shalt  }
0x4b: {  	_ =	shalt  }
0x4c: {  	_ =	shalt  }
0x4d: {  	_ =	shalt  }
0x4e: {  	_ =	shalt  }
0x4f: {  	_ =	shalt  }
0x50: {  	_ =	shalt  }
0x51: {  	_ =	shalt  }
0x52: {  	_ =	shalt  }
0x53: {  	_ =	shalt  }
0x54: {  	_ =	shalt  }
0x55: {  	_ =	shalt  }
0x56: {  	_ =	shalt  }
0x57: {  	_ =	shalt  }
0x58: {  	_ =	shalt  }
0x59: {  	_ =	shalt  }
0x5a: {  	_ =	shalt  }
0x5b: {  	_ =	shalt  }
0x5c: {  	_ =	shalt  }
0x5d: {  	_ =	shalt  }
0x5e: {  	_ =	shalt  }
0x5f: {  	_ =	shalt  }
0x60: {  	_ =	shalt  }
0x61: {  	_ =	shalt  }
0x62: {  	_ =	shalt  }
0x63: {  	_ =	shalt  }
0x64: {  	_ =	shalt  }
0x65: {  	_ =	shalt  }
0x66: {  	_ =	shalt  }
0x67: {  	_ =	shalt  }
0x68: {  	_ =	shalt  }
0x69: {  	_ =	shalt  }
0x6a: {  	_ =	shalt  }
0x6b: {  	_ =	shalt  }
0x6c: {  	_ =	shalt  }
0x6d: {  	_ =	shalt  }
0x6e: {  	_ =	shalt  }
0x6f: {  	_ =	shalt  }
0x70: {  	_ =	shalt  }
0x71: {  	_ =	shalt  }
0x72: {  	_ =	shalt  }
0x73: {  	_ =	shalt  }
0x74: {  	_ =	shalt  }
0x75: {  	_ =	shalt  }
0x76: {  	_ =	shalt  }
0x77: {  	_ =	shalt  }
0x78: {  	_ =	shalt  }
0x79: {  	_ =	shalt  }
0x7a: {  	_ =	shalt  }
0x7b: {  	_ =	shalt  }
0x7c: {  	_ =	shalt  }
0x7d: {  	_ =	shalt  }
0x7e: {  	_ =	shalt  }
0x7f: {  	_ =	shalt  }
0x80: {  	_ =	shalt  }
0x81: {  	_ =	shalt  }
0x82: {  	_ =	shalt  }
0x83: {  	_ =	shalt  }
0x84: {  	_ =	shalt  }
0x85: {  	_ =	shalt  }
0x86: {  	_ =	shalt  }
0x87: {  	_ =	shalt  }
.Lfunc_end0:
.L_simem_size_0:
called_computation_lowered:
.L_overlay_start_0:
0x88: {  	s2 =	sld [smem:$0x3FD9]  }
0x89: {  	s3 =	sld [smem:$0x3FFE];
	_ =	sdelay $0x1  }
0x8a: {  	s1 =	srdreg.scid  }
0x8b: {  	s0 =	sand.u32 $0x1, s1  }
0x8c: {  	s17 =	sshll.u32 s0, $0xA;
	s2 =	sadd.s32 s3, s2  }
0x8d: {  	s2 =	sadd.s32 s2, s17  }
0x8e: {  	[smem:$0x3FC1] =	sst s2  }
0x8f: {  	_ = 	snop  }
0x90: {  	s2 =	sld [smem:$0x3FC9];
	(tm) =	ssettm $0x1  }
0x91: {  	s18 =	sld [smem:$0x3FFB];
	_ =	sdelay $0x3  }
0x92: {  	_ =	strace s18  }
0x93: {  	s3 =	sld [smem:$0x3FFC];
	_ =	sdelay $0x3  }
0x94: {  	_ =	strace s3  }
0x95: {  	s3 =	sld [smem:$0x3FFD];
	_ =	sdelay $0x3  }
0x96: {  	_ =	strace s3  }
0x97: {  	_ =	strace $0x8FFFFFFF  }
0x98: {  	s19 =	sld [smem:$0x3FDB];
	_ =	sdelay $0x1  }
0x99: {  	s4 =	simm.s32 $_scs_section_size  }
0x9a: {  	s5 =	simm.s32 $_size__tile_overlayer_lowered;
	s6 =	simm.s32 $_tile_overlayer_lowered  }
0x9b: {  	s22 =	simm.s32 $0x1BFF;
	s21 =	sshll.u32 s6, $0x1;
	s3 =	sadd.s32 s4, s19  }
0x9c: {  	s7 =	simm.s32 $0x0;
	s20 =	sshll.u32 s5, $0x1;
	s5 =	sadd.s32 s21, s3  }
0x9d: {  	[timem:s7], [sflag:s22] =	dma.local [hbm:s5], s20  }
0x9e: {  	_ =	swait.ge [sflag:s22], s20  }
0x9f: {  	s4 =	ssub.s32 $0x0, s20;
	[sflag:s22] =	ssyncset.done $0x0  }
0xa0: {  	[sflag:s22] =	ssyncadd.s32 s4;
	_ =	sdelay $0x1  }
0xa1: {  	s23 =	simm.s32 $0x1B8B  }
0xa2: {  	_ =	swait.ge [sflag:s23], $0x1  }
0xa3: {  	[sflag:s23] =	ssyncset.done $0x0  }
0xa4: {  	s25 =	simm.s32 $0x1B8E;
	s24 =	sld [smem:$0x3FFE];
	[sflag:s23] =	ssyncadd.s32 $0xFFFFFFFF  }
0xa5: {  	s26 =	simm.s32 $execute0_lowered;
	[smem:$0x3FD2] =	sst s25  }
0xa6: {  	s5 =	sshll.u32 s26, $0x1;
	_ =	strace $0x80000046;
	[dreg:$0x1] =	wrdreg $0xFFFFFFFF  }
0xa7: {  	s28 =	simm.s32 $_size_execute0_lowered;
	s3 =	sadd.s32 s3, s5;
	[dreg:$0x0] =	wrdreg $0x0  }
0xa8: {  	s5 =	sshll.u32 s28, $0x1;
	[dreg:$0x2] =	wrdreg s3  }
0xa9: {  	[dreg:$0x3] =	wrdreg s5  }
0xaa: {  	[dreg:$0x4] =	wrdreg $0xC0  }
0xab: {  	_ =	task [dreg:s7], $0x5FFFF  }
0xac: {  	[dreg:$0x1] =	wrdreg $0xFFFFFFFF  }
0xad: {  	[dreg:$0x0] =	wrdreg $0x60  }
0xae: {  	[dreg:$0x2] =	wrdreg s2  }
0xaf: {  	[dreg:$0x3] =	wrdreg s24  }
0xb0: {  	[dreg:$0x4] =	wrdreg $0x9  }
0xb1: {  	_ =	task.clear_ibuf [dreg:s7], $0x5FFFF;
	_ =	strace $0x90000046  }
0xb2: {  	s29 =	simm.s32 $0x9;
	_ =	strace $0x80000048  }
0xb3: {  	_ =	swait.ge [sflag:s29], $0x1  }
0xb4: {  	[sflag:s29] =	ssyncadd.s32 $0xFFFFFFFF  }
0xb5: {  	_ =	strace $0x90000048  }
0xb6: {  	_ =	sfence  }
0xb7: {  	s30 =	sld [smem:$0x0];
	_ =	sdelay $0x2  }
0xb8: {  	s31 =	sshll.u32 s1, $0xD;
	s1 =	sshrl.u32 s1, $0x2  }
0xb9: {  	s3 =	sand.u32 $0x4000, s31;
	s1 =	sadd.s32 s1, s30  }
0xba: {  	s0 =	sor.u32 s3, s0;
	s1 =	sshll.u32 s1, $0x11  }
0xbb: {  	s0 =	sor.u32 s1, s0  }
0xbc: {  	s0 =	sadd.s32 $0x8F2B, s0  }
0xbd: {  	[sflag:s0] =	ssyncadd.remote.s32 $0x1  }
0xbe: {  	_ =	sfence.sel $0xFFFF  }
0xbf: {  	[dreg:$0x0] =	wrdreg $0xFFFFFFFF;
	(pc) =	sbr.abs _section_cstart, $3  }
0xc0: {  	[dreg:$0x1] =	wrdreg $0xFFFFFFFF  }
0xc1: {  	_ =	task.clear_ibuf [dreg:s7], $0x2FFFF;
	_ =	strace $0x9FFFFFFF  }
0xc2: {  	(tm) =	ssettm $0x7FFFFFFF  }
0xc3: {  	_ =	shalt  }
tec
execute0_lowered:
.L_overlay_start_1:
0x0: {  	(tag) =	ssettag $0x1  }
0x1: {  	s0 =	srdreg.scid;
	s2 =	rddreg [dreg:$0x0]  }
0x2: {  	s9 =	stileid.u32;
	s4 =	rddreg [dreg:$0x1];
	s3 =	simm.s32 $0x0  }
0x3: {  	s10 =	simm.s32 $0x5;
	s11 =	simm.s32 $0x28;
	s12 =	simm.s32 $0x1400  }
0x4: {  	s13 =	simm.s32 $0x2800;
	s15 =	simm.s32 $0x3C00;
	s17 =	simm.s32 $0x5000  }
0x5: {  	s19 =	simm.s32 $0x6400;
	s21 =	simm.s32 $0x7800;
	s23 =	simm.s32 $0x8C00  }
0x6: {  	s25 =	simm.s32 $0xA000;
	s28 =	simm.s32 $0xB400;
	s30 =	simm.s32 $0xC800  }
0x7: {  	s31 =	simm.s32 $0x1;
	s18 =	simm.s32 $0x208;
	s20 =	simm.s32 $0x230  }
0x8: {  	s22 =	simm.s32 $0x2;
	s24 =	simm.s32 $0x4;
	s0 =	sand.u32 $0x1, s0  }
0x9: {  	s1 =	sshll.u32 s9, $0x1;
	[smem:$0x7FF] =	sst s3;
	s9 =	smul.u32 $0x27100, s9  }
0xa: {  	s1 =	sor.u32 s0, s1;
	s7 =	ssub.s32 $0x2, s0;
	s0 =	smul.u32 $0x13880, s0  }
0xb: {  	s8 =	sadd.s32 $0x6800, s4;
	_ =	strace $0x80000047;
	s5 =	smul.u32 $0x1388, s1  }
0xc: {  	s6 =	smul.u32 $0x9C400, s1;
	s26 =	sshrl.u32 s7, $0x1;
	s9 =	sadd.s32 s9, s8  }
0xd: {  	s1 =	smul.u32 $0x13880, s1;
	s7 =	ssub.s32 s7, s26;
	s0 =	sadd.s32 s0, s9  }
0xe: {  	s26 =	simm.s32 $0x0;
	s5 =	sshrl.u32 s5, $0x3;
	s6 =	sshrl.u32 s6, $0x3  }
0xf: {  	s7 =	smax.u32 s7, $0x1;
	s9 =	sadd.s32 $0x1900, s0;
	s5 =	sadd.s32 s5, s4  }
0x10: {  	s29 =	sadd.s32 s8, s6;
	s6 =	sadd.s32 s8, s1;
	s1 =	simm.s32 $0x3  }
0x11: {  	s4 =	sadd.s32 $0x1800, s5;
	s5 =	sadd.s32 $0x12C00, s29;
	s8 =	sadd.s32 $0xC80, s6  }
.LBB2_1:
0x12: {  	[tilespmem:s3], [sflag:$0x5] =	stream.linear.gather [hbm4b:s4+s3], $0x1388, $0x38;
	[tilespmem:$0xDC00] =	vst v63  }
0x13: {  	_ =	swait.ge [sflag:s10], $0x1388  }
0x14: {  	[sflag:s10] =	ssyncset.done $0x0  }
0x15: {  	[sflag:s10] =	ssyncadd.s32 $0xFFFFEC78  }
0x16: {  	[tilespmem:s12], [sflag:$0x1] =	stream.indirect.gather [hbm4b:s2+s11], $0x80, s3, s11, $0xb8;
	[tilespmem:$0xDC00] =	vst v63  }
0x17: {  	_ = 	snop  }
0x18: {  	[tilespmem:s13], [sflag:$0x1] =	stream.indirect.gather [hbm4b:s2+s11], $0x80, s11, s11, $0xb8;
	[tilespmem:$0xDC00] =	vst v63  }
0x19: {  	s0 =	simm.s32 $0x50  }
0x1a: {  	[tilespmem:s15], [sflag:$0x1] =	stream.indirect.gather [hbm4b:s2+s11], $0x80, s0, s11, $0xb8;
	[tilespmem:$0xDC00] =	vst v63  }
0x1b: {  	s14 =	simm.s32 $0x78  }
0x1c: {  	[tilespmem:s17], [sflag:$0x1] =	stream.indirect.gather [hbm4b:s2+s11], $0x80, s14, s11, $0xb8;
	[tilespmem:$0xDC00] =	vst v63  }
0x1d: {  	s16 =	simm.s32 $0xA0  }
0x1e: {  	[tilespmem:s19], [sflag:$0x1] =	stream.indirect.gather [hbm4b:s2+s11], $0x80, s16, s11, $0xb8;
	[tilespmem:$0xDC00] =	vst v63  }
0x1f: {  	s14 =	simm.s32 $0xC8  }
0x20: {  	[tilespmem:s21], [sflag:$0x2] =	stream.indirect.gather [hbm4b:s2+s11], $0x80, s14, s11, $0xb8;
	[tilespmem:$0xDC00] =	vst v63  }
0x21: {  	s16 =	simm.s32 $0xF0  }
0x22: {  	[tilespmem:s23], [sflag:$0x2] =	stream.indirect.gather [hbm4b:s2+s11], $0x80, s16, s11, $0xb8;
	[tilespmem:$0xDC00] =	vst v63  }
0x23: {  	s14 =	simm.s32 $0x118  }
0x24: {  	[tilespmem:s25], [sflag:$0x2] =	stream.indirect.gather [hbm4b:s2+s11], $0x80, s14, s11, $0xb8;
	[tilespmem:$0xDC00] =	vst v63  }
0x25: {  	s16 =	simm.s32 $0x140  }
0x26: {  	[tilespmem:s28], [sflag:$0x2] =	stream.indirect.gather [hbm4b:s2+s11], $0x80, s16, s11, $0xb8;
	[tilespmem:$0xDC00] =	vst v63  }
0x27: {  	s14 =	simm.s32 $0x168  }
0x28: {  	[tilespmem:s30], [sflag:$0x2] =	stream.indirect.gather [hbm4b:s2+s11], $0x80, s14, s11, $0xb8;
	[tilespmem:$0xDC00] =	vst v63  }
0x29: {  	_ =	swait.ge [sflag:s31], $0x6400  }
0x2a: {  	[sflag:s31] =	ssyncset.done $0x0  }
0x2b: {  	[sflag:s31] =	ssyncadd.s32 $0xFFFF9C00  }
0x2c: {  	[hbm4b:s6+s3] =	stream.linear.scatter [tilespmem:s12], [sflag:$0x3], $0x6400, $0x38;
	[tilespmem:$0xDC00] =	vst v63  }
0x2d: {  	_ =	swait.ge [sflag:s1], $0x6400  }
0x2e: {  	[sflag:s1] =	ssyncset.done $0x0  }
0x2f: {  	s16 =	simm.s32 $0x190;
	[sflag:s1] =	ssyncadd.s32 $0xFFFF9C00  }
0x30: {  	[tilespmem:s12], [sflag:$0x1] =	stream.indirect.gather [hbm4b:s2+s11], $0x80, s16, s11, $0xb8;
	[tilespmem:$0xDC00] =	vst v63  }
0x31: {  	s14 =	simm.s32 $0x1B8  }
0x32: {  	[tilespmem:s13], [sflag:$0x1] =	stream.indirect.gather [hbm4b:s2+s11], $0x80, s14, s11, $0xb8;
	[tilespmem:$0xDC00] =	vst v63  }
0x33: {  	s16 =	simm.s32 $0x1E0  }
0x34: {  	[tilespmem:s15], [sflag:$0x1] =	stream.indirect.gather [hbm4b:s2+s11], $0x80, s16, s11, $0xb8;
	[tilespmem:$0xDC00] =	vst v63  }
0x35: {  	_ = 	snop  }
0x36: {  	[tilespmem:s17], [sflag:$0x1] =	stream.indirect.gather [hbm4b:s2+s11], $0x80, s18, s11, $0xb8;
	[tilespmem:$0xDC00] =	vst v63  }
0x37: {  	_ = 	snop  }
0x38: {  	[tilespmem:s19], [sflag:$0x1] =	stream.indirect.gather [hbm4b:s2+s11], $0x80, s20, s11, $0xb8;
	[tilespmem:$0xDC00] =	vst v63  }
0x39: {  	_ =	swait.ge [sflag:s22], $0x6400  }
0x3a: {  	[sflag:s22] =	ssyncset.done $0x0  }
0x3b: {  	[sflag:s22] =	ssyncadd.s32 $0xFFFF9C00  }
0x3c: {  	[hbm4b:s8+s3] =	stream.linear.scatter [tilespmem:s21], [sflag:$0x4], $0x6400, $0x38;
	[tilespmem:$0xDC00] =	vst v63  }
0x3d: {  	_ =	swait.ge [sflag:s24], $0x6400  }
0x3e: {  	[sflag:s24] =	ssyncset.done $0x0  }
0x3f: {  	s14 =	simm.s32 $0x258;
	[sflag:s24] =	ssyncadd.s32 $0xFFFF9C00  }
0x40: {  	[tilespmem:s21], [sflag:$0x2] =	stream.indirect.gather [hbm4b:s2+s11], $0x80, s14, s11, $0xb8;
	[tilespmem:$0xDC00] =	vst v63  }
0x41: {  	s16 =	simm.s32 $0x280  }
0x42: {  	[tilespmem:s23], [sflag:$0x2] =	stream.indirect.gather [hbm4b:s2+s11], $0x80, s16, s11, $0xb8;
	[tilespmem:$0xDC00] =	vst v63  }
0x43: {  	s14 =	simm.s32 $0x2A8  }
0x44: {  	[tilespmem:s25], [sflag:$0x2] =	stream.indirect.gather [hbm4b:s2+s11], $0x80, s14, s11, $0xb8;
	[tilespmem:$0xDC00] =	vst v63  }
0x45: {  	s16 =	simm.s32 $0x2D0  }
0x46: {  	[tilespmem:s28], [sflag:$0x2] =	stream.indirect.gather [hbm4b:s2+s11], $0x80, s16, s11, $0xb8;
	[tilespmem:$0xDC00] =	vst v63  }
0x47: {  	s14 =	simm.s32 $0x2F8  }
0x48: {  	[tilespmem:s30], [sflag:$0x2] =	stream.indirect.gather [hbm4b:s2+s11], $0x80, s14, s11, $0xb8;
	[tilespmem:$0xDC00] =	vst v63  }
0x49: {  	_ =	swait.ge [sflag:s31], $0x6400  }
0x4a: {  	[sflag:s31] =	ssyncset.done $0x0  }
0x4b: {  	[sflag:s31] =	ssyncadd.s32 $0xFFFF9C00  }
0x4c: {  	[hbm4b:s9+s3] =	stream.linear.scatter [tilespmem:s12], [sflag:$0x3], $0x6400, $0x38;
	[tilespmem:$0xDC00] =	vst v63  }
0x4d: {  	_ =	swait.ge [sflag:s1], $0x6400  }
0x4e: {  	[sflag:s1] =	ssyncset.done $0x0  }
0x4f: {  	s16 =	simm.s32 $0x320;
	[sflag:s1] =	ssyncadd.s32 $0xFFFF9C00  }
0x50: {  	[tilespmem:s12], [sflag:$0x1] =	stream.indirect.gather [hbm4b:s2+s11], $0x80, s16, s11, $0xb8;
	[tilespmem:$0xDC00] =	vst v63  }
0x51: {  	s14 =	simm.s32 $0x348  }
0x52: {  	[tilespmem:s13], [sflag:$0x1] =	stream.indirect.gather [hbm4b:s2+s11], $0x80, s14, s11, $0xb8;
	[tilespmem:$0xDC00] =	vst v63  }
0x53: {  	s16 =	simm.s32 $0x370  }
0x54: {  	[tilespmem:s15], [sflag:$0x1] =	stream.indirect.gather [hbm4b:s2+s11], $0x80, s16, s11, $0xb8;
	[tilespmem:$0xDC00] =	vst v63  }
0x55: {  	s14 =	simm.s32 $0x398  }
0x56: {  	[tilespmem:s17], [sflag:$0x1] =	stream.indirect.gather [hbm4b:s2+s11], $0x80, s14, s11, $0xb8;
	[tilespmem:$0xDC00] =	vst v63  }
0x57: {  	s16 =	simm.s32 $0x3C0  }
0x58: {  	[tilespmem:s19], [sflag:$0x1] =	stream.indirect.gather [hbm4b:s2+s11], $0x80, s16, s11, $0xb8;
	[tilespmem:$0xDC00] =	vst v63  }
0x59: {  	_ =	swait.ge [sflag:s22], $0x6400  }
0x5a: {  	s29 =	simm.s32 $0x640;
	[sflag:s22] =	ssyncset.done $0x0  }
0x5b: {  	s0 =	sadd.s32 $0x1900, s9;
	s14 =	sadd.s32 $0xC80, s9;
	[sflag:s22] =	ssyncadd.s32 $0xFFFF9C00  }
.LBB2_2:
0x5c: {  	[hbm4b:s14+s3] =	stream.linear.scatter [tilespmem:s21], [sflag:$0x4], $0x6400, $0x38;
	[tilespmem:$0xDC00] =	vst v63  }
0x5d: {  	s14 =	smov.u32 s29  }
0x5e: {  	p0 =	sne.s32 s29, $0x3E80;
	s29 =	sadd.s32 $0x640, s29;
	_ =	swait.ge [sflag:s24], $0x6400  }
0x5f: {  	s14 =	sshra.s32 s14, $0x2;
	[sflag:s24] =	ssyncset.done $0x0  }
0x60: {  	s16 =	sadd.s32 $0x258, s14;
	[sflag:s24] =	ssyncadd.s32 $0xFFFF9C00  }
0x61: {  	[tilespmem:s21], [sflag:$0x2] =	stream.indirect.gather [hbm4b:s2+s11], $0x80, s16, s11, $0xb8;
	[tilespmem:$0xDC00] =	vst v63  }
0x62: {  	s16 =	sadd.s32 $0x280, s14  }
0x63: {  	[tilespmem:s23], [sflag:$0x2] =	stream.indirect.gather [hbm4b:s2+s11], $0x80, s16, s11, $0xb8;
	[tilespmem:$0xDC00] =	vst v63  }
0x64: {  	s16 =	sadd.s32 $0x2A8, s14  }
0x65: {  	[tilespmem:s25], [sflag:$0x2] =	stream.indirect.gather [hbm4b:s2+s11], $0x80, s16, s11, $0xb8;
	[tilespmem:$0xDC00] =	vst v63  }
0x66: {  	s16 =	sadd.s32 $0x2D0, s14  }
0x67: {  	[tilespmem:s28], [sflag:$0x2] =	stream.indirect.gather [hbm4b:s2+s11], $0x80, s16, s11, $0xb8;
	[tilespmem:$0xDC00] =	vst v63  }
0x68: {  	s16 =	sadd.s32 $0x2F8, s14  }
0x69: {  	[tilespmem:s30], [sflag:$0x2] =	stream.indirect.gather [hbm4b:s2+s11], $0x80, s16, s11, $0xb8;
	[tilespmem:$0xDC00] =	vst v63  }
0x6a: {  	_ =	swait.ge [sflag:s31], $0x6400  }
0x6b: {  	[sflag:s31] =	ssyncset.done $0x0  }
0x6c: {  	[sflag:s31] =	ssyncadd.s32 $0xFFFF9C00  }
0x6d: {  	[hbm4b:s0+s3] =	stream.linear.scatter [tilespmem:s12], [sflag:$0x3], $0x6400, $0x38;
	[tilespmem:$0xDC00] =	vst v63  }
0x6e: {  	_ =	swait.ge [sflag:s1], $0x6400  }
0x6f: {  	[sflag:s1] =	ssyncset.done $0x0  }
0x70: {  	s16 =	sadd.s32 $0x320, s14;
	[sflag:s1] =	ssyncadd.s32 $0xFFFF9C00  }
0x71: {  	[tilespmem:s12], [sflag:$0x1] =	stream.indirect.gather [hbm4b:s2+s11], $0x80, s16, s11, $0xb8;
	[tilespmem:$0xDC00] =	vst v63  }
0x72: {  	s16 =	sadd.s32 $0x348, s14  }
0x73: {  	[tilespmem:s13], [sflag:$0x1] =	stream.indirect.gather [hbm4b:s2+s11], $0x80, s16, s11, $0xb8;
	[tilespmem:$0xDC00] =	vst v63  }
0x74: {  	s16 =	sadd.s32 $0x370, s14  }
0x75: {  	[tilespmem:s15], [sflag:$0x1] =	stream.indirect.gather [hbm4b:s2+s11], $0x80, s16, s11, $0xb8;
	[tilespmem:$0xDC00] =	vst v63  }
0x76: {  	s16 =	sadd.s32 $0x398, s14  }
0x77: {  	[tilespmem:s17], [sflag:$0x1] =	stream.indirect.gather [hbm4b:s2+s11], $0x80, s16, s11, $0xb8;
	[tilespmem:$0xDC00] =	vst v63  }
.Ltmp0:
0x78: {  	s14 =	sadd.s32 $0x3C0, s14;
	(pc) =	sbr.rel @p0 .LBB2_2-.Ltmp0, $4  }
0x79: {  	[tilespmem:s19], [sflag:$0x1] =	stream.indirect.gather [hbm4b:s2+s11], $0x80, s14, s11, $0xb8;
	[tilespmem:$0xDC00] =	vst v63  }
0x7a: {  	_ =	swait.ge [sflag:s22], $0x6400  }
0x7b: {  	[sflag:s22] =	ssyncset.done $0x0  }
0x7c: {  	s14 =	sadd.s32 $0xC80, s0;
	s0 =	sadd.s32 $0x1900, s0;
	[sflag:s22] =	ssyncadd.s32 $0xFFFF9C00  }
0x7d: {  	[hbm4b:s14+s3] =	stream.linear.scatter [tilespmem:s21], [sflag:$0x4], $0x6400, $0x38;
	[tilespmem:$0xDC00] =	vst v63  }
0x7e: {  	_ =	swait.ge [sflag:s31], $0x6400  }
0x7f: {  	[sflag:s31] =	ssyncset.done $0x0  }
0x80: {  	s26 =	sadd.s32 $0x1, s26;
	[sflag:s31] =	ssyncadd.s32 $0xFFFF9C00  }
0x81: {  	[hbm4b:s5+s3] =	stream.linear.scatter [tilespmem:s12], [sflag:$0x3], $0x6400, $0x38;
	[tilespmem:$0xDC00] =	vst v63  }
0x82: {  	p0 =	sne.s32 s26, s7;
	_ =	swait.ge [sflag:s1], $0x6400  }
.Ltmp1:
0x83: {  	[sflag:s1] =	ssyncset.done $0x0;
	(pc) =	sbr.rel @p0 .LBB2_1-.Ltmp1, $4  }
0x84: {  	[sflag:s1] =	ssyncadd.s32 $0xFFFF9C00  }
0x85: {  	_ =	swait.ge [sflag:s24], $0x6400  }
0x86: {  	[sflag:s24] =	ssyncset.done $0x0  }
0x87: {  	[sflag:s24] =	ssyncadd.s32 $0xFFFF9C00  }
0x88: {  	_ =	sfence.sel $0x180000  }
0x89: {  	[bflag:$0x0] =	sbarrier.arrive $0xFFFF  }
0x8a: {  	_ =	strace $0x90000047  }
0x8b: {  	s0 =	stileid.u32;
	[bflag:$0x2] =	sbarrier.arrive $0xFFFF  }
0x8c: {  	p0 =	sne.s32 s0, $0x0;
	s0 =	rddreg [dreg:$0x2]  }
0x8d: {  	s0 =	sadd.s32 @!p0 $0x100000, s0  }
0x8e: {  	[sflag:s0] =	ssyncadd.tile.s32 @!p0 $0x1;
	_ =	shalt  }
.Lfunc_end2:
_tile_overlayer_lowered:
.L_overlay_start_2:
0x8f: {  	(tag) =	ssettag $0x2  }
0x90: {  	s0 =	rddreg [dreg:$0x0];
	s2 =	stileid.u32  }
0x91: {  	s1 =	rddreg [dreg:$0x1];
	p0 =	sne.s32 s2, $0x0  }
0x92: {  	s3 =	rddreg [dreg:$0x2];
	[bflag:$0x3] =	sbarrier.arrive $0xFFFF;
	s2 =	simm.s32 @!p0 $0x1C05  }
0x93: {  	[timem:s3], [sflag:s2] =	dma.local @!p0 [hbm:s0], s1  }
0x94: {  	s0 =	simm.s32 @!p0 $0x5  }
0x95: {  	_ =	swait.ge @!p0 [sflag:s0], s1  }
0x96: {  	s1 =	ssub.s32 @!p0 $0x0, s1;
	[sflag:s0] =	ssyncset.done @!p0 $0x0  }
0x97: {  	[sflag:s0] =	ssyncadd.s32 @!p0 s1  }
0x98: {  	[bflag:$0x3] =	sbarrier.arrive $0xFFFF  }
0x99: {  	_ =	shalt  }

// kernel: kernel.9.cloned.1.call-start
scs
__scs_entry_jumppad:
0x0: {  	(pc) =	sbr.rel $0x88, $3  }
0x1: {  	(tag) =	ssettag $0x0;
	lr =	simm.s32 $0x1  }
0x2: {  	[smem:$0x3F9A] =	sst lr;
	_ =	strace $0xD0000000  }
0x3: {  	_ = 	snop  }
0x4: {  	_ = 	snop  }
0x5: {  	_ = 	snop  }
0x6: {  	_ = 	snop  }
0x7: {  	_ = 	snop  }
__scs_overlays_trampoline_lowered:
0x8: {  	[smem:$0x3FA9] =	sst s0  }
0x9: {  	[smem:$0x3FAA] =	sst s1  }
0xa: {  	[smem:$0x3FAB] =	sst s2  }
0xb: {  	[smem:$0x3FAC] =	sst s3  }
0xc: {  	[smem:$0x3FAD] =	sst s4  }
0xd: {  	[smem:$0x3FAE] =	sst s5  }
0xe: {  	[smem:$0x3FAF] =	sst s6  }
0xf: {  	[smem:$0x3FB0] =	sst s7  }
0x10: {  	[smem:$0x3FB1] =	sst s8  }
0x11: {  	[smem:$0x3FB2] =	sst s9;
	s0 =	simm.s32 @!p0 $0x0  }
0x12: {  	s1 =	sld [smem:$0x3F98];
	s0 =	simm.s32 @p0 $0x1  }
0x13: {  	[smem:$0x3FB3] =	sst s0;
	s0 =	simm.s32 @!p1 $0x0  }
0x14: {  	s2 =	sld [smem:$0x3F97];
	s0 =	simm.s32 @p1 $0x1  }
0x15: {  	[smem:$0x3FB4] =	sst s0;
	s0 =	simm.s32 @!p2 $0x0  }
0x16: {  	s3 =	sld [smem:$0x3FDB];
	s0 =	simm.s32 @p2 $0x1  }
0x17: {  	s4 =	simm.s32 $0x1BF5;
	[smem:$0x3FB6] =	sst s0  }
0x18: {  	s0 =	sld [smem:$0x3F99];
	_ =	swait.ge [sflag:s4], $0x0  }
0x19: {  	s7 =	sld [smem:$0x3F9A]  }
0x1a: {  	s8 =	sadd.s32 $0xFFFFE003, lr  }
0x1b: {  	s9 =	sadd.s32 $0xFFFFFEF7, lr;
	s5 =	simm.s32 $0xFFFFFFFF;
	p2 =	slt.u32 s8, $0xFFFFF086  }
0x1c: {  	p1 =	slt.u32 s9, $0xF7A;
	s5 =	simm.s32 @!p2 $0x0  }
0x1d: {  	s5 =	simm.s32 @p1 $0x1;
	p0 =	seq.s32 s7, s2  }
0x1e: {  	s7 =	smul.u32 @!p0 $0xF7A, s2;
	p2 =	seq.s32 @!p0 s5, $0x0  }
0x1f: {  	s9 =	smul.u32 $0xF7A, s1;
	s8 =	simm.s32 @!p0 $0x1BF5;
	p2 =	por !p2, p0  }
0x20: {  	[sflag:s8] =	ssyncset.s32 @!p0 $0xFFFFF086;
	s6 =	sadd.s32 @!p0 s3, s7;
	s7 =	simm.s32 @!p0 $0x108  }
0x21: {  	s3 =	sadd.s32 s3, s9;
	s6 =	sadd.s32 @!p0 $0x88, s6;
	s7 =	simm.s32 @p2 $0x1082  }
0x22: {  	[simem:s7], [sflag:s8] =	dma.local @!p0 [hbm:s6], $0xF7A  }
0x23: {  	s9 =	sor.u32 $0xD0000000, s2;
	s6 =	simm.s32 $0x108;
	_ =	swait.ge @!p0 [sflag:s8], $0x0  }
0x24: {  	s3 =	sadd.s32 $0x88, s3;
	s6 =	simm.s32 @!p1 $0x1082;
	[sflag:s4] =	ssyncset.s32 $0xFFFFF086  }
0x25: {  	[simem:s6], [sflag:s4] =	dma.local [hbm:s3], $0xF7A  }
0x26: {  	[smem:$0x3F9A] =	sst s1;
	(tag) =	ssettag s2;
	_ =	strace s9  }
0x27: {  	s1 =	sld [smem:$0x3FAA]  }
0x28: {  	s2 =	sld [smem:$0x3FAB]  }
0x29: {  	s4 =	sld [smem:$0x3FAD]  }
0x2a: {  	p0 =	seq.s32 s5, $0x0;
	s5 =	sld [smem:$0x3FAE]  }
0x2b: {  	s6 =	sld [smem:$0x3FAF]  }
0x2c: {  	s7 =	sld [smem:$0x3FB0]  }
0x2d: {  	s3 =	simm.s32 $0x108;
	s8 =	sld [smem:$0x3FB1]  }
0x2e: {  	s3 =	simm.s32 @!p0 $0x1082;
	s9 =	sld [smem:$0x3FB2]  }
0x2f: {  	lr =	sadd.s32 s0, s3;
	s0 =	sld [smem:$0x3FA9]  }
0x30: {  	s3 =	sld [smem:$0x3FAC]  }
0x31: {  	[smem:$0x3FB5] =	sst s10  }
0x32: {  	s10 =	sld [smem:$0x3FB3];
	_ =	sdelay $0x3  }
0x33: {  	p0 =	seq.s32 s10, $0x1;
	s10 =	sld [smem:$0x3FB5];
	_ =	sdelay $0x3  }
0x34: {  	[smem:$0x3FB5] =	sst s10  }
0x35: {  	s10 =	sld [smem:$0x3FB4];
	_ =	sdelay $0x3  }
0x36: {  	p1 =	seq.s32 s10, $0x1;
	s10 =	sld [smem:$0x3FB5];
	_ =	sdelay $0x3  }
0x37: {  	[smem:$0x3FB5] =	sst s10  }
0x38: {  	s10 =	sld [smem:$0x3FB6]  }
0x39: {  	_ = 	snop;
	(pc) =	sbr.ind lr, $3  }
0x3a: {  	_ = 	snop  }
0x3b: {  	_ = 	snop  }
0x3c: {  	p2 =	seq.s32 s10, $0x1;
	s10 =	sld [smem:$0x3FB5]  }
0x3d: {  	_ =	shalt  }
0x3e: {  	_ =	shalt  }
0x3f: {  	_ =	shalt  }
0x40: {  	_ =	shalt  }
0x41: {  	_ =	shalt  }
0x42: {  	_ =	shalt  }
0x43: {  	_ =	shalt  }
0x44: {  	_ =	shalt  }
0x45: {  	_ =	shalt  }
0x46: {  	_ =	shalt  }
0x47: {  	_ =	shalt  }
0x48: {  	_ =	shalt  }
0x49: {  	_ =	shalt  }
0x4a: {  	_ =	shalt  }
0x4b: {  	_ =	shalt  }
0x4c: {  	_ =	shalt  }
0x4d: {  	_ =	shalt  }
0x4e: {  	_ =	shalt  }
0x4f: {  	_ =	shalt  }
0x50: {  	_ =	shalt  }
0x51: {  	_ =	shalt  }
0x52: {  	_ =	shalt  }
0x53: {  	_ =	shalt  }
0x54: {  	_ =	shalt  }
0x55: {  	_ =	shalt  }
0x56: {  	_ =	shalt  }
0x57: {  	_ =	shalt  }
0x58: {  	_ =	shalt  }
0x59: {  	_ =	shalt  }
0x5a: {  	_ =	shalt  }
0x5b: {  	_ =	shalt  }
0x5c: {  	_ =	shalt  }
0x5d: {  	_ =	shalt  }
0x5e: {  	_ =	shalt  }
0x5f: {  	_ =	shalt  }
0x60: {  	_ =	shalt  }
0x61: {  	_ =	shalt  }
0x62: {  	_ =	shalt  }
0x63: {  	_ =	shalt  }
0x64: {  	_ =	shalt  }
0x65: {  	_ =	shalt  }
0x66: {  	_ =	shalt  }
0x67: {  	_ =	shalt  }
0x68: {  	_ =	shalt  }
0x69: {  	_ =	shalt  }
0x6a: {  	_ =	shalt  }
0x6b: {  	_ =	shalt  }
0x6c: {  	_ =	shalt  }
0x6d: {  	_ =	shalt  }
0x6e: {  	_ =	shalt  }
0x6f: {  	_ =	shalt  }
0x70: {  	_ =	shalt  }
0x71: {  	_ =	shalt  }
0x72: {  	_ =	shalt  }
0x73: {  	_ =	shalt  }
0x74: {  	_ =	shalt  }
0x75: {  	_ =	shalt  }
0x76: {  	_ =	shalt  }
0x77: {  	_ =	shalt  }
0x78: {  	_ =	shalt  }
0x79: {  	_ =	shalt  }
0x7a: {  	_ =	shalt  }
0x7b: {  	_ =	shalt  }
0x7c: {  	_ =	shalt  }
0x7d: {  	_ =	shalt  }
0x7e: {  	_ =	shalt  }
0x7f: {  	_ =	shalt  }
0x80: {  	_ =	shalt  }
0x81: {  	_ =	shalt  }
0x82: {  	_ =	shalt  }
0x83: {  	_ =	shalt  }
0x84: {  	_ =	shalt  }
0x85: {  	_ =	shalt  }
0x86: {  	_ =	shalt  }
0x87: {  	_ =	shalt  }
.Lfunc_end0:
.L_simem_size_0:
called_computation.1_lowered:
.L_overlay_start_0:
0x88: {  	s2 =	sld [smem:$0x3FD9]  }
0x89: {  	s3 =	sld [smem:$0x3FFE];
	_ =	sdelay $0x1  }
0x8a: {  	s1 =	srdreg.scid  }
0x8b: {  	s0 =	sand.u32 $0x1, s1  }
0x8c: {  	s17 =	sshll.u32 s0, $0xA;
	s2 =	sadd.s32 s3, s2  }
0x8d: {  	s2 =	sadd.s32 s2, s17  }
0x8e: {  	[smem:$0x3FC1] =	sst s2  }
0x8f: {  	_ = 	snop  }
0x90: {  	s18 =	sld [smem:$0x3FC9]  }
0x91: {  	s4 =	sld [smem:$0x3FD0];
	(tm) =	ssettm $0x1  }
0x92: {  	s19 =	sld [smem:$0x3FFB];
	_ =	sdelay $0x3  }
0x93: {  	_ =	strace s19  }
0x94: {  	s2 =	sld [smem:$0x3FFC];
	_ =	sdelay $0x3  }
0x95: {  	_ =	strace s2  }
0x96: {  	s2 =	sld [smem:$0x3FFD];
	_ =	sdelay $0x3  }
0x97: {  	_ =	strace s2  }
0x98: {  	_ =	strace $0x8FFFFFFF  }
0x99: {  	s20 =	sld [smem:$0x3FDB];
	_ =	sdelay $0x1  }
0x9a: {  	s5 =	simm.s32 $_scs_section_size  }
0x9b: {  	s6 =	simm.s32 $_size__tile_overlayer_lowered;
	s7 =	simm.s32 $_tile_overlayer_lowered  }
0x9c: {  	s8 =	simm.s32 $0x1BFF;
	s21 =	sshll.u32 s7, $0x1;
	s5 =	sadd.s32 s5, s20  }
0x9d: {  	s22 =	simm.s32 $0x0;
	s6 =	sshll.u32 s6, $0x1;
	s7 =	sadd.s32 s21, s5  }
0x9e: {  	[timem:s22], [sflag:s8] =	dma.local [hbm:s7], s6  }
0x9f: {  	_ =	swait.ge [sflag:s8], s6  }
0xa0: {  	s6 =	ssub.s32 $0x0, s6;
	[sflag:s8] =	ssyncset.done $0x0  }
0xa1: {  	[sflag:s8] =	ssyncadd.s32 s6;
	_ =	sdelay $0x1  }
0xa2: {  	s23 =	simm.s32 $0x1B8B  }
0xa3: {  	_ =	swait.ge [sflag:s23], $0x1  }
0xa4: {  	[sflag:s23] =	ssyncset.done $0x0  }
0xa5: {  	[sflag:s23] =	ssyncadd.s32 $0xFFFFFFFF  }
0xa6: {  	s6 =	sld [smem:$0x0]  }
0xa7: {  	s7 =	sand.u32 $0xFFFFFFFE, s1  }
0xa8: {  	p0 =	sne.s32 s1, s7  }
0xa9: {  	s7 =	sshll.u32 @p0 s7, $0xE  }
0xaa: {  	s7 =	sadd.s32 @p0 $0x11B8D, s7;
	s8 =	sshll.u32 @p0 s6, $0x11  }
0xab: {  	s7 =	sor.u32 @p0 s8, s7  }
0xac: {  	[sflag:s7] =	ssyncadd.remote.s32 @p0 $0x1;
	_ =	sdelay $0x1  }
0xad: {  	s7 =	simm.s32 @p0 $0x1B8D  }
0xae: {  	_ =	swait.eq @p0 [sflag:s7], $0x1  }
0xaf: {  	[sflag:s7] =	ssyncadd.s32 @p0 $0xFFFFFFFF  }
0xb0: {  	s8 =	sshll.u32 @!p0 s1, $0xE  }
0xb1: {  	s8 =	sor.u32 @!p0 $0x4000, s8;
	s7 =	simm.s32 @!p0 $0x1B8D  }
0xb2: {  	s6 =	sshll.u32 @!p0 s6, $0x11;
	s8 =	sadd.s32 @!p0 $0x11B8D, s8;
	_ =	swait.eq @!p0 [sflag:s7], $0x1  }
0xb3: {  	s6 =	sor.u32 @!p0 s6, s8;
	[sflag:s7] =	ssyncadd.s32 @!p0 $0xFFFFFFFF  }
0xb4: {  	s25 =	simm.s32 $0x1B8E;
	s24 =	sld [smem:$0x3FFE];
	[sflag:s6] =	ssyncadd.remote.s32 @!p0 $0x1  }
0xb5: {  	s26 =	simm.s32 $execute0_lowered;
	[smem:$0x3FD2] =	sst s25  }
0xb6: {  	s7 =	sshll.u32 s26, $0x1;
	_ =	strace $0x80000049;
	[dreg:$0x1] =	wrdreg $0xFFFFFFFF  }
0xb7: {  	s28 =	simm.s32 $_size_execute0_lowered;
	s5 =	sadd.s32 s5, s7;
	[dreg:$0x0] =	wrdreg $0x0  }
0xb8: {  	s7 =	sshll.u32 s28, $0x1;
	[dreg:$0x2] =	wrdreg s5  }
0xb9: {  	[dreg:$0x3] =	wrdreg s7  }
0xba: {  	[dreg:$0x4] =	wrdreg $0xC0  }
0xbb: {  	_ =	task [dreg:s22], $0x5FFFF  }
0xbc: {  	[dreg:$0x1] =	wrdreg $0xFFFFFFFF  }
0xbd: {  	[dreg:$0x0] =	wrdreg $0x60  }
0xbe: {  	[dreg:$0x2] =	wrdreg s18  }
0xbf: {  	[dreg:$0x3] =	wrdreg s4  }
0xc0: {  	[dreg:$0x4] =	wrdreg s24  }
0xc1: {  	[dreg:$0x5] =	wrdreg $0xA  }
0xc2: {  	_ =	task.clear_ibuf [dreg:s22], $0x6FFFF;
	_ =	strace $0x90000049  }
0xc3: {  	s29 =	simm.s32 $0xA;
	_ =	strace $0x8000004B  }
0xc4: {  	_ =	swait.ge [sflag:s29], $0x1  }
0xc5: {  	[sflag:s29] =	ssyncadd.s32 $0xFFFFFFFF  }
0xc6: {  	_ =	strace $0x9000004B  }
0xc7: {  	_ =	sfence  }
0xc8: {  	s30 =	sld [smem:$0x0];
	_ =	sdelay $0x2  }
0xc9: {  	s31 =	sshll.u32 s1, $0xD;
	s1 =	sshrl.u32 s1, $0x2  }
0xca: {  	s4 =	sand.u32 $0x4000, s31;
	s1 =	sadd.s32 s1, s30  }
0xcb: {  	s0 =	sor.u32 s4, s0;
	s1 =	sshll.u32 s1, $0x11  }
0xcc: {  	s0 =	sor.u32 s1, s0  }
0xcd: {  	s0 =	sadd.s32 $0x8F2B, s0  }
0xce: {  	[sflag:s0] =	ssyncadd.remote.s32 $0x1  }
0xcf: {  	_ =	sfence.sel $0xFFFF  }
0xd0: {  	[dreg:$0x0] =	wrdreg $0xFFFFFFFF;
	(pc) =	sbr.abs _section_cstart, $3  }
0xd1: {  	[dreg:$0x1] =	wrdreg $0xFFFFFFFF  }
0xd2: {  	_ =	task.clear_ibuf [dreg:s22], $0x2FFFF;
	_ =	strace $0x9FFFFFFF  }
0xd3: {  	(tm) =	ssettm $0x7FFFFFFF  }
tec
execute0_lowered:
.L_overlay_start_1:
0x0: {  	(tag) =	ssettag $0x1  }
0x1: {  	s1 =	rddreg [dreg:$0x0]  }
0x2: {  	s0 =	srdreg.scid;
	s2 =	rddreg [dreg:$0x1]  }
0x3: {  	s12 =	stileid.u32;
	s4 =	rddreg [dreg:$0x2]  }
0x4: {  	s13 =	simm.s32 $0x2800;
	s15 =	simm.s32 $0x3C00;
	s17 =	simm.s32 $0x5000  }
0x5: {  	s19 =	simm.s32 $0x6400;
	s21 =	simm.s32 $0x7800;
	s28 =	simm.s32 $0xB400  }
0x6: {  	s30 =	simm.s32 $0xC800;
	s31 =	simm.s32 $0x1;
	s18 =	simm.s32 $0x208  }
0x7: {  	s20 =	simm.s32 $0x230;
	s22 =	simm.s32 $0x2;
	s0 =	sand.u32 $0x1, s0  }
0x8: {  	s3 =	sshll.u32 s12, $0x1;
	s11 =	sadd.s32 $0x277800, s4;
	s23 =	smul.u32 $0x27100, s12  }
0x9: {  	s5 =	sor.u32 s0, s3;
	s7 =	ssub.s32 $0x2, s0;
	s0 =	smul.u32 $0x13880, s0  }
0xa: {  	s12 =	simm.s32 $0x1400;
	s3 =	simm.s32 $0x0;
	s6 =	smul.u32 $0x1388, s5  }
0xb: {  	[smem:$0x7FF] =	sst s3;
	s8 =	smul.u32 $0x9C400, s5;
	s9 =	sshrl.u32 s7, $0x1  }
0xc: {  	s10 =	smul.u32 $0x13880, s5;
	s29 =	sadd.s32 s23, s11;
	s23 =	simm.s32 $0x8C00  }
0xd: {  	_ =	strace $0x8000004A;
	s7 =	ssub.s32 s7, s9;
	s0 =	sadd.s32 s0, s29  }
0xe: {  	s24 =	sshrl.u32 s6, $0x3;
	s25 =	sshrl.u32 s8, $0x3;
	s6 =	sadd.s32 s11, s10  }
0xf: {  	s7 =	smax.u32 s7, $0x1;
	s9 =	sadd.s32 $0x1900, s0;
	s10 =	simm.s32 $0x5  }
0x10: {  	s4 =	sadd.s32 s2, s24;
	s26 =	sadd.s32 s11, s25;
	s8 =	sadd.s32 $0xC80, s6  }
0x11: {  	s11 =	simm.s32 $0x28;
	s25 =	simm.s32 $0xA000;
	s2 =	simm.s32 $0x3  }
0x12: {  	s24 =	simm.s32 $0x4;
	s5 =	sadd.s32 $0x12C00, s26;
	s26 =	simm.s32 $0x0  }
.LBB2_1:
0x13: {  	[tilespmem:s3], [sflag:$0x5] =	stream.linear.gather [hbm4b:s4+s3], $0x1388, $0x38;
	[tilespmem:$0xDC00] =	vst v63  }
0x14: {  	_ =	swait.ge [sflag:s10], $0x1388  }
0x15: {  	[sflag:s10] =	ssyncset.done $0x0  }
0x16: {  	[sflag:s10] =	ssyncadd.s32 $0xFFFFEC78  }
0x17: {  	[tilespmem:s12], [sflag:$0x1] =	stream.indirect.gather [hbm4b:s1+s11], $0x80, s3, s11, $0xb8;
	[tilespmem:$0xDC00] =	vst v63  }
0x18: {  	_ = 	snop  }
0x19: {  	[tilespmem:s13], [sflag:$0x1] =	stream.indirect.gather [hbm4b:s1+s11], $0x80, s11, s11, $0xb8;
	[tilespmem:$0xDC00] =	vst v63  }
0x1a: {  	s0 =	simm.s32 $0x50  }
0x1b: {  	[tilespmem:s15], [sflag:$0x1] =	stream.indirect.gather [hbm4b:s1+s11], $0x80, s0, s11, $0xb8;
	[tilespmem:$0xDC00] =	vst v63  }
0x1c: {  	s14 =	simm.s32 $0x78  }
0x1d: {  	[tilespmem:s17], [sflag:$0x1] =	stream.indirect.gather [hbm4b:s1+s11], $0x80, s14, s11, $0xb8;
	[tilespmem:$0xDC00] =	vst v63  }
0x1e: {  	s16 =	simm.s32 $0xA0  }
0x1f: {  	[tilespmem:s19], [sflag:$0x1] =	stream.indirect.gather [hbm4b:s1+s11], $0x80, s16, s11, $0xb8;
	[tilespmem:$0xDC00] =	vst v63  }
0x20: {  	s14 =	simm.s32 $0xC8  }
0x21: {  	[tilespmem:s21], [sflag:$0x2] =	stream.indirect.gather [hbm4b:s1+s11], $0x80, s14, s11, $0xb8;
	[tilespmem:$0xDC00] =	vst v63  }
0x22: {  	s16 =	simm.s32 $0xF0  }
0x23: {  	[tilespmem:s23], [sflag:$0x2] =	stream.indirect.gather [hbm4b:s1+s11], $0x80, s16, s11, $0xb8;
	[tilespmem:$0xDC00] =	vst v63  }
0x24: {  	s14 =	simm.s32 $0x118  }
0x25: {  	[tilespmem:s25], [sflag:$0x2] =	stream.indirect.gather [hbm4b:s1+s11], $0x80, s14, s11, $0xb8;
	[tilespmem:$0xDC00] =	vst v63  }
0x26: {  	s16 =	simm.s32 $0x140  }
0x27: {  	[tilespmem:s28], [sflag:$0x2] =	stream.indirect.gather [hbm4b:s1+s11], $0x80, s16, s11, $0xb8;
	[tilespmem:$0xDC00] =	vst v63  }
0x28: {  	s14 =	simm.s32 $0x168  }
0x29: {  	[tilespmem:s30], [sflag:$0x2] =	stream.indirect.gather [hbm4b:s1+s11], $0x80, s14, s11, $0xb8;
	[tilespmem:$0xDC00] =	vst v63  }
0x2a: {  	_ =	swait.ge [sflag:s31], $0x6400  }
0x2b: {  	[sflag:s31] =	ssyncset.done $0x0  }
0x2c: {  	[sflag:s31] =	ssyncadd.s32 $0xFFFF9C00  }
0x2d: {  	[hbm4b:s6+s3] =	stream.linear.scatter [tilespmem:s12], [sflag:$0x3], $0x6400, $0x38;
	[tilespmem:$0xDC00] =	vst v63  }
0x2e: {  	_ =	swait.ge [sflag:s2], $0x6400  }
0x2f: {  	[sflag:s2] =	ssyncset.done $0x0  }
0x30: {  	s16 =	simm.s32 $0x190;
	[sflag:s2] =	ssyncadd.s32 $0xFFFF9C00  }
0x31: {  	[tilespmem:s12], [sflag:$0x1] =	stream.indirect.gather [hbm4b:s1+s11], $0x80, s16, s11, $0xb8;
	[tilespmem:$0xDC00] =	vst v63  }
0x32: {  	s14 =	simm.s32 $0x1B8  }
0x33: {  	[tilespmem:s13], [sflag:$0x1] =	stream.indirect.gather [hbm4b:s1+s11], $0x80, s14, s11, $0xb8;
	[tilespmem:$0xDC00] =	vst v63  }
0x34: {  	s16 =	simm.s32 $0x1E0  }
0x35: {  	[tilespmem:s15], [sflag:$0x1] =	stream.indirect.gather [hbm4b:s1+s11], $0x80, s16, s11, $0xb8;
	[tilespmem:$0xDC00] =	vst v63  }
0x36: {  	_ = 	snop  }
0x37: {  	[tilespmem:s17], [sflag:$0x1] =	stream.indirect.gather [hbm4b:s1+s11], $0x80, s18, s11, $0xb8;
	[tilespmem:$0xDC00] =	vst v63  }
0x38: {  	_ = 	snop  }
0x39: {  	[tilespmem:s19], [sflag:$0x1] =	stream.indirect.gather [hbm4b:s1+s11], $0x80, s20, s11, $0xb8;
	[tilespmem:$0xDC00] =	vst v63  }
0x3a: {  	_ =	swait.ge [sflag:s22], $0x6400  }
0x3b: {  	[sflag:s22] =	ssyncset.done $0x0  }
0x3c: {  	[sflag:s22] =	ssyncadd.s32 $0xFFFF9C00  }
0x3d: {  	[hbm4b:s8+s3] =	stream.linear.scatter [tilespmem:s21], [sflag:$0x4], $0x6400, $0x38;
	[tilespmem:$0xDC00] =	vst v63  }
0x3e: {  	_ =	swait.ge [sflag:s24], $0x6400  }
0x3f: {  	[sflag:s24] =	ssyncset.done $0x0  }
0x40: {  	s14 =	simm.s32 $0x258;
	[sflag:s24] =	ssyncadd.s32 $0xFFFF9C00  }
0x41: {  	[tilespmem:s21], [sflag:$0x2] =	stream.indirect.gather [hbm4b:s1+s11], $0x80, s14, s11, $0xb8;
	[tilespmem:$0xDC00] =	vst v63  }
0x42: {  	s16 =	simm.s32 $0x280  }
0x43: {  	[tilespmem:s23], [sflag:$0x2] =	stream.indirect.gather [hbm4b:s1+s11], $0x80, s16, s11, $0xb8;
	[tilespmem:$0xDC00] =	vst v63  }
0x44: {  	s14 =	simm.s32 $0x2A8  }
0x45: {  	[tilespmem:s25], [sflag:$0x2] =	stream.indirect.gather [hbm4b:s1+s11], $0x80, s14, s11, $0xb8;
	[tilespmem:$0xDC00] =	vst v63  }
0x46: {  	s16 =	simm.s32 $0x2D0  }
0x47: {  	[tilespmem:s28], [sflag:$0x2] =	stream.indirect.gather [hbm4b:s1+s11], $0x80, s16, s11, $0xb8;
	[tilespmem:$0xDC00] =	vst v63  }
0x48: {  	s14 =	simm.s32 $0x2F8  }
0x49: {  	[tilespmem:s30], [sflag:$0x2] =	stream.indirect.gather [hbm4b:s1+s11], $0x80, s14, s11, $0xb8;
	[tilespmem:$0xDC00] =	vst v63  }
0x4a: {  	_ =	swait.ge [sflag:s31], $0x6400  }
0x4b: {  	[sflag:s31] =	ssyncset.done $0x0  }
0x4c: {  	[sflag:s31] =	ssyncadd.s32 $0xFFFF9C00  }
0x4d: {  	[hbm4b:s9+s3] =	stream.linear.scatter [tilespmem:s12], [sflag:$0x3], $0x6400, $0x38;
	[tilespmem:$0xDC00] =	vst v63  }
0x4e: {  	_ =	swait.ge [sflag:s2], $0x6400  }
0x4f: {  	[sflag:s2] =	ssyncset.done $0x0  }
0x50: {  	s16 =	simm.s32 $0x320;
	[sflag:s2] =	ssyncadd.s32 $0xFFFF9C00  }
0x51: {  	[tilespmem:s12], [sflag:$0x1] =	stream.indirect.gather [hbm4b:s1+s11], $0x80, s16, s11, $0xb8;
	[tilespmem:$0xDC00] =	vst v63  }
0x52: {  	s14 =	simm.s32 $0x348  }
0x53: {  	[tilespmem:s13], [sflag:$0x1] =	stream.indirect.gather [hbm4b:s1+s11], $0x80, s14, s11, $0xb8;
	[tilespmem:$0xDC00] =	vst v63  }
0x54: {  	s16 =	simm.s32 $0x370  }
0x55: {  	[tilespmem:s15], [sflag:$0x1] =	stream.indirect.gather [hbm4b:s1+s11], $0x80, s16, s11, $0xb8;
	[tilespmem:$0xDC00] =	vst v63  }
0x56: {  	s14 =	simm.s32 $0x398  }
0x57: {  	[tilespmem:s17], [sflag:$0x1] =	stream.indirect.gather [hbm4b:s1+s11], $0x80, s14, s11, $0xb8;
	[tilespmem:$0xDC00] =	vst v63  }
0x58: {  	s16 =	simm.s32 $0x3C0  }
0x59: {  	[tilespmem:s19], [sflag:$0x1] =	stream.indirect.gather [hbm4b:s1+s11], $0x80, s16, s11, $0xb8;
	[tilespmem:$0xDC00] =	vst v63  }
0x5a: {  	_ =	swait.ge [sflag:s22], $0x6400  }
0x5b: {  	s29 =	simm.s32 $0x640;
	[sflag:s22] =	ssyncset.done $0x0  }
0x5c: {  	s0 =	sadd.s32 $0x1900, s9;
	s14 =	sadd.s32 $0xC80, s9;
	[sflag:s22] =	ssyncadd.s32 $0xFFFF9C00  }
.LBB2_2:
0x5d: {  	[hbm4b:s14+s3] =	stream.linear.scatter [tilespmem:s21], [sflag:$0x4], $0x6400, $0x38;
	[tilespmem:$0xDC00] =	vst v63  }
0x5e: {  	s14 =	smov.u32 s29  }
0x5f: {  	p0 =	sne.s32 s29, $0x3E80;
	s29 =	sadd.s32 $0x640, s29;
	_ =	swait.ge [sflag:s24], $0x6400  }
0x60: {  	s14 =	sshra.s32 s14, $0x2;
	[sflag:s24] =	ssyncset.done $0x0  }
0x61: {  	s16 =	sadd.s32 $0x258, s14;
	[sflag:s24] =	ssyncadd.s32 $0xFFFF9C00  }
0x62: {  	[tilespmem:s21], [sflag:$0x2] =	stream.indirect.gather [hbm4b:s1+s11], $0x80, s16, s11, $0xb8;
	[tilespmem:$0xDC00] =	vst v63  }
0x63: {  	s16 =	sadd.s32 $0x280, s14  }
0x64: {  	[tilespmem:s23], [sflag:$0x2] =	stream.indirect.gather [hbm4b:s1+s11], $0x80, s16, s11, $0xb8;
	[tilespmem:$0xDC00] =	vst v63  }
0x65: {  	s16 =	sadd.s32 $0x2A8, s14  }
0x66: {  	[tilespmem:s25], [sflag:$0x2] =	stream.indirect.gather [hbm4b:s1+s11], $0x80, s16, s11, $0xb8;
	[tilespmem:$0xDC00] =	vst v63  }
0x67: {  	s16 =	sadd.s32 $0x2D0, s14  }
0x68: {  	[tilespmem:s28], [sflag:$0x2] =	stream.indirect.gather [hbm4b:s1+s11], $0x80, s16, s11, $0xb8;
	[tilespmem:$0xDC00] =	vst v63  }
0x69: {  	s16 =	sadd.s32 $0x2F8, s14  }
0x6a: {  	[tilespmem:s30], [sflag:$0x2] =	stream.indirect.gather [hbm4b:s1+s11], $0x80, s16, s11, $0xb8;
	[tilespmem:$0xDC00] =	vst v63  }
0x6b: {  	_ =	swait.ge [sflag:s31], $0x6400  }
0x6c: {  	[sflag:s31] =	ssyncset.done $0x0  }
0x6d: {  	[sflag:s31] =	ssyncadd.s32 $0xFFFF9C00  }
0x6e: {  	[hbm4b:s0+s3] =	stream.linear.scatter [tilespmem:s12], [sflag:$0x3], $0x6400, $0x38;
	[tilespmem:$0xDC00] =	vst v63  }
0x6f: {  	_ =	swait.ge [sflag:s2], $0x6400  }
0x70: {  	[sflag:s2] =	ssyncset.done $0x0  }
0x71: {  	s16 =	sadd.s32 $0x320, s14;
	[sflag:s2] =	ssyncadd.s32 $0xFFFF9C00  }
0x72: {  	[tilespmem:s12], [sflag:$0x1] =	stream.indirect.gather [hbm4b:s1+s11], $0x80, s16, s11, $0xb8;
	[tilespmem:$0xDC00] =	vst v63  }
0x73: {  	s16 =	sadd.s32 $0x348, s14  }
0x74: {  	[tilespmem:s13], [sflag:$0x1] =	stream.indirect.gather [hbm4b:s1+s11], $0x80, s16, s11, $0xb8;
	[tilespmem:$0xDC00] =	vst v63  }
0x75: {  	s16 =	sadd.s32 $0x370, s14  }
0x76: {  	[tilespmem:s15], [sflag:$0x1] =	stream.indirect.gather [hbm4b:s1+s11], $0x80, s16, s11, $0xb8;
	[tilespmem:$0xDC00] =	vst v63  }
0x77: {  	s16 =	sadd.s32 $0x398, s14  }
0x78: {  	[tilespmem:s17], [sflag:$0x1] =	stream.indirect.gather [hbm4b:s1+s11], $0x80, s16, s11, $0xb8;
	[tilespmem:$0xDC00] =	vst v63  }
.Ltmp0:
0x79: {  	s14 =	sadd.s32 $0x3C0, s14;
	(pc) =	sbr.rel @p0 .LBB2_2-.Ltmp0, $4  }
0x7a: {  	[tilespmem:s19], [sflag:$0x1] =	stream.indirect.gather [hbm4b:s1+s11], $0x80, s14, s11, $0xb8;
	[tilespmem:$0xDC00] =	vst v63  }
0x7b: {  	_ =	swait.ge [sflag:s22], $0x6400  }
0x7c: {  	[sflag:s22] =	ssyncset.done $0x0  }
0x7d: {  	s14 =	sadd.s32 $0xC80, s0;
	s0 =	sadd.s32 $0x1900, s0;
	[sflag:s22] =	ssyncadd.s32 $0xFFFF9C00  }
0x7e: {  	[hbm4b:s14+s3] =	stream.linear.scatter [tilespmem:s21], [sflag:$0x4], $0x6400, $0x38;
	[tilespmem:$0xDC00] =	vst v63  }
0x7f: {  	_ =	swait.ge [sflag:s31], $0x6400  }
0x80: {  	[sflag:s31] =	ssyncset.done $0x0  }
0x81: {  	s26 =	sadd.s32 $0x1, s26;
	[sflag:s31] =	ssyncadd.s32 $0xFFFF9C00  }
0x82: {  	[hbm4b:s5+s3] =	stream.linear.scatter [tilespmem:s12], [sflag:$0x3], $0x6400, $0x38;
	[tilespmem:$0xDC00] =	vst v63  }
0x83: {  	p0 =	sne.s32 s26, s7;
	_ =	swait.ge [sflag:s2], $0x6400  }
.Ltmp1:
0x84: {  	[sflag:s2] =	ssyncset.done $0x0;
	(pc) =	sbr.rel @p0 .LBB2_1-.Ltmp1, $4  }
0x85: {  	[sflag:s2] =	ssyncadd.s32 $0xFFFF9C00  }
0x86: {  	_ =	swait.ge [sflag:s24], $0x6400  }
0x87: {  	[sflag:s24] =	ssyncset.done $0x0  }
0x88: {  	[sflag:s24] =	ssyncadd.s32 $0xFFFF9C00  }
0x89: {  	_ =	sfence.sel $0x180000  }
0x8a: {  	[bflag:$0x0] =	sbarrier.arrive $0xFFFF  }
0x8b: {  	_ =	strace $0x9000004A  }
0x8c: {  	s0 =	stileid.u32;
	[bflag:$0x2] =	sbarrier.arrive $0xFFFF  }
0x8d: {  	p0 =	sne.s32 s0, $0x0;
	s0 =	rddreg [dreg:$0x3]  }
0x8e: {  	s0 =	sadd.s32 @!p0 $0x100000, s0  }
0x8f: {  	[sflag:s0] =	ssyncadd.tile.s32 @!p0 $0x1;
	_ =	shalt  }
.Lfunc_end2:
_tile_overlayer_lowered:
.L_overlay_start_2:
0x90: {  	(tag) =	ssettag $0x2  }
0x91: {  	s0 =	rddreg [dreg:$0x0];
	s2 =	stileid.u32  }
0x92: {  	s1 =	rddreg [dreg:$0x1];
	p0 =	sne.s32 s2, $0x0  }
0x93: {  	s3 =	rddreg [dreg:$0x2];
	[bflag:$0x3] =	sbarrier.arrive $0xFFFF;
	s2 =	simm.s32 @!p0 $0x1C05  }
0x94: {  	[timem:s3], [sflag:s2] =	dma.local @!p0 [hbm:s0], s1  }
0x95: {  	s0 =	simm.s32 @!p0 $0x5  }
0x96: {  	_ =	swait.ge @!p0 [sflag:s0], s1  }
0x97: {  	s1 =	ssub.s32 @!p0 $0x0, s1;
	[sflag:s0] =	ssyncset.done @!p0 $0x0  }
0x98: {  	[sflag:s0] =	ssyncadd.s32 @!p0 s1  }
0x99: {  	[bflag:$0x3] =	sbarrier.arrive $0xFFFF  }
0x9a: {  	_ =	shalt  }

</sc_bundles>
